<compile_context>
chip_gen: v7x
topology: tpu7x:2x2x1
jax: 0.10.2.dev20260603
libtpu: 0.0.44.dev20260713+nightly
codegen_flags: <defaults>
</compile_context>

<pallas_src>
import functools

import jax
import jax.numpy as jnp
from jax import lax
from jax.experimental import pallas as pl
from jax.experimental.pallas import tpu as pltpu
from jax.experimental.pallas import tpu_sc as plsc

N = 10000
D = 128
A = 6
E = 320000
NC, NS = 2, 16
NW = NC * NS
CH = 128
CHUNKS = 80
EPW = CH * CHUNKS
E_PAD = EPW * NW
DUMP = N
N_ACC = N + 112
RPT = N_ACC // NS
DEG_W = 16
BLK = 400
GRID = N // BLK

_MESH = plsc.VectorSubcoreMesh(core_axis_name="c", subcore_axis_name="s")


@functools.partial(
    pl.kernel,
    out_type=jax.ShapeDtypeStruct((NC, N_ACC, DEG_W), jnp.float32),
    mesh=_MESH,
    scratch_types=[
        pltpu.VMEM((CHUNKS, CH), jnp.int32),
        pltpu.VMEM((CH, DEG_W), jnp.float32),
        pltpu.VMEM_SHARED((N_ACC, DEG_W), jnp.float32),
    ],
    compiler_params=pltpu.CompilerParams(use_tc_tiling_on_sc=False),
)
def _sc_degree(dst_hbm, ones_hbm, zz_hbm, out_hbm, dst_v, ones_v, acc_sh):
    c = lax.axis_index("c")
    s = lax.axis_index("s")
    wid = s * NC + c
    pltpu.sync_copy(dst_hbm.at[wid], dst_v)
    pltpu.sync_copy(ones_hbm, ones_v)
    pltpu.sync_copy(zz_hbm, acc_sh.at[pl.ds(s * RPT, RPT)])
    plsc.subcore_barrier()

    def step(j, carry):
        pltpu.sync_copy(ones_v, acc_sh.at[dst_v.at[j]], add=True)
        return carry

    lax.fori_loop(0, CHUNKS, step, 0, unroll=False)
    plsc.subcore_barrier()
    pltpu.sync_copy(acc_sh.at[pl.ds(s * RPT, RPT)],
                    out_hbm.at[c, pl.ds(s * RPT, RPT)])


NBUF = 5
PRE = 3


@functools.partial(
    pl.kernel,
    out_type=jax.ShapeDtypeStruct((NC, N_ACC, D), jnp.bfloat16),
    mesh=_MESH,
    scratch_types=[
        pltpu.VMEM((CHUNKS, CH), jnp.int32),
        pltpu.VMEM((CHUNKS, CH), jnp.int32),
        pltpu.VMEM((NBUF, CH, D), jnp.bfloat16),
    ] + [pltpu.SemaphoreType.DMA] * (2 * NBUF) + [
        pltpu.VMEM_SHARED((N_ACC, D), jnp.bfloat16),
    ],
    compiler_params=pltpu.CompilerParams(use_tc_tiling_on_sc=False),
)
def _sc_propagate(hp_hbm, src_hbm, dst_hbm, zz_hbm, out_hbm,
                  src_v, dst_v, rows_v,
                  g0, g1, g2, g3, g4, s0, s1, s2, s3, s4, acc_sh):
    gsems = (g0, g1, g2, g3, g4)
    ssems = (s0, s1, s2, s3, s4)
    c = lax.axis_index("c")
    s = lax.axis_index("s")
    wid = s * NC + c
    pltpu.sync_copy(src_hbm.at[wid], src_v)
    pltpu.sync_copy(dst_hbm.at[wid], dst_v)
    pltpu.sync_copy(zz_hbm, acc_sh.at[pl.ds(s * RPT, RPT)])
    plsc.subcore_barrier()

    def gather(j, b):
        pltpu.async_copy(hp_hbm.at[src_v.at[j]], rows_v.at[b], gsems[b])

    def wait_gather(b):
        pltpu.make_async_copy(hp_hbm.at[src_v.at[0]],
                              rows_v.at[b], gsems[b]).wait()

    def scatter(j, b):
        pltpu.async_copy(rows_v.at[b], acc_sh.at[dst_v.at[j]], ssems[b],
                         add=True)

    def wait_scatter(b):
        pltpu.make_async_copy(rows_v.at[b], acc_sh.at[dst_v.at[0]],
                              ssems[b]).wait()

    for b in range(PRE):
        gather(b, b)

    def group(g, carry):
        for b in range(NBUF):
            j = g * NBUF + b
            wait_gather(b)
            scatter(j, b)
            bg = (b + PRE) % NBUF

            @pl.when(j >= NBUF - PRE)
            def _():
                wait_scatter(bg)

            @pl.when(j + PRE < CHUNKS)
            def _():
                gather(j + PRE, bg)
        return carry

    lax.fori_loop(0, CHUNKS // NBUF, group, 0, unroll=False)
    for j in range(CHUNKS - NBUF + PRE, CHUNKS):
        wait_scatter(j % NBUF)
    plsc.subcore_barrier()
    pltpu.sync_copy(acc_sh.at[pl.ds(s * RPT, RPT)],
                    out_hbm.at[c, pl.ds(s * RPT, RPT)])


def _tc_in_body(x_ref, w_ref, d0_ref, d1_ref, hp_ref, hb_ref, dinv_ref):
    deg = d0_ref[0, :, :1] + d1_ref[0, :, :1] + 1.0
    dinv = lax.rsqrt(deg)
    h = jnp.dot(x_ref[...], w_ref[...], preferred_element_type=jnp.float32,
                   precision=lax.Precision.HIGHEST)
    hp = h * dinv
    hp_ref[...] = hp
    hb_ref[...] = hp.astype(jnp.bfloat16)
    dinv_ref[...] = dinv


_tc_input = pl.pallas_call(
    _tc_in_body,
    grid=(GRID,),
    in_specs=[
        pl.BlockSpec((BLK, D), lambda i: (i, 0)),
        pl.BlockSpec((D, D), lambda i: (0, 0)),
        pl.BlockSpec((1, BLK, DEG_W), lambda i: (0, i, 0)),
        pl.BlockSpec((1, BLK, DEG_W), lambda i: (1, i, 0)),
    ],
    out_specs=[
        pl.BlockSpec((BLK, D), lambda i: (i, 0)),
        pl.BlockSpec((BLK, D), lambda i: (i, 0)),
        pl.BlockSpec((BLK, 1), lambda i: (i, 0)),
    ],
    out_shape=[
        jax.ShapeDtypeStruct((N, D), jnp.float32),
        jax.ShapeDtypeStruct((N, D), jnp.bfloat16),
        jax.ShapeDtypeStruct((N, 1), jnp.float32),
    ],
)


def _tc_mid_body(p_ref, hp_ref, dinv_ref, b_ref, w_ref, out_ref, ob_ref):
    s = (p_ref[0].astype(jnp.float32) + p_ref[1].astype(jnp.float32)
         + hp_ref[...])
    dinv = dinv_ref[...]
    t = jnp.maximum(s * dinv + b_ref[...], 0.0)
    o = jnp.dot(t, w_ref[...],
                preferred_element_type=jnp.float32,
                precision=lax.Precision.HIGHEST) * dinv
    out_ref[...] = o
    ob_ref[...] = o.astype(jnp.bfloat16)


_tc_mid = pl.pallas_call(
    _tc_mid_body,
    grid=(GRID,),
    in_specs=[
        pl.BlockSpec((NC, BLK, D), lambda i: (0, i, 0)),
        pl.BlockSpec((BLK, D), lambda i: (i, 0)),
        pl.BlockSpec((BLK, 1), lambda i: (i, 0)),
        pl.BlockSpec((1, D), lambda i: (0, 0)),
        pl.BlockSpec((D, D), lambda i: (0, 0)),
    ],
    out_specs=[
        pl.BlockSpec((BLK, D), lambda i: (i, 0)),
        pl.BlockSpec((BLK, D), lambda i: (i, 0)),
    ],
    out_shape=[
        jax.ShapeDtypeStruct((N, D), jnp.float32),
        jax.ShapeDtypeStruct((N, D), jnp.bfloat16),
    ],
)


def _tc_head_body(p_ref, hp_ref, dinv_ref, b3_ref,
                  wp1_ref, bp1_ref, wp2_ref, bp2_ref,
                  wv1_ref, bv1_ref, wv2_ref, bv2_ref,
                  lo_ref, vo_ref, acc_ref):
    i = pl.program_id(0)
    s = (p_ref[0].astype(jnp.float32) + p_ref[1].astype(jnp.float32)
         + hp_ref[...])
    t = s * dinv_ref[...] + b3_ref[...]
    csum = jnp.sum(t, axis=0, keepdims=True)

    @pl.when(i == 0)
    def _():
        acc_ref[...] = csum

    @pl.when(i > 0)
    def _():
        acc_ref[...] += csum

    @pl.when(i == GRID - 1)
    def _():
        g = acc_ref[...] * (1.0 / N)
        hp_pol = jnp.maximum(
            jnp.dot(g, wp1_ref[...], preferred_element_type=jnp.float32,
                   precision=lax.Precision.HIGHEST)
            + bp1_ref[...], 0.0)
        lo_ref[...] = jnp.dot(hp_pol, wp2_ref[...],
                              preferred_element_type=jnp.float32,
                   precision=lax.Precision.HIGHEST) + bp2_ref[...]
        hp_val = jnp.maximum(
            jnp.dot(g, wv1_ref[...], preferred_element_type=jnp.float32,
                   precision=lax.Precision.HIGHEST)
            + bv1_ref[...], 0.0)
        vo_ref[...] = jnp.dot(hp_val, wv2_ref[...],
                              preferred_element_type=jnp.float32,
                   precision=lax.Precision.HIGHEST) + bv2_ref[...]


_tc_head = pl.pallas_call(
    _tc_head_body,
    grid=(GRID,),
    in_specs=[
        pl.BlockSpec((NC, BLK, D), lambda i: (0, i, 0)),
        pl.BlockSpec((BLK, D), lambda i: (i, 0)),
        pl.BlockSpec((BLK, 1), lambda i: (i, 0)),
        pl.BlockSpec((1, D), lambda i: (0, 0)),
        pl.BlockSpec((D, D), lambda i: (0, 0)),
        pl.BlockSpec((1, D), lambda i: (0, 0)),
        pl.BlockSpec((D, D), lambda i: (0, 0)),
        pl.BlockSpec((1, D), lambda i: (0, 0)),
        pl.BlockSpec((D, D), lambda i: (0, 0)),
        pl.BlockSpec((1, D), lambda i: (0, 0)),
        pl.BlockSpec((D, D), lambda i: (0, 0)),
        pl.BlockSpec((1, D), lambda i: (0, 0)),
    ],
    out_specs=[
        pl.BlockSpec((1, D), lambda i: (0, 0)),
        pl.BlockSpec((1, D), lambda i: (0, 0)),
    ],
    out_shape=[
        jax.ShapeDtypeStruct((1, D), jnp.float32),
        jax.ShapeDtypeStruct((1, D), jnp.float32),
    ],
    scratch_shapes=[pltpu.VMEM((1, D), jnp.float32)],
)


def kernel(x, edge_index, W1, b1, W2, b2, W3, b3,
           Wp1, bp1, Wp2, bp2, Wv1, bv1, Wv2, bv2):
    src = edge_index[0]
    dst = edge_index[1]
    pad = E_PAD - E
    srcp = jnp.concatenate(
        [src, jnp.zeros((pad,), jnp.int32)]
    ).reshape(CH, NW, CHUNKS).transpose(1, 2, 0)
    dstp = jnp.concatenate(
        [dst, jnp.full((pad,), DUMP, jnp.int32)]
    ).reshape(CH, NW, CHUNKS).transpose(1, 2, 0)
    zz = jnp.zeros((RPT, D), jnp.bfloat16)
    zz16 = jnp.zeros((RPT, DEG_W), jnp.float32)
    ones16 = jnp.ones((CH, DEG_W), jnp.float32)

    degp = _sc_degree(dstp, ones16, zz16)
    hp1, hb1, dinv = _tc_input(x, W1, degp, degp)
    p1 = _sc_propagate(hb1, srcp, dstp, zz)
    hp2, hb2 = _tc_mid(p1, hp1, dinv, b1.reshape(1, D), W2)
    p2 = _sc_propagate(hb2, srcp, dstp, zz)
    hp3, hb3 = _tc_mid(p2, hp2, dinv, b2.reshape(1, D), W3)
    p3 = _sc_propagate(hb3, srcp, dstp, zz)

    wp2p = jnp.zeros((D, D), jnp.float32).at[:, :A].set(Wp2)
    bp2p = jnp.zeros((1, D), jnp.float32).at[0, :A].set(bp2)
    wv2p = jnp.zeros((D, D), jnp.float32).at[:, :1].set(Wv2)
    bv2p = jnp.zeros((1, D), jnp.float32).at[0, :1].set(bv2)
    logits, value = _tc_head(
        p3, hp3, dinv, b3.reshape(1, D),
        Wp1, bp1.reshape(1, D), wp2p, bp2p,
        Wv1, bv1.reshape(1, D), wv2p, bv2p)
    return logits[:, :A], value[:, :1]

# --- scband reference (transcript-rebuilt; emitter-appended) ---
"""Pipeline reference for scband-gcnrouting-policy-90898687852763 (READ-ONLY COPY).

The authoritative reference and input builder live on the scoring server;
editing this copy changes nothing except your own understanding.
"""

import jax, jax.numpy as jnp
import numpy as np

N = 10000
E = 320000
D = 128
H = 128
A = 6


def _lin(key, fan_in, fan_out):
    return jax.random.normal(key, (fan_in, fan_out), dtype=jnp.float32) * (1.0 / np.sqrt(fan_in))


def setup_inputs(seed: int = 0) -> dict:
    key = jax.random.key(seed)
    ks = jax.random.split(key, 20)
    x = jax.random.normal(ks[0], (N, D), dtype=jnp.float32)
    edge_index = jax.random.randint(ks[1], (2, E), 0, N, dtype=jnp.int32)
    inp = {
        'x': x,
        'edge_index': edge_index,
        'W1': _lin(ks[2], D, H), 'b1': jnp.zeros((H,), jnp.float32),
        'W2': _lin(ks[3], H, H), 'b2': jnp.zeros((H,), jnp.float32),
        'W3': _lin(ks[4], H, H), 'b3': jnp.zeros((H,), jnp.float32),
        'Wp1': _lin(ks[5], H, H), 'bp1': jnp.zeros((H,), jnp.float32),
        'Wp2': _lin(ks[6], H, A), 'bp2': jnp.zeros((A,), jnp.float32),
        'Wv1': _lin(ks[7], H, H), 'bv1': jnp.zeros((H,), jnp.float32),
        'Wv2': _lin(ks[8], H, 1), 'bv2': jnp.zeros((1,), jnp.float32),
    }
    return inp


def _gcn_conv(x, edge_index, W, b):
    # GCNConv: add self-loops, symmetric normalization D^-1/2 A D^-1/2, then x @ W + b
    n = x.shape[0]
    loop = jnp.arange(n, dtype=edge_index.dtype)
    src = jnp.concatenate([edge_index[0], loop])
    dst = jnp.concatenate([edge_index[1], loop])
    deg = jnp.zeros((n,), jnp.float32).at[dst].add(1.0)
    dinv = jnp.where(deg > 0, deg ** -0.5, 0.0)
    norm = dinv[src] * dinv[dst]
    h = x @ W
    msg = h[src] * norm[:, None]
    out = jnp.zeros_like(h).at[dst].add(msg)
    return out + b


def reference(x, edge_index, W1, b1, W2, b2, W3, b3, Wp1, bp1, Wp2, bp2, Wv1, bv1, Wv2, bv2):
    h = _gcn_conv(x, edge_index, W1, b1)
    h = jax.nn.relu(h)  # dropout is identity in eval mode
    h = _gcn_conv(h, edge_index, W2, b2)
    h = jax.nn.relu(h)
    h = _gcn_conv(h, edge_index, W3, b3)
    # no batch attribute -> mean over all nodes, keepdim
    g = h.mean(axis=0, keepdims=True)
    # current_node_idx is None -> combined = graph_embedding
    action_logits = jax.nn.relu(g @ Wp1 + bp1) @ Wp2 + bp2
    value = jax.nn.relu(g @ Wv1 + bv1) @ Wv2 + bv2
    return (action_logits, value)

if __name__ == "__main__":
    import jax
    _d = setup_inputs()
    print(jax.jit(kernel)(*tuple(_d.values())))

</pallas_src>

<mosaic_0001>
#map = affine_map<(d0, d1) -> (0, 0, 0)>
#map1 = affine_map<(d0, d1) -> (0, 0)>
module attributes {stable_mosaic.version = 14 : i64} {
  func.func @_sc_degree(%arg0: i32, %arg1: i32, %arg2: memref<32x80x128xi32, #tpu.memory_space<hbm>>, %arg3: memref<128x16xf32, #tpu.memory_space<hbm>>, %arg4: memref<632x16xf32, #tpu.memory_space<hbm>>, %arg5: memref<2x10112x16xf32, #tpu.memory_space<hbm>>, %arg6: memref<80x128xi32, #tpu.memory_space<vmem>>, %arg7: memref<128x16xf32, #tpu.memory_space<vmem>>, %arg8: memref<10112x16xf32, #tpu.memory_space<vmem_shared>>) attributes {dimension_semantics = [#tpu.dimension_semantics<core_parallel>, #tpu.dimension_semantics<subcore_parallel>], iteration_bounds = array<i64: 2, 16>, scalar_prefetch = 0 : i64, scratch_operands = 3 : i64, tpu.core_type = #tpu.core_type<sc_vector_subcore>, window_params = [{transform_indices = #map}, {transform_indices = #map1}, {transform_indices = #map1}, {transform_indices = #map}]} {
    %mul3A = arith.constant 2 : i32
    %mul3A_0 = arith.muli %arg1, %mul3A : i32
    %add3A = arith.addi %mul3A_0, %arg0 : i32
    "tpu.region"() ({
      %run_scoped3A = tpu.sem_alloc : memref<!tpu.dma_semaphore, #tpu.memory_space<semaphore_mem>>
      %dma_start3A = arith.constant 0 : i32
      %dma_start3A_13 = arith.constant 0 : i32
      %dma_start3A_14 = tpu.memref_slice %arg2[%add3A, %dma_start3A, %dma_start3A_13] : memref<32x80x128xi32, #tpu.memory_space<hbm>> -> memref<1x80x128xi32, #tpu.memory_space<hbm>>
      %dma_start3A_15 = tpu.memref_squeeze %dma_start3A_14 : memref<1x80x128xi32, #tpu.memory_space<hbm>> -> memref<80x128xi32, #tpu.memory_space<hbm>>
      %dma_start3A_16 = arith.constant 0 : i32
      %dma_start3A_17 = arith.constant 0 : i32
      %dma_start3A_18 = tpu.memref_slice %arg2[%add3A, %dma_start3A_16, %dma_start3A_17] : memref<32x80x128xi32, #tpu.memory_space<hbm>> -> memref<1x80x128xi32, #tpu.memory_space<hbm>>
      %dma_start3A_19 = tpu.memref_squeeze %dma_start3A_18 : memref<1x80x128xi32, #tpu.memory_space<hbm>> -> memref<80x128xi32, #tpu.memory_space<hbm>>
      tpu.enqueue_dma source(%dma_start3A_19 : memref<80x128xi32, #tpu.memory_space<hbm>>) target(%arg6 : memref<80x128xi32, #tpu.memory_space<vmem>>) target_semaphore(%run_scoped3A : memref<!tpu.dma_semaphore, #tpu.memory_space<semaphore_mem>>)
      %dma_wait3A = arith.constant 0 : i32
      %dma_wait3A_20 = arith.constant 0 : i32
      %dma_wait3A_21 = tpu.memref_slice %arg2[%add3A, %dma_wait3A, %dma_wait3A_20] : memref<32x80x128xi32, #tpu.memory_space<hbm>> -> memref<1x80x128xi32, #tpu.memory_space<hbm>>
      %dma_wait3A_22 = tpu.memref_squeeze %dma_wait3A_21 : memref<1x80x128xi32, #tpu.memory_space<hbm>> -> memref<80x128xi32, #tpu.memory_space<hbm>>
      %dma_wait3A_23 = arith.constant 0 : i32
      %dma_wait3A_24 = arith.constant 0 : i32
      %dma_wait3A_25 = tpu.memref_slice %arg2[%add3A, %dma_wait3A_23, %dma_wait3A_24] : memref<32x80x128xi32, #tpu.memory_space<hbm>> -> memref<1x80x128xi32, #tpu.memory_space<hbm>>
      %dma_wait3A_26 = tpu.memref_squeeze %dma_wait3A_25 : memref<1x80x128xi32, #tpu.memory_space<hbm>> -> memref<80x128xi32, #tpu.memory_space<hbm>>
      tpu.wait_dma2 semaphore(%run_scoped3A : memref<!tpu.dma_semaphore, #tpu.memory_space<semaphore_mem>>) src(%dma_wait3A_26 : memref<80x128xi32, #tpu.memory_space<hbm>>) dst(%arg6 : memref<80x128xi32, #tpu.memory_space<vmem>>)
      tpu.yield
    }) : () -> ()
    "tpu.region"() ({
      %run_scoped3A = tpu.sem_alloc : memref<!tpu.dma_semaphore, #tpu.memory_space<semaphore_mem>>
      tpu.enqueue_dma source(%arg3 : memref<128x16xf32, #tpu.memory_space<hbm>>) target(%arg7 : memref<128x16xf32, #tpu.memory_space<vmem>>) target_semaphore(%run_scoped3A : memref<!tpu.dma_semaphore, #tpu.memory_space<semaphore_mem>>)
      tpu.wait_dma2 semaphore(%run_scoped3A : memref<!tpu.dma_semaphore, #tpu.memory_space<semaphore_mem>>) src(%arg3 : memref<128x16xf32, #tpu.memory_space<hbm>>) dst(%arg7 : memref<128x16xf32, #tpu.memory_space<vmem>>)
      tpu.yield
    }) : () -> ()
    %mul3A_1 = arith.constant 632 : i32
    %mul3A_2 = arith.muli %arg1, %mul3A_1 : i32
    "tpu.region"() ({
      %run_scoped3A = tpu.sem_alloc : memref<!tpu.dma_semaphore, #tpu.memory_space<semaphore_mem>>
      %dma_start3A = arith.constant 0 : i32
      %dma_start3A_13 = tpu.memref_slice %arg8[%mul3A_2, %dma_start3A] : memref<10112x16xf32, #tpu.memory_space<vmem_shared>> -> memref<632x16xf32, #tpu.memory_space<vmem_shared>>
      tpu.enqueue_dma source(%arg4 : memref<632x16xf32, #tpu.memory_space<hbm>>) target(%dma_start3A_13 : memref<632x16xf32, #tpu.memory_space<vmem_shared>>) target_semaphore(%run_scoped3A : memref<!tpu.dma_semaphore, #tpu.memory_space<semaphore_mem>>)
      %dma_wait3A = arith.constant 0 : i32
      %dma_wait3A_14 = tpu.memref_slice %arg8[%mul3A_2, %dma_wait3A] : memref<10112x16xf32, #tpu.memory_space<vmem_shared>> -> memref<632x16xf32, #tpu.memory_space<vmem_shared>>
      tpu.wait_dma2 semaphore(%run_scoped3A : memref<!tpu.dma_semaphore, #tpu.memory_space<semaphore_mem>>) src(%arg4 : memref<632x16xf32, #tpu.memory_space<hbm>>) dst(%dma_wait3A_14 : memref<632x16xf32, #tpu.memory_space<vmem_shared>>)
      tpu.yield
    }) : () -> ()
    %barrier3A = arith.constant 0 : index
    tpu.barrier barrier_id(%barrier3A)
    %scan3A = arith.constant 0 : i32
    %scan3A_3 = arith.constant 0 : i32
    %scan3A_4 = arith.constant 80 : i32
    %scan3A_5 = arith.addi %scan3A_3, %scan3A_4 : i32
    %scan3A_6 = arith.constant 1 : i32
    scf.for %scan3A_13 = %scan3A_3 to %scan3A_5 step %scan3A_6  : i32 {
      "tpu.region"() ({
        %run_scoped3A = tpu.sem_alloc : memref<!tpu.dma_semaphore, #tpu.memory_space<semaphore_mem>>
        %dma_start3A = arith.constant 0 : i32
        %dma_start3A_14 = tpu.memref_slice %arg6[%scan3A_13, %dma_start3A] : memref<80x128xi32, #tpu.memory_space<vmem>> -> memref<1x128xi32, #tpu.memory_space<vmem>>
        %dma_start3A_15 = tpu.memref_squeeze %dma_start3A_14 : memref<1x128xi32, #tpu.memory_space<vmem>> -> memref<128xi32, #tpu.memory_space<vmem>>
        %dma_start3A_16 = arith.constant 0 : i32
        %dma_start3A_17 = arith.constant 0 : i32
        %dma_start3A_18 = tpu.memref_slice %arg8[%dma_start3A_16, %dma_start3A_17] : memref<10112x16xf32, #tpu.memory_space<vmem_shared>> -> memref<10112x16xf32, #tpu.memory_space<vmem_shared>>
        tpu.enqueue_indirect_dma source(%arg7 : memref<128x16xf32, #tpu.memory_space<vmem>>) target(%dma_start3A_18 : memref<10112x16xf32, #tpu.memory_space<vmem_shared>>) offsets(%dma_start3A_15 : memref<128xi32, #tpu.memory_space<vmem>>) semaphore(%run_scoped3A : memref<!tpu.dma_semaphore, #tpu.memory_space<semaphore_mem>>) {add = true}
        %dma_wait3A = arith.constant 0 : i32
        %dma_wait3A_19 = tpu.memref_slice %arg6[%scan3A_13, %dma_wait3A] : memref<80x128xi32, #tpu.memory_space<vmem>> -> memref<1x128xi32, #tpu.memory_space<vmem>>
        %dma_wait3A_20 = tpu.memref_squeeze %dma_wait3A_19 : memref<1x128xi32, #tpu.memory_space<vmem>> -> memref<128xi32, #tpu.memory_space<vmem>>
        %dma_wait3A_21 = arith.constant 0 : i32
        %dma_wait3A_22 = arith.constant 0 : i32
        %dma_wait3A_23 = tpu.memref_slice %arg8[%dma_wait3A_21, %dma_wait3A_22] : memref<10112x16xf32, #tpu.memory_space<vmem_shared>> -> memref<10112x16xf32, #tpu.memory_space<vmem_shared>>
        tpu.wait_indirect_dma semaphore(%run_scoped3A : memref<!tpu.dma_semaphore, #tpu.memory_space<semaphore_mem>>) src(%arg7 : memref<128x16xf32, #tpu.memory_space<vmem>>) dst(%dma_wait3A_23 : memref<10112x16xf32, #tpu.memory_space<vmem_shared>>)
        tpu.yield
      }) : () -> ()
    }
    %scan3A_7 = arith.constant 80 : i32
    %barrier3A_8 = arith.constant 0 : index
    tpu.barrier barrier_id(%barrier3A_8)
    %mul3A_9 = arith.constant 632 : i32
    %mul3A_10 = arith.muli %arg1, %mul3A_9 : i32
    %mul3A_11 = arith.constant 632 : i32
    %mul3A_12 = arith.muli %arg1, %mul3A_11 : i32
    "tpu.region"() ({
      %run_scoped3A = tpu.sem_alloc : memref<!tpu.dma_semaphore, #tpu.memory_space<semaphore_mem>>
      %dma_start3A = arith.constant 0 : i32
      %dma_start3A_13 = tpu.memref_slice %arg5[%arg0, %mul3A_12, %dma_start3A] : memref<2x10112x16xf32, #tpu.memory_space<hbm>> -> memref<1x632x16xf32, #tpu.memory_space<hbm>>
      %dma_start3A_14 = tpu.memref_squeeze %dma_start3A_13 : memref<1x632x16xf32, #tpu.memory_space<hbm>> -> memref<632x16xf32, #tpu.memory_space<hbm>>
      %dma_start3A_15 = arith.constant 0 : i32
      %dma_start3A_16 = tpu.memref_slice %arg8[%mul3A_10, %dma_start3A_15] : memref<10112x16xf32, #tpu.memory_space<vmem_shared>> -> memref<632x16xf32, #tpu.memory_space<vmem_shared>>
      tpu.enqueue_dma source(%dma_start3A_16 : memref<632x16xf32, #tpu.memory_space<vmem_shared>>) target(%dma_start3A_14 : memref<632x16xf32, #tpu.memory_space<hbm>>) target_semaphore(%run_scoped3A : memref<!tpu.dma_semaphore, #tpu.memory_space<semaphore_mem>>)
      %dma_wait3A = arith.constant 0 : i32
      %dma_wait3A_17 = tpu.memref_slice %arg5[%arg0, %mul3A_12, %dma_wait3A] : memref<2x10112x16xf32, #tpu.memory_space<hbm>> -> memref<1x632x16xf32, #tpu.memory_space<hbm>>
      %dma_wait3A_18 = tpu.memref_squeeze %dma_wait3A_17 : memref<1x632x16xf32, #tpu.memory_space<hbm>> -> memref<632x16xf32, #tpu.memory_space<hbm>>
      %dma_wait3A_19 = arith.constant 0 : i32
      %dma_wait3A_20 = tpu.memref_slice %arg8[%mul3A_10, %dma_wait3A_19] : memref<10112x16xf32, #tpu.memory_space<vmem_shared>> -> memref<632x16xf32, #tpu.memory_space<vmem_shared>>
      tpu.wait_dma2 semaphore(%run_scoped3A : memref<!tpu.dma_semaphore, #tpu.memory_space<semaphore_mem>>) src(%dma_wait3A_20 : memref<632x16xf32, #tpu.memory_space<vmem_shared>>) dst(%dma_wait3A_18 : memref<632x16xf32, #tpu.memory_space<hbm>>)
      tpu.yield
    }) : () -> ()
    return
  }
}

#map = affine_map<(d0, d1) -> (0, 0)>
#map1 = affine_map<(d0, d1) -> (0, 0, 0)>
module attributes {stable_mosaic.version = 14 : i64} {
  func.func @_sc_propagate(%arg0: i32, %arg1: i32, %arg2: memref<10000x128xbf16, #tpu.memory_space<hbm>>, %arg3: memref<32x80x128xi32, #tpu.memory_space<hbm>>, %arg4: memref<32x80x128xi32, #tpu.memory_space<hbm>>, %arg5: memref<632x128xbf16, #tpu.memory_space<hbm>>, %arg6: memref<2x10112x128xbf16, #tpu.memory_space<hbm>>, %arg7: memref<80x128xi32, #tpu.memory_space<vmem>>, %arg8: memref<80x128xi32, #tpu.memory_space<vmem>>, %arg9: memref<5x128x128xbf16, #tpu.memory_space<vmem>>, %arg10: memref<!tpu.dma_semaphore, #tpu.memory_space<semaphore_mem>>, %arg11: memref<!tpu.dma_semaphore, #tpu.memory_space<semaphore_mem>>, %arg12: memref<!tpu.dma_semaphore, #tpu.memory_space<semaphore_mem>>, %arg13: memref<!tpu.dma_semaphore, #tpu.memory_space<semaphore_mem>>, %arg14: memref<!tpu.dma_semaphore, #tpu.memory_space<semaphore_mem>>, %arg15: memref<!tpu.dma_semaphore, #tpu.memory_space<semaphore_mem>>, %arg16: memref<!tpu.dma_semaphore, #tpu.memory_space<semaphore_mem>>, %arg17: memref<!tpu.dma_semaphore, #tpu.memory_space<semaphore_mem>>, %arg18: memref<!tpu.dma_semaphore, #tpu.memory_space<semaphore_mem>>, %arg19: memref<!tpu.dma_semaphore, #tpu.memory_space<semaphore_mem>>, %arg20: memref<10112x128xbf16, #tpu.memory_space<vmem_shared>>) attributes {dimension_semantics = [#tpu.dimension_semantics<core_parallel>, #tpu.dimension_semantics<subcore_parallel>], iteration_bounds = array<i64: 2, 16>, scalar_prefetch = 0 : i64, scratch_operands = 14 : i64, tpu.core_type = #tpu.core_type<sc_vector_subcore>, window_params = [{transform_indices = #map}, {transform_indices = #map1}, {transform_indices = #map1}, {transform_indices = #map}, {transform_indices = #map1}]} {
    %mul3A = arith.constant 2 : i32
    %mul3A_0 = arith.muli %arg1, %mul3A : i32
    %add3A = arith.addi %mul3A_0, %arg0 : i32
    "tpu.region"() ({
      %run_scoped3A = tpu.sem_alloc : memref<!tpu.dma_semaphore, #tpu.memory_space<semaphore_mem>>
      %dma_start3A_71 = arith.constant 0 : i32
      %dma_start3A_72 = arith.constant 0 : i32
      %dma_start3A_73 = tpu.memref_slice %arg3[%add3A, %dma_start3A_71, %dma_start3A_72] : memref<32x80x128xi32, #tpu.memory_space<hbm>> -> memref<1x80x128xi32, #tpu.memory_space<hbm>>
      %dma_start3A_74 = tpu.memref_squeeze %dma_start3A_73 : memref<1x80x128xi32, #tpu.memory_space<hbm>> -> memref<80x128xi32, #tpu.memory_space<hbm>>
      %dma_start3A_75 = arith.constant 0 : i32
      %dma_start3A_76 = arith.constant 0 : i32
      %dma_start3A_77 = tpu.memref_slice %arg3[%add3A, %dma_start3A_75, %dma_start3A_76] : memref<32x80x128xi32, #tpu.memory_space<hbm>> -> memref<1x80x128xi32, #tpu.memory_space<hbm>>
      %dma_start3A_78 = tpu.memref_squeeze %dma_start3A_77 : memref<1x80x128xi32, #tpu.memory_space<hbm>> -> memref<80x128xi32, #tpu.memory_space<hbm>>
      tpu.enqueue_dma source(%dma_start3A_78 : memref<80x128xi32, #tpu.memory_space<hbm>>) target(%arg7 : memref<80x128xi32, #tpu.memory_space<vmem>>) target_semaphore(%run_scoped3A : memref<!tpu.dma_semaphore, #tpu.memory_space<semaphore_mem>>)
      %dma_wait3A_79 = arith.constant 0 : i32
      %dma_wait3A_80 = arith.constant 0 : i32
      %dma_wait3A_81 = tpu.memref_slice %arg3[%add3A, %dma_wait3A_79, %dma_wait3A_80] : memref<32x80x128xi32, #tpu.memory_space<hbm>> -> memref<1x80x128xi32, #tpu.memory_space<hbm>>
      %dma_wait3A_82 = tpu.memref_squeeze %dma_wait3A_81 : memref<1x80x128xi32, #tpu.memory_space<hbm>> -> memref<80x128xi32, #tpu.memory_space<hbm>>
      %dma_wait3A_83 = arith.constant 0 : i32
      %dma_wait3A_84 = arith.constant 0 : i32
      %dma_wait3A_85 = tpu.memref_slice %arg3[%add3A, %dma_wait3A_83, %dma_wait3A_84] : memref<32x80x128xi32, #tpu.memory_space<hbm>> -> memref<1x80x128xi32, #tpu.memory_space<hbm>>
      %dma_wait3A_86 = tpu.memref_squeeze %dma_wait3A_85 : memref<1x80x128xi32, #tpu.memory_space<hbm>> -> memref<80x128xi32, #tpu.memory_space<hbm>>
      tpu.wait_dma2 semaphore(%run_scoped3A : memref<!tpu.dma_semaphore, #tpu.memory_space<semaphore_mem>>) src(%dma_wait3A_86 : memref<80x128xi32, #tpu.memory_space<hbm>>) dst(%arg7 : memref<80x128xi32, #tpu.memory_space<vmem>>)
      tpu.yield
    }) : () -> ()
    "tpu.region"() ({
      %run_scoped3A = tpu.sem_alloc : memref<!tpu.dma_semaphore, #tpu.memory_space<semaphore_mem>>
      %dma_start3A_71 = arith.constant 0 : i32
      %dma_start3A_72 = arith.constant 0 : i32
      %dma_start3A_73 = tpu.memref_slice %arg4[%add3A, %dma_start3A_71, %dma_start3A_72] : memref<32x80x128xi32, #tpu.memory_space<hbm>> -> memref<1x80x128xi32, #tpu.memory_space<hbm>>
      %dma_start3A_74 = tpu.memref_squeeze %dma_start3A_73 : memref<1x80x128xi32, #tpu.memory_space<hbm>> -> memref<80x128xi32, #tpu.memory_space<hbm>>
      %dma_start3A_75 = arith.constant 0 : i32
      %dma_start3A_76 = arith.constant 0 : i32
      %dma_start3A_77 = tpu.memref_slice %arg4[%add3A, %dma_start3A_75, %dma_start3A_76] : memref<32x80x128xi32, #tpu.memory_space<hbm>> -> memref<1x80x128xi32, #tpu.memory_space<hbm>>
      %dma_start3A_78 = tpu.memref_squeeze %dma_start3A_77 : memref<1x80x128xi32, #tpu.memory_space<hbm>> -> memref<80x128xi32, #tpu.memory_space<hbm>>
      tpu.enqueue_dma source(%dma_start3A_78 : memref<80x128xi32, #tpu.memory_space<hbm>>) target(%arg8 : memref<80x128xi32, #tpu.memory_space<vmem>>) target_semaphore(%run_scoped3A : memref<!tpu.dma_semaphore, #tpu.memory_space<semaphore_mem>>)
      %dma_wait3A_79 = arith.constant 0 : i32
      %dma_wait3A_80 = arith.constant 0 : i32
      %dma_wait3A_81 = tpu.memref_slice %arg4[%add3A, %dma_wait3A_79, %dma_wait3A_80] : memref<32x80x128xi32, #tpu.memory_space<hbm>> -> memref<1x80x128xi32, #tpu.memory_space<hbm>>
      %dma_wait3A_82 = tpu.memref_squeeze %dma_wait3A_81 : memref<1x80x128xi32, #tpu.memory_space<hbm>> -> memref<80x128xi32, #tpu.memory_space<hbm>>
      %dma_wait3A_83 = arith.constant 0 : i32
      %dma_wait3A_84 = arith.constant 0 : i32
      %dma_wait3A_85 = tpu.memref_slice %arg4[%add3A, %dma_wait3A_83, %dma_wait3A_84] : memref<32x80x128xi32, #tpu.memory_space<hbm>> -> memref<1x80x128xi32, #tpu.memory_space<hbm>>
      %dma_wait3A_86 = tpu.memref_squeeze %dma_wait3A_85 : memref<1x80x128xi32, #tpu.memory_space<hbm>> -> memref<80x128xi32, #tpu.memory_space<hbm>>
      tpu.wait_dma2 semaphore(%run_scoped3A : memref<!tpu.dma_semaphore, #tpu.memory_space<semaphore_mem>>) src(%dma_wait3A_86 : memref<80x128xi32, #tpu.memory_space<hbm>>) dst(%arg8 : memref<80x128xi32, #tpu.memory_space<vmem>>)
      tpu.yield
    }) : () -> ()
    %mul3A_1 = arith.constant 632 : i32
    %mul3A_2 = arith.muli %arg1, %mul3A_1 : i32
    "tpu.region"() ({
      %run_scoped3A = tpu.sem_alloc : memref<!tpu.dma_semaphore, #tpu.memory_space<semaphore_mem>>
      %dma_start3A_71 = arith.constant 0 : i32
      %dma_start3A_72 = tpu.memref_slice %arg20[%mul3A_2, %dma_start3A_71] : memref<10112x128xbf16, #tpu.memory_space<vmem_shared>> -> memref<632x128xbf16, #tpu.memory_space<vmem_shared>>
      tpu.enqueue_dma source(%arg5 : memref<632x128xbf16, #tpu.memory_space<hbm>>) target(%dma_start3A_72 : memref<632x128xbf16, #tpu.memory_space<vmem_shared>>) target_semaphore(%run_scoped3A : memref<!tpu.dma_semaphore, #tpu.memory_space<semaphore_mem>>)
      %dma_wait3A_73 = arith.constant 0 : i32
      %dma_wait3A_74 = tpu.memref_slice %arg20[%mul3A_2, %dma_wait3A_73] : memref<10112x128xbf16, #tpu.memory_space<vmem_shared>> -> memref<632x128xbf16, #tpu.memory_space<vmem_shared>>
      tpu.wait_dma2 semaphore(%run_scoped3A : memref<!tpu.dma_semaphore, #tpu.memory_space<semaphore_mem>>) src(%arg5 : memref<632x128xbf16, #tpu.memory_space<hbm>>) dst(%dma_wait3A_74 : memref<632x128xbf16, #tpu.memory_space<vmem_shared>>)
      tpu.yield
    }) : () -> ()
    %barrier3A = arith.constant 0 : index
    tpu.barrier barrier_id(%barrier3A)
    %dma_start3A = arith.constant 0 : i32
    %dma_start3A_3 = arith.constant 0 : i32
    %dma_start3A_4 = arith.constant 0 : i32
    %dma_start3A_5 = arith.constant 0 : i32
    %dma_start3A_6 = tpu.memref_slice %arg9[%dma_start3A_3, %dma_start3A_4, %dma_start3A_5] : memref<5x128x128xbf16, #tpu.memory_space<vmem>> -> memref<1x128x128xbf16, #tpu.memory_space<vmem>>
    %dma_start3A_7 = tpu.memref_squeeze %dma_start3A_6 : memref<1x128x128xbf16, #tpu.memory_space<vmem>> -> memref<128x128xbf16, #tpu.memory_space<vmem>>
    %dma_start3A_8 = arith.constant 0 : i32
    %dma_start3A_9 = tpu.memref_slice %arg7[%dma_start3A, %dma_start3A_8] : memref<80x128xi32, #tpu.memory_space<vmem>> -> memref<1x128xi32, #tpu.memory_space<vmem>>
    %dma_start3A_10 = tpu.memref_squeeze %dma_start3A_9 : memref<1x128xi32, #tpu.memory_space<vmem>> -> memref<128xi32, #tpu.memory_space<vmem>>
    %dma_start3A_11 = arith.constant 0 : i32
    %dma_start3A_12 = arith.constant 0 : i32
    %dma_start3A_13 = tpu.memref_slice %arg2[%dma_start3A_11, %dma_start3A_12] : memref<10000x128xbf16, #tpu.memory_space<hbm>> -> memref<10000x128xbf16, #tpu.memory_space<hbm>>
    tpu.enqueue_indirect_dma source(%dma_start3A_13 : memref<10000x128xbf16, #tpu.memory_space<hbm>>) target(%dma_start3A_7 : memref<128x128xbf16, #tpu.memory_space<vmem>>) offsets(%dma_start3A_10 : memref<128xi32, #tpu.memory_space<vmem>>) semaphore(%arg10 : memref<!tpu.dma_semaphore, #tpu.memory_space<semaphore_mem>>)
    %dma_start3A_14 = arith.constant 1 : i32
    %dma_start3A_15 = arith.constant 1 : i32
    %dma_start3A_16 = arith.constant 0 : i32
    %dma_start3A_17 = arith.constant 0 : i32
    %dma_start3A_18 = tpu.memref_slice %arg9[%dma_start3A_15, %dma_start3A_16, %dma_start3A_17] : memref<5x128x128xbf16, #tpu.memory_space<vmem>> -> memref<1x128x128xbf16, #tpu.memory_space<vmem>>
    %dma_start3A_19 = tpu.memref_squeeze %dma_start3A_18 : memref<1x128x128xbf16, #tpu.memory_space<vmem>> -> memref<128x128xbf16, #tpu.memory_space<vmem>>
    %dma_start3A_20 = arith.constant 0 : i32
    %dma_start3A_21 = tpu.memref_slice %arg7[%dma_start3A_14, %dma_start3A_20] : memref<80x128xi32, #tpu.memory_space<vmem>> -> memref<1x128xi32, #tpu.memory_space<vmem>>
    %dma_start3A_22 = tpu.memref_squeeze %dma_start3A_21 : memref<1x128xi32, #tpu.memory_space<vmem>> -> memref<128xi32, #tpu.memory_space<vmem>>
    %dma_start3A_23 = arith.constant 0 : i32
    %dma_start3A_24 = arith.constant 0 : i32
    %dma_start3A_25 = tpu.memref_slice %arg2[%dma_start3A_23, %dma_start3A_24] : memref<10000x128xbf16, #tpu.memory_space<hbm>> -> memref<10000x128xbf16, #tpu.memory_space<hbm>>
    tpu.enqueue_indirect_dma source(%dma_start3A_25 : memref<10000x128xbf16, #tpu.memory_space<hbm>>) target(%dma_start3A_19 : memref<128x128xbf16, #tpu.memory_space<vmem>>) offsets(%dma_start3A_22 : memref<128xi32, #tpu.memory_space<vmem>>) semaphore(%arg11 : memref<!tpu.dma_semaphore, #tpu.memory_space<semaphore_mem>>)
    %dma_start3A_26 = arith.constant 2 : i32
    %dma_start3A_27 = arith.constant 2 : i32
    %dma_start3A_28 = arith.constant 0 : i32
    %dma_start3A_29 = arith.constant 0 : i32
    %dma_start3A_30 = tpu.memref_slice %arg9[%dma_start3A_27, %dma_start3A_28, %dma_start3A_29] : memref<5x128x128xbf16, #tpu.memory_space<vmem>> -> memref<1x128x128xbf16, #tpu.memory_space<vmem>>
    %dma_start3A_31 = tpu.memref_squeeze %dma_start3A_30 : memref<1x128x128xbf16, #tpu.memory_space<vmem>> -> memref<128x128xbf16, #tpu.memory_space<vmem>>
    %dma_start3A_32 = arith.constant 0 : i32
    %dma_start3A_33 = tpu.memref_slice %arg7[%dma_start3A_26, %dma_start3A_32] : memref<80x128xi32, #tpu.memory_space<vmem>> -> memref<1x128xi32, #tpu.memory_space<vmem>>
    %dma_start3A_34 = tpu.memref_squeeze %dma_start3A_33 : memref<1x128xi32, #tpu.memory_space<vmem>> -> memref<128xi32, #tpu.memory_space<vmem>>
    %dma_start3A_35 = arith.constant 0 : i32
    %dma_start3A_36 = arith.constant 0 : i32
    %dma_start3A_37 = tpu.memref_slice %arg2[%dma_start3A_35, %dma_start3A_36] : memref<10000x128xbf16, #tpu.memory_space<hbm>> -> memref<10000x128xbf16, #tpu.memory_space<hbm>>
    tpu.enqueue_indirect_dma source(%dma_start3A_37 : memref<10000x128xbf16, #tpu.memory_space<hbm>>) target(%dma_start3A_31 : memref<128x128xbf16, #tpu.memory_space<vmem>>) offsets(%dma_start3A_34 : memref<128xi32, #tpu.memory_space<vmem>>) semaphore(%arg12 : memref<!tpu.dma_semaphore, #tpu.memory_space<semaphore_mem>>)
    %scan3A = arith.constant 0 : i32
    %scan3A_38 = arith.constant 0 : i32
    %scan3A_39 = arith.constant 16 : i32
    %scan3A_40 = arith.addi %scan3A_38, %scan3A_39 : i32
    %scan3A_41 = arith.constant 1 : i32
    scf.for %scan3A_71 = %scan3A_38 to %scan3A_40 step %scan3A_41  : i32 {
      %mul3A_72 = arith.constant 5 : i32
      %mul3A_73 = arith.muli %scan3A_71, %mul3A_72 : i32
      %add3A_74 = arith.constant 0 : i32
      %add3A_75 = arith.addi %mul3A_73, %add3A_74 : i32
      %dma_wait3A_76 = arith.constant 0 : i32
      %dma_wait3A_77 = arith.constant 0 : i32
      %dma_wait3A_78 = arith.constant 0 : i32
      %dma_wait3A_79 = arith.constant 0 : i32
      %dma_wait3A_80 = tpu.memref_slice %arg9[%dma_wait3A_77, %dma_wait3A_78, %dma_wait3A_79] : memref<5x128x128xbf16, #tpu.memory_space<vmem>> -> memref<1x128x128xbf16, #tpu.memory_space<vmem>>
      %dma_wait3A_81 = tpu.memref_squeeze %dma_wait3A_80 : memref<1x128x128xbf16, #tpu.memory_space<vmem>> -> memref<128x128xbf16, #tpu.memory_space<vmem>>
      %dma_wait3A_82 = arith.constant 0 : i32
      %dma_wait3A_83 = tpu.memref_slice %arg7[%dma_wait3A_76, %dma_wait3A_82] : memref<80x128xi32, #tpu.memory_space<vmem>> -> memref<1x128xi32, #tpu.memory_space<vmem>>
      %dma_wait3A_84 = tpu.memref_squeeze %dma_wait3A_83 : memref<1x128xi32, #tpu.memory_space<vmem>> -> memref<128xi32, #tpu.memory_space<vmem>>
      %dma_wait3A_85 = arith.constant 0 : i32
      %dma_wait3A_86 = arith.constant 0 : i32
      %dma_wait3A_87 = tpu.memref_slice %arg2[%dma_wait3A_85, %dma_wait3A_86] : memref<10000x128xbf16, #tpu.memory_space<hbm>> -> memref<10000x128xbf16, #tpu.memory_space<hbm>>
      tpu.wait_indirect_dma semaphore(%arg10 : memref<!tpu.dma_semaphore, #tpu.memory_space<semaphore_mem>>) src(%dma_wait3A_87 : memref<10000x128xbf16, #tpu.memory_space<hbm>>) dst(%dma_wait3A_81 : memref<128x128xbf16, #tpu.memory_space<vmem>>)
      %dma_start3A_88 = arith.constant 0 : i32
      %dma_start3A_89 = arith.constant 0 : i32
      %dma_start3A_90 = arith.constant 0 : i32
      %dma_start3A_91 = tpu.memref_slice %arg9[%dma_start3A_88, %dma_start3A_89, %dma_start3A_90] : memref<5x128x128xbf16, #tpu.memory_space<vmem>> -> memref<1x128x128xbf16, #tpu.memory_space<vmem>>
      %dma_start3A_92 = tpu.memref_squeeze %dma_start3A_91 : memref<1x128x128xbf16, #tpu.memory_space<vmem>> -> memref<128x128xbf16, #tpu.memory_space<vmem>>
      %dma_start3A_93 = arith.constant 0 : i32
      %dma_start3A_94 = tpu.memref_slice %arg8[%add3A_75, %dma_start3A_93] : memref<80x128xi32, #tpu.memory_space<vmem>> -> memref<1x128xi32, #tpu.memory_space<vmem>>
      %dma_start3A_95 = tpu.memref_squeeze %dma_start3A_94 : memref<1x128xi32, #tpu.memory_space<vmem>> -> memref<128xi32, #tpu.memory_space<vmem>>
      %dma_start3A_96 = arith.constant 0 : i32
      %dma_start3A_97 = arith.constant 0 : i32
      %dma_start3A_98 = tpu.memref_slice %arg20[%dma_start3A_96, %dma_start3A_97] : memref<10112x128xbf16, #tpu.memory_space<vmem_shared>> -> memref<10112x128xbf16, #tpu.memory_space<vmem_shared>>
      tpu.enqueue_indirect_dma source(%dma_start3A_92 : memref<128x128xbf16, #tpu.memory_space<vmem>>) target(%dma_start3A_98 : memref<10112x128xbf16, #tpu.memory_space<vmem_shared>>) offsets(%dma_start3A_95 : memref<128xi32, #tpu.memory_space<vmem>>) semaphore(%arg15 : memref<!tpu.dma_semaphore, #tpu.memory_space<semaphore_mem>>) {add = true}
      %ge3A = arith.constant 2 : i32
      %ge3A_99 = arith.cmpi sge, %add3A_75, %ge3A : i32
      %convert_element_type3A = arith.extui %ge3A_99 : i1 to i32
      %cond3A = arith.constant 0 : i32
      %cond3A_100 = arith.cmpi ne, %convert_element_type3A, %cond3A : i32
      scf.if %cond3A_100 {
        %dma_wait3A_263 = arith.constant 3 : i32
        %dma_wait3A_264 = arith.constant 0 : i32
        %dma_wait3A_265 = arith.constant 0 : i32
        %dma_wait3A_266 = arith.constant 0 : i32
        %dma_wait3A_267 = tpu.memref_slice %arg9[%dma_wait3A_263, %dma_wait3A_265, %dma_wait3A_266] : memref<5x128x128xbf16, #tpu.memory_space<vmem>> -> memref<1x128x128xbf16, #tpu.memory_space<vmem>>
        %dma_wait3A_268 = tpu.memref_squeeze %dma_wait3A_267 : memref<1x128x128xbf16, #tpu.memory_space<vmem>> -> memref<128x128xbf16, #tpu.memory_space<vmem>>
        %dma_wait3A_269 = arith.constant 0 : i32
        %dma_wait3A_270 = tpu.memref_slice %arg8[%dma_wait3A_264, %dma_wait3A_269] : memref<80x128xi32, #tpu.memory_space<vmem>> -> memref<1x128xi32, #tpu.memory_space<vmem>>
        %dma_wait3A_271 = tpu.memref_squeeze %dma_wait3A_270 : memref<1x128xi32, #tpu.memory_space<vmem>> -> memref<128xi32, #tpu.memory_space<vmem>>
        %dma_wait3A_272 = arith.constant 0 : i32
        %dma_wait3A_273 = arith.constant 0 : i32
        %dma_wait3A_274 = tpu.memref_slice %arg20[%dma_wait3A_272, %dma_wait3A_273] : memref<10112x128xbf16, #tpu.memory_space<vmem_shared>> -> memref<10112x128xbf16, #tpu.memory_space<vmem_shared>>
        tpu.wait_indirect_dma semaphore(%arg18 : memref<!tpu.dma_semaphore, #tpu.memory_space<semaphore_mem>>) src(%dma_wait3A_268 : memref<128x128xbf16, #tpu.memory_space<vmem>>) dst(%dma_wait3A_274 : memref<10112x128xbf16, #tpu.memory_space<vmem_shared>>)
      } else {
      }
      %add3A_101 = arith.constant 3 : i32
      %add3A_102 = arith.addi %add3A_75, %add3A_101 : i32
      %lt3A = arith.constant 80 : i32
      %lt3A_103 = arith.cmpi slt, %add3A_102, %lt3A : i32
      %convert_element_type3A_104 = arith.extui %lt3A_103 : i1 to i32
      %cond3A_105 = arith.constant 0 : i32
      %cond3A_106 = arith.cmpi ne, %convert_element_type3A_104, %cond3A_105 : i32
      scf.if %cond3A_106 {
        %add3A_263 = arith.constant 3 : i32
        %add3A_264 = arith.addi %add3A_75, %add3A_263 : i32
        %dma_start3A_265 = arith.constant 3 : i32
        %dma_start3A_266 = arith.constant 0 : i32
        %dma_start3A_267 = arith.constant 0 : i32
        %dma_start3A_268 = tpu.memref_slice %arg9[%dma_start3A_265, %dma_start3A_266, %dma_start3A_267] : memref<5x128x128xbf16, #tpu.memory_space<vmem>> -> memref<1x128x128xbf16, #tpu.memory_space<vmem>>
        %dma_start3A_269 = tpu.memref_squeeze %dma_start3A_268 : memref<1x128x128xbf16, #tpu.memory_space<vmem>> -> memref<128x128xbf16, #tpu.memory_space<vmem>>
        %dma_start3A_270 = arith.constant 0 : i32
        %dma_start3A_271 = tpu.memref_slice %arg7[%add3A_264, %dma_start3A_270] : memref<80x128xi32, #tpu.memory_space<vmem>> -> memref<1x128xi32, #tpu.memory_space<vmem>>
        %dma_start3A_272 = tpu.memref_squeeze %dma_start3A_271 : memref<1x128xi32, #tpu.memory_space<vmem>> -> memref<128xi32, #tpu.memory_space<vmem>>
        %dma_start3A_273 = arith.constant 0 : i32
        %dma_start3A_274 = arith.constant 0 : i32
        %dma_start3A_275 = tpu.memref_slice %arg2[%dma_start3A_273, %dma_start3A_274] : memref<10000x128xbf16, #tpu.memory_space<hbm>> -> memref<10000x128xbf16, #tpu.memory_space<hbm>>
        tpu.enqueue_indirect_dma source(%dma_start3A_275 : memref<10000x128xbf16, #tpu.memory_space<hbm>>) target(%dma_start3A_269 : memref<128x128xbf16, #tpu.memory_space<vmem>>) offsets(%dma_start3A_272 : memref<128xi32, #tpu.memory_space<vmem>>) semaphore(%arg13 : memref<!tpu.dma_semaphore, #tpu.memory_space<semaphore_mem>>)
      } else {
      }
      %mul3A_107 = arith.constant 5 : i32
      %mul3A_108 = arith.muli %scan3A_71, %mul3A_107 : i32
      %add3A_109 = arith.constant 1 : i32
      %add3A_110 = arith.addi %mul3A_108, %add3A_109 : i32
      %dma_wait3A_111 = arith.constant 0 : i32
      %dma_wait3A_112 = arith.constant 1 : i32
      %dma_wait3A_113 = arith.constant 0 : i32
      %dma_wait3A_114 = arith.constant 0 : i32
      %dma_wait3A_115 = tpu.memref_slice %arg9[%dma_wait3A_112, %dma_wait3A_113, %dma_wait3A_114] : memref<5x128x128xbf16, #tpu.memory_space<vmem>> -> memref<1x128x128xbf16, #tpu.memory_space<vmem>>
      %dma_wait3A_116 = tpu.memref_squeeze %dma_wait3A_115 : memref<1x128x128xbf16, #tpu.memory_space<vmem>> -> memref<128x128xbf16, #tpu.memory_space<vmem>>
      %dma_wait3A_117 = arith.constant 0 : i32
      %dma_wait3A_118 = tpu.memref_slice %arg7[%dma_wait3A_111, %dma_wait3A_117] : memref<80x128xi32, #tpu.memory_space<vmem>> -> memref<1x128xi32, #tpu.memory_space<vmem>>
      %dma_wait3A_119 = tpu.memref_squeeze %dma_wait3A_118 : memref<1x128xi32, #tpu.memory_space<vmem>> -> memref<128xi32, #tpu.memory_space<vmem>>
      %dma_wait3A_120 = arith.constant 0 : i32
      %dma_wait3A_121 = arith.constant 0 : i32
      %dma_wait3A_122 = tpu.memref_slice %arg2[%dma_wait3A_120, %dma_wait3A_121] : memref<10000x128xbf16, #tpu.memory_space<hbm>> -> memref<10000x128xbf16, #tpu.memory_space<hbm>>
      tpu.wait_indirect_dma semaphore(%arg11 : memref<!tpu.dma_semaphore, #tpu.memory_space<semaphore_mem>>) src(%dma_wait3A_122 : memref<10000x128xbf16, #tpu.memory_space<hbm>>) dst(%dma_wait3A_116 : memref<128x128xbf16, #tpu.memory_space<vmem>>)
      %dma_start3A_123 = arith.constant 1 : i32
      %dma_start3A_124 = arith.constant 0 : i32
      %dma_start3A_125 = arith.constant 0 : i32
      %dma_start3A_126 = tpu.memref_slice %arg9[%dma_start3A_123, %dma_start3A_124, %dma_start3A_125] : memref<5x128x128xbf16, #tpu.memory_space<vmem>> -> memref<1x128x128xbf16, #tpu.memory_space<vmem>>
      %dma_start3A_127 = tpu.memref_squeeze %dma_start3A_126 : memref<1x128x128xbf16, #tpu.memory_space<vmem>> -> memref<128x128xbf16, #tpu.memory_space<vmem>>
      %dma_start3A_128 = arith.constant 0 : i32
      %dma_start3A_129 = tpu.memref_slice %arg8[%add3A_110, %dma_start3A_128] : memref<80x128xi32, #tpu.memory_space<vmem>> -> memref<1x128xi32, #tpu.memory_space<vmem>>
      %dma_start3A_130 = tpu.memref_squeeze %dma_start3A_129 : memref<1x128xi32, #tpu.memory_space<vmem>> -> memref<128xi32, #tpu.memory_space<vmem>>
      %dma_start3A_131 = arith.constant 0 : i32
      %dma_start3A_132 = arith.constant 0 : i32
      %dma_start3A_133 = tpu.memref_slice %arg20[%dma_start3A_131, %dma_start3A_132] : memref<10112x128xbf16, #tpu.memory_space<vmem_shared>> -> memref<10112x128xbf16, #tpu.memory_space<vmem_shared>>
      tpu.enqueue_indirect_dma source(%dma_start3A_127 : memref<128x128xbf16, #tpu.memory_space<vmem>>) target(%dma_start3A_133 : memref<10112x128xbf16, #tpu.memory_space<vmem_shared>>) offsets(%dma_start3A_130 : memref<128xi32, #tpu.memory_space<vmem>>) semaphore(%arg16 : memref<!tpu.dma_semaphore, #tpu.memory_space<semaphore_mem>>) {add = true}
      %ge3A_134 = arith.constant 2 : i32
      %ge3A_135 = arith.cmpi sge, %add3A_110, %ge3A_134 : i32
      %convert_element_type3A_136 = arith.extui %ge3A_135 : i1 to i32
      %cond3A_137 = arith.constant 0 : i32
      %cond3A_138 = arith.cmpi ne, %convert_element_type3A_136, %cond3A_137 : i32
      scf.if %cond3A_138 {
        %dma_wait3A_263 = arith.constant 4 : i32
        %dma_wait3A_264 = arith.constant 0 : i32
        %dma_wait3A_265 = arith.constant 0 : i32
        %dma_wait3A_266 = arith.constant 0 : i32
        %dma_wait3A_267 = tpu.memref_slice %arg9[%dma_wait3A_263, %dma_wait3A_265, %dma_wait3A_266] : memref<5x128x128xbf16, #tpu.memory_space<vmem>> -> memref<1x128x128xbf16, #tpu.memory_space<vmem>>
        %dma_wait3A_268 = tpu.memref_squeeze %dma_wait3A_267 : memref<1x128x128xbf16, #tpu.memory_space<vmem>> -> memref<128x128xbf16, #tpu.memory_space<vmem>>
        %dma_wait3A_269 = arith.constant 0 : i32
        %dma_wait3A_270 = tpu.memref_slice %arg8[%dma_wait3A_264, %dma_wait3A_269] : memref<80x128xi32, #tpu.memory_space<vmem>> -> memref<1x128xi32, #tpu.memory_space<vmem>>
        %dma_wait3A_271 = tpu.memref_squeeze %dma_wait3A_270 : memref<1x128xi32, #tpu.memory_space<vmem>> -> memref<128xi32, #tpu.memory_space<vmem>>
        %dma_wait3A_272 = arith.constant 0 : i32
        %dma_wait3A_273 = arith.constant 0 : i32
        %dma_wait3A_274 = tpu.memref_slice %arg20[%dma_wait3A_272, %dma_wait3A_273] : memref<10112x128xbf16, #tpu.memory_space<vmem_shared>> -> memref<10112x128xbf16, #tpu.memory_space<vmem_shared>>
        tpu.wait_indirect_dma semaphore(%arg19 : memref<!tpu.dma_semaphore, #tpu.memory_space<semaphore_mem>>) src(%dma_wait3A_268 : memref<128x128xbf16, #tpu.memory_space<vmem>>) dst(%dma_wait3A_274 : memref<10112x128xbf16, #tpu.memory_space<vmem_shared>>)
      } else {
      }
      %add3A_139 = arith.constant 3 : i32
      %add3A_140 = arith.addi %add3A_110, %add3A_139 : i32
      %lt3A_141 = arith.constant 80 : i32
      %lt3A_142 = arith.cmpi slt, %add3A_140, %lt3A_141 : i32
      %convert_element_type3A_143 = arith.extui %lt3A_142 : i1 to i32
      %cond3A_144 = arith.constant 0 : i32
      %cond3A_145 = arith.cmpi ne, %convert_element_type3A_143, %cond3A_144 : i32
      scf.if %cond3A_145 {
        %add3A_263 = arith.constant 3 : i32
        %add3A_264 = arith.addi %add3A_110, %add3A_263 : i32
        %dma_start3A_265 = arith.constant 4 : i32
        %dma_start3A_266 = arith.constant 0 : i32
        %dma_start3A_267 = arith.constant 0 : i32
        %dma_start3A_268 = tpu.memref_slice %arg9[%dma_start3A_265, %dma_start3A_266, %dma_start3A_267] : memref<5x128x128xbf16, #tpu.memory_space<vmem>> -> memref<1x128x128xbf16, #tpu.memory_space<vmem>>
        %dma_start3A_269 = tpu.memref_squeeze %dma_start3A_268 : memref<1x128x128xbf16, #tpu.memory_space<vmem>> -> memref<128x128xbf16, #tpu.memory_space<vmem>>
        %dma_start3A_270 = arith.constant 0 : i32
        %dma_start3A_271 = tpu.memref_slice %arg7[%add3A_264, %dma_start3A_270] : memref<80x128xi32, #tpu.memory_space<vmem>> -> memref<1x128xi32, #tpu.memory_space<vmem>>
        %dma_start3A_272 = tpu.memref_squeeze %dma_start3A_271 : memref<1x128xi32, #tpu.memory_space<vmem>> -> memref<128xi32, #tpu.memory_space<vmem>>
        %dma_start3A_273 = arith.constant 0 : i32
        %dma_start3A_274 = arith.constant 0 : i32
        %dma_start3A_275 = tpu.memref_slice %arg2[%dma_start3A_273, %dma_start3A_274] : memref<10000x128xbf16, #tpu.memory_space<hbm>> -> memref<10000x128xbf16, #tpu.memory_space<hbm>>
        tpu.enqueue_indirect_dma source(%dma_start3A_275 : memref<10000x128xbf16, #tpu.memory_space<hbm>>) target(%dma_start3A_269 : memref<128x128xbf16, #tpu.memory_space<vmem>>) offsets(%dma_start3A_272 : memref<128xi32, #tpu.memory_space<vmem>>) semaphore(%arg14 : memref<!tpu.dma_semaphore, #tpu.memory_space<semaphore_mem>>)
      } else {
      }
      %mul3A_146 = arith.constant 5 : i32
      %mul3A_147 = arith.muli %scan3A_71, %mul3A_146 : i32
      %add3A_148 = arith.constant 2 : i32
      %add3A_149 = arith.addi %mul3A_147, %add3A_148 : i32
      %dma_wait3A_150 = arith.constant 0 : i32
      %dma_wait3A_151 = arith.constant 2 : i32
      %dma_wait3A_152 = arith.constant 0 : i32
      %dma_wait3A_153 = arith.constant 0 : i32
      %dma_wait3A_154 = tpu.memref_slice %arg9[%dma_wait3A_151, %dma_wait3A_152, %dma_wait3A_153] : memref<5x128x128xbf16, #tpu.memory_space<vmem>> -> memref<1x128x128xbf16, #tpu.memory_space<vmem>>
      %dma_wait3A_155 = tpu.memref_squeeze %dma_wait3A_154 : memref<1x128x128xbf16, #tpu.memory_space<vmem>> -> memref<128x128xbf16, #tpu.memory_space<vmem>>
      %dma_wait3A_156 = arith.constant 0 : i32
      %dma_wait3A_157 = tpu.memref_slice %arg7[%dma_wait3A_150, %dma_wait3A_156] : memref<80x128xi32, #tpu.memory_space<vmem>> -> memref<1x128xi32, #tpu.memory_space<vmem>>
      %dma_wait3A_158 = tpu.memref_squeeze %dma_wait3A_157 : memref<1x128xi32, #tpu.memory_space<vmem>> -> memref<128xi32, #tpu.memory_space<vmem>>
      %dma_wait3A_159 = arith.constant 0 : i32
      %dma_wait3A_160 = arith.constant 0 : i32
      %dma_wait3A_161 = tpu.memref_slice %arg2[%dma_wait3A_159, %dma_wait3A_160] : memref<10000x128xbf16, #tpu.memory_space<hbm>> -> memref<10000x128xbf16, #tpu.memory_space<hbm>>
      tpu.wait_indirect_dma semaphore(%arg12 : memref<!tpu.dma_semaphore, #tpu.memory_space<semaphore_mem>>) src(%dma_wait3A_161 : memref<10000x128xbf16, #tpu.memory_space<hbm>>) dst(%dma_wait3A_155 : memref<128x128xbf16, #tpu.memory_space<vmem>>)
      %dma_start3A_162 = arith.constant 2 : i32
      %dma_start3A_163 = arith.constant 0 : i32
      %dma_start3A_164 = arith.constant 0 : i32
      %dma_start3A_165 = tpu.memref_slice %arg9[%dma_start3A_162, %dma_start3A_163, %dma_start3A_164] : memref<5x128x128xbf16, #tpu.memory_space<vmem>> -> memref<1x128x128xbf16, #tpu.memory_space<vmem>>
      %dma_start3A_166 = tpu.memref_squeeze %dma_start3A_165 : memref<1x128x128xbf16, #tpu.memory_space<vmem>> -> memref<128x128xbf16, #tpu.memory_space<vmem>>
      %dma_start3A_167 = arith.constant 0 : i32
      %dma_start3A_168 = tpu.memref_slice %arg8[%add3A_149, %dma_start3A_167] : memref<80x128xi32, #tpu.memory_space<vmem>> -> memref<1x128xi32, #tpu.memory_space<vmem>>
      %dma_start3A_169 = tpu.memref_squeeze %dma_start3A_168 : memref<1x128xi32, #tpu.memory_space<vmem>> -> memref<128xi32, #tpu.memory_space<vmem>>
      %dma_start3A_170 = arith.constant 0 : i32
      %dma_start3A_171 = arith.constant 0 : i32
      %dma_start3A_172 = tpu.memref_slice %arg20[%dma_start3A_170, %dma_start3A_171] : memref<10112x128xbf16, #tpu.memory_space<vmem_shared>> -> memref<10112x128xbf16, #tpu.memory_space<vmem_shared>>
      tpu.enqueue_indirect_dma source(%dma_start3A_166 : memref<128x128xbf16, #tpu.memory_space<vmem>>) target(%dma_start3A_172 : memref<10112x128xbf16, #tpu.memory_space<vmem_shared>>) offsets(%dma_start3A_169 : memref<128xi32, #tpu.memory_space<vmem>>) semaphore(%arg17 : memref<!tpu.dma_semaphore, #tpu.memory_space<semaphore_mem>>) {add = true}
      %ge3A_173 = arith.constant 2 : i32
      %ge3A_174 = arith.cmpi sge, %add3A_149, %ge3A_173 : i32
      %convert_element_type3A_175 = arith.extui %ge3A_174 : i1 to i32
      %cond3A_176 = arith.constant 0 : i32
      %cond3A_177 = arith.cmpi ne, %convert_element_type3A_175, %cond3A_176 : i32
      scf.if %cond3A_177 {
        %dma_wait3A_263 = arith.constant 0 : i32
        %dma_wait3A_264 = arith.constant 0 : i32
        %dma_wait3A_265 = arith.constant 0 : i32
        %dma_wait3A_266 = arith.constant 0 : i32
        %dma_wait3A_267 = tpu.memref_slice %arg9[%dma_wait3A_263, %dma_wait3A_265, %dma_wait3A_266] : memref<5x128x128xbf16, #tpu.memory_space<vmem>> -> memref<1x128x128xbf16, #tpu.memory_space<vmem>>
        %dma_wait3A_268 = tpu.memref_squeeze %dma_wait3A_267 : memref<1x128x128xbf16, #tpu.memory_space<vmem>> -> memref<128x128xbf16, #tpu.memory_space<vmem>>
        %dma_wait3A_269 = arith.constant 0 : i32
        %dma_wait3A_270 = tpu.memref_slice %arg8[%dma_wait3A_264, %dma_wait3A_269] : memref<80x128xi32, #tpu.memory_space<vmem>> -> memref<1x128xi32, #tpu.memory_space<vmem>>
        %dma_wait3A_271 = tpu.memref_squeeze %dma_wait3A_270 : memref<1x128xi32, #tpu.memory_space<vmem>> -> memref<128xi32, #tpu.memory_space<vmem>>
        %dma_wait3A_272 = arith.constant 0 : i32
        %dma_wait3A_273 = arith.constant 0 : i32
        %dma_wait3A_274 = tpu.memref_slice %arg20[%dma_wait3A_272, %dma_wait3A_273] : memref<10112x128xbf16, #tpu.memory_space<vmem_shared>> -> memref<10112x128xbf16, #tpu.memory_space<vmem_shared>>
        tpu.wait_indirect_dma semaphore(%arg15 : memref<!tpu.dma_semaphore, #tpu.memory_space<semaphore_mem>>) src(%dma_wait3A_268 : memref<128x128xbf16, #tpu.memory_space<vmem>>) dst(%dma_wait3A_274 : memref<10112x128xbf16, #tpu.memory_space<vmem_shared>>)
      } else {
      }
      %add3A_178 = arith.constant 3 : i32
      %add3A_179 = arith.addi %add3A_149, %add3A_178 : i32
      %lt3A_180 = arith.constant 80 : i32
      %lt3A_181 = arith.cmpi slt, %add3A_179, %lt3A_180 : i32
      %convert_element_type3A_182 = arith.extui %lt3A_181 : i1 to i32
      %cond3A_183 = arith.constant 0 : i32
      %cond3A_184 = arith.cmpi ne, %convert_element_type3A_182, %cond3A_183 : i32
      scf.if %cond3A_184 {
        %add3A_263 = arith.constant 3 : i32
        %add3A_264 = arith.addi %add3A_149, %add3A_263 : i32
        %dma_start3A_265 = arith.constant 0 : i32
        %dma_start3A_266 = arith.constant 0 : i32
        %dma_start3A_267 = arith.constant 0 : i32
        %dma_start3A_268 = tpu.memref_slice %arg9[%dma_start3A_265, %dma_start3A_266, %dma_start3A_267] : memref<5x128x128xbf16, #tpu.memory_space<vmem>> -> memref<1x128x128xbf16, #tpu.memory_space<vmem>>
        %dma_start3A_269 = tpu.memref_squeeze %dma_start3A_268 : memref<1x128x128xbf16, #tpu.memory_space<vmem>> -> memref<128x128xbf16, #tpu.memory_space<vmem>>
        %dma_start3A_270 = arith.constant 0 : i32
        %dma_start3A_271 = tpu.memref_slice %arg7[%add3A_264, %dma_start3A_270] : memref<80x128xi32, #tpu.memory_space<vmem>> -> memref<1x128xi32, #tpu.memory_space<vmem>>
        %dma_start3A_272 = tpu.memref_squeeze %dma_start3A_271 : memref<1x128xi32, #tpu.memory_space<vmem>> -> memref<128xi32, #tpu.memory_space<vmem>>
        %dma_start3A_273 = arith.constant 0 : i32
        %dma_start3A_274 = arith.constant 0 : i32
        %dma_start3A_275 = tpu.memref_slice %arg2[%dma_start3A_273, %dma_start3A_274] : memref<10000x128xbf16, #tpu.memory_space<hbm>> -> memref<10000x128xbf16, #tpu.memory_space<hbm>>
        tpu.enqueue_indirect_dma source(%dma_start3A_275 : memref<10000x128xbf16, #tpu.memory_space<hbm>>) target(%dma_start3A_269 : memref<128x128xbf16, #tpu.memory_space<vmem>>) offsets(%dma_start3A_272 : memref<128xi32, #tpu.memory_space<vmem>>) semaphore(%arg10 : memref<!tpu.dma_semaphore, #tpu.memory_space<semaphore_mem>>)
      } else {
      }
      %mul3A_185 = arith.constant 5 : i32
      %mul3A_186 = arith.muli %scan3A_71, %mul3A_185 : i32
      %add3A_187 = arith.constant 3 : i32
      %add3A_188 = arith.addi %mul3A_186, %add3A_187 : i32
      %dma_wait3A_189 = arith.constant 0 : i32
      %dma_wait3A_190 = arith.constant 3 : i32
      %dma_wait3A_191 = arith.constant 0 : i32
      %dma_wait3A_192 = arith.constant 0 : i32
      %dma_wait3A_193 = tpu.memref_slice %arg9[%dma_wait3A_190, %dma_wait3A_191, %dma_wait3A_192] : memref<5x128x128xbf16, #tpu.memory_space<vmem>> -> memref<1x128x128xbf16, #tpu.memory_space<vmem>>
      %dma_wait3A_194 = tpu.memref_squeeze %dma_wait3A_193 : memref<1x128x128xbf16, #tpu.memory_space<vmem>> -> memref<128x128xbf16, #tpu.memory_space<vmem>>
      %dma_wait3A_195 = arith.constant 0 : i32
      %dma_wait3A_196 = tpu.memref_slice %arg7[%dma_wait3A_189, %dma_wait3A_195] : memref<80x128xi32, #tpu.memory_space<vmem>> -> memref<1x128xi32, #tpu.memory_space<vmem>>
      %dma_wait3A_197 = tpu.memref_squeeze %dma_wait3A_196 : memref<1x128xi32, #tpu.memory_space<vmem>> -> memref<128xi32, #tpu.memory_space<vmem>>
      %dma_wait3A_198 = arith.constant 0 : i32
      %dma_wait3A_199 = arith.constant 0 : i32
      %dma_wait3A_200 = tpu.memref_slice %arg2[%dma_wait3A_198, %dma_wait3A_199] : memref<10000x128xbf16, #tpu.memory_space<hbm>> -> memref<10000x128xbf16, #tpu.memory_space<hbm>>
      tpu.wait_indirect_dma semaphore(%arg13 : memref<!tpu.dma_semaphore, #tpu.memory_space<semaphore_mem>>) src(%dma_wait3A_200 : memref<10000x128xbf16, #tpu.memory_space<hbm>>) dst(%dma_wait3A_194 : memref<128x128xbf16, #tpu.memory_space<vmem>>)
      %dma_start3A_201 = arith.constant 3 : i32
      %dma_start3A_202 = arith.constant 0 : i32
      %dma_start3A_203 = arith.constant 0 : i32
      %dma_start3A_204 = tpu.memref_slice %arg9[%dma_start3A_201, %dma_start3A_202, %dma_start3A_203] : memref<5x128x128xbf16, #tpu.memory_space<vmem>> -> memref<1x128x128xbf16, #tpu.memory_space<vmem>>
      %dma_start3A_205 = tpu.memref_squeeze %dma_start3A_204 : memref<1x128x128xbf16, #tpu.memory_space<vmem>> -> memref<128x128xbf16, #tpu.memory_space<vmem>>
      %dma_start3A_206 = arith.constant 0 : i32
      %dma_start3A_207 = tpu.memref_slice %arg8[%add3A_188, %dma_start3A_206] : memref<80x128xi32, #tpu.memory_space<vmem>> -> memref<1x128xi32, #tpu.memory_space<vmem>>
      %dma_start3A_208 = tpu.memref_squeeze %dma_start3A_207 : memref<1x128xi32, #tpu.memory_space<vmem>> -> memref<128xi32, #tpu.memory_space<vmem>>
      %dma_start3A_209 = arith.constant 0 : i32
      %dma_start3A_210 = arith.constant 0 : i32
      %dma_start3A_211 = tpu.memref_slice %arg20[%dma_start3A_209, %dma_start3A_210] : memref<10112x128xbf16, #tpu.memory_space<vmem_shared>> -> memref<10112x128xbf16, #tpu.memory_space<vmem_shared>>
      tpu.enqueue_indirect_dma source(%dma_start3A_205 : memref<128x128xbf16, #tpu.memory_space<vmem>>) target(%dma_start3A_211 : memref<10112x128xbf16, #tpu.memory_space<vmem_shared>>) offsets(%dma_start3A_208 : memref<128xi32, #tpu.memory_space<vmem>>) semaphore(%arg18 : memref<!tpu.dma_semaphore, #tpu.memory_space<semaphore_mem>>) {add = true}
      %ge3A_212 = arith.constant 2 : i32
      %ge3A_213 = arith.cmpi sge, %add3A_188, %ge3A_212 : i32
      %convert_element_type3A_214 = arith.extui %ge3A_213 : i1 to i32
      %cond3A_215 = arith.constant 0 : i32
      %cond3A_216 = arith.cmpi ne, %convert_element_type3A_214, %cond3A_215 : i32
      scf.if %cond3A_216 {
        %dma_wait3A_263 = arith.constant 1 : i32
        %dma_wait3A_264 = arith.constant 0 : i32
        %dma_wait3A_265 = arith.constant 0 : i32
        %dma_wait3A_266 = arith.constant 0 : i32
        %dma_wait3A_267 = tpu.memref_slice %arg9[%dma_wait3A_263, %dma_wait3A_265, %dma_wait3A_266] : memref<5x128x128xbf16, #tpu.memory_space<vmem>> -> memref<1x128x128xbf16, #tpu.memory_space<vmem>>
        %dma_wait3A_268 = tpu.memref_squeeze %dma_wait3A_267 : memref<1x128x128xbf16, #tpu.memory_space<vmem>> -> memref<128x128xbf16, #tpu.memory_space<vmem>>
        %dma_wait3A_269 = arith.constant 0 : i32
        %dma_wait3A_270 = tpu.memref_slice %arg8[%dma_wait3A_264, %dma_wait3A_269] : memref<80x128xi32, #tpu.memory_space<vmem>> -> memref<1x128xi32, #tpu.memory_space<vmem>>
        %dma_wait3A_271 = tpu.memref_squeeze %dma_wait3A_270 : memref<1x128xi32, #tpu.memory_space<vmem>> -> memref<128xi32, #tpu.memory_space<vmem>>
        %dma_wait3A_272 = arith.constant 0 : i32
        %dma_wait3A_273 = arith.constant 0 : i32
        %dma_wait3A_274 = tpu.memref_slice %arg20[%dma_wait3A_272, %dma_wait3A_273] : memref<10112x128xbf16, #tpu.memory_space<vmem_shared>> -> memref<10112x128xbf16, #tpu.memory_space<vmem_shared>>
        tpu.wait_indirect_dma semaphore(%arg16 : memref<!tpu.dma_semaphore, #tpu.memory_space<semaphore_mem>>) src(%dma_wait3A_268 : memref<128x128xbf16, #tpu.memory_space<vmem>>) dst(%dma_wait3A_274 : memref<10112x128xbf16, #tpu.memory_space<vmem_shared>>)
      } else {
      }
      %add3A_217 = arith.constant 3 : i32
      %add3A_218 = arith.addi %add3A_188, %add3A_217 : i32
      %lt3A_219 = arith.constant 80 : i32
      %lt3A_220 = arith.cmpi slt, %add3A_218, %lt3A_219 : i32
      %convert_element_type3A_221 = arith.extui %lt3A_220 : i1 to i32
      %cond3A_222 = arith.constant 0 : i32
      %cond3A_223 = arith.cmpi ne, %convert_element_type3A_221, %cond3A_222 : i32
      scf.if %cond3A_223 {
        %add3A_263 = arith.constant 3 : i32
        %add3A_264 = arith.addi %add3A_188, %add3A_263 : i32
        %dma_start3A_265 = arith.constant 1 : i32
        %dma_start3A_266 = arith.constant 0 : i32
        %dma_start3A_267 = arith.constant 0 : i32
        %dma_start3A_268 = tpu.memref_slice %arg9[%dma_start3A_265, %dma_start3A_266, %dma_start3A_267] : memref<5x128x128xbf16, #tpu.memory_space<vmem>> -> memref<1x128x128xbf16, #tpu.memory_space<vmem>>
        %dma_start3A_269 = tpu.memref_squeeze %dma_start3A_268 : memref<1x128x128xbf16, #tpu.memory_space<vmem>> -> memref<128x128xbf16, #tpu.memory_space<vmem>>
        %dma_start3A_270 = arith.constant 0 : i32
        %dma_start3A_271 = tpu.memref_slice %arg7[%add3A_264, %dma_start3A_270] : memref<80x128xi32, #tpu.memory_space<vmem>> -> memref<1x128xi32, #tpu.memory_space<vmem>>
        %dma_start3A_272 = tpu.memref_squeeze %dma_start3A_271 : memref<1x128xi32, #tpu.memory_space<vmem>> -> memref<128xi32, #tpu.memory_space<vmem>>
        %dma_start3A_273 = arith.constant 0 : i32
        %dma_start3A_274 = arith.constant 0 : i32
        %dma_start3A_275 = tpu.memref_slice %arg2[%dma_start3A_273, %dma_start3A_274] : memref<10000x128xbf16, #tpu.memory_space<hbm>> -> memref<10000x128xbf16, #tpu.memory_space<hbm>>
        tpu.enqueue_indirect_dma source(%dma_start3A_275 : memref<10000x128xbf16, #tpu.memory_space<hbm>>) target(%dma_start3A_269 : memref<128x128xbf16, #tpu.memory_space<vmem>>) offsets(%dma_start3A_272 : memref<128xi32, #tpu.memory_space<vmem>>) semaphore(%arg11 : memref<!tpu.dma_semaphore, #tpu.memory_space<semaphore_mem>>)
      } else {
      }
      %mul3A_224 = arith.constant 5 : i32
      %mul3A_225 = arith.muli %scan3A_71, %mul3A_224 : i32
      %add3A_226 = arith.constant 4 : i32
      %add3A_227 = arith.addi %mul3A_225, %add3A_226 : i32
      %dma_wait3A_228 = arith.constant 0 : i32
      %dma_wait3A_229 = arith.constant 4 : i32
      %dma_wait3A_230 = arith.constant 0 : i32
      %dma_wait3A_231 = arith.constant 0 : i32
      %dma_wait3A_232 = tpu.memref_slice %arg9[%dma_wait3A_229, %dma_wait3A_230, %dma_wait3A_231] : memref<5x128x128xbf16, #tpu.memory_space<vmem>> -> memref<1x128x128xbf16, #tpu.memory_space<vmem>>
      %dma_wait3A_233 = tpu.memref_squeeze %dma_wait3A_232 : memref<1x128x128xbf16, #tpu.memory_space<vmem>> -> memref<128x128xbf16, #tpu.memory_space<vmem>>
      %dma_wait3A_234 = arith.constant 0 : i32
      %dma_wait3A_235 = tpu.memref_slice %arg7[%dma_wait3A_228, %dma_wait3A_234] : memref<80x128xi32, #tpu.memory_space<vmem>> -> memref<1x128xi32, #tpu.memory_space<vmem>>
      %dma_wait3A_236 = tpu.memref_squeeze %dma_wait3A_235 : memref<1x128xi32, #tpu.memory_space<vmem>> -> memref<128xi32, #tpu.memory_space<vmem>>
      %dma_wait3A_237 = arith.constant 0 : i32
      %dma_wait3A_238 = arith.constant 0 : i32
      %dma_wait3A_239 = tpu.memref_slice %arg2[%dma_wait3A_237, %dma_wait3A_238] : memref<10000x128xbf16, #tpu.memory_space<hbm>> -> memref<10000x128xbf16, #tpu.memory_space<hbm>>
      tpu.wait_indirect_dma semaphore(%arg14 : memref<!tpu.dma_semaphore, #tpu.memory_space<semaphore_mem>>) src(%dma_wait3A_239 : memref<10000x128xbf16, #tpu.memory_space<hbm>>) dst(%dma_wait3A_233 : memref<128x128xbf16, #tpu.memory_space<vmem>>)
      %dma_start3A_240 = arith.constant 4 : i32
      %dma_start3A_241 = arith.constant 0 : i32
      %dma_start3A_242 = arith.constant 0 : i32
      %dma_start3A_243 = tpu.memref_slice %arg9[%dma_start3A_240, %dma_start3A_241, %dma_start3A_242] : memref<5x128x128xbf16, #tpu.memory_space<vmem>> -> memref<1x128x128xbf16, #tpu.memory_space<vmem>>
      %dma_start3A_244 = tpu.memref_squeeze %dma_start3A_243 : memref<1x128x128xbf16, #tpu.memory_space<vmem>> -> memref<128x128xbf16, #tpu.memory_space<vmem>>
      %dma_start3A_245 = arith.constant 0 : i32
      %dma_start3A_246 = tpu.memref_slice %arg8[%add3A_227, %dma_start3A_245] : memref<80x128xi32, #tpu.memory_space<vmem>> -> memref<1x128xi32, #tpu.memory_space<vmem>>
      %dma_start3A_247 = tpu.memref_squeeze %dma_start3A_246 : memref<1x128xi32, #tpu.memory_space<vmem>> -> memref<128xi32, #tpu.memory_space<vmem>>
      %dma_start3A_248 = arith.constant 0 : i32
      %dma_start3A_249 = arith.constant 0 : i32
      %dma_start3A_250 = tpu.memref_slice %arg20[%dma_start3A_248, %dma_start3A_249] : memref<10112x128xbf16, #tpu.memory_space<vmem_shared>> -> memref<10112x128xbf16, #tpu.memory_space<vmem_shared>>
      tpu.enqueue_indirect_dma source(%dma_start3A_244 : memref<128x128xbf16, #tpu.memory_space<vmem>>) target(%dma_start3A_250 : memref<10112x128xbf16, #tpu.memory_space<vmem_shared>>) offsets(%dma_start3A_247 : memref<128xi32, #tpu.memory_space<vmem>>) semaphore(%arg19 : memref<!tpu.dma_semaphore, #tpu.memory_space<semaphore_mem>>) {add = true}
      %ge3A_251 = arith.constant 2 : i32
      %ge3A_252 = arith.cmpi sge, %add3A_227, %ge3A_251 : i32
      %convert_element_type3A_253 = arith.extui %ge3A_252 : i1 to i32
      %cond3A_254 = arith.constant 0 : i32
      %cond3A_255 = arith.cmpi ne, %convert_element_type3A_253, %cond3A_254 : i32
      scf.if %cond3A_255 {
        %dma_wait3A_263 = arith.constant 2 : i32
        %dma_wait3A_264 = arith.constant 0 : i32
        %dma_wait3A_265 = arith.constant 0 : i32
        %dma_wait3A_266 = arith.constant 0 : i32
        %dma_wait3A_267 = tpu.memref_slice %arg9[%dma_wait3A_263, %dma_wait3A_265, %dma_wait3A_266] : memref<5x128x128xbf16, #tpu.memory_space<vmem>> -> memref<1x128x128xbf16, #tpu.memory_space<vmem>>
        %dma_wait3A_268 = tpu.memref_squeeze %dma_wait3A_267 : memref<1x128x128xbf16, #tpu.memory_space<vmem>> -> memref<128x128xbf16, #tpu.memory_space<vmem>>
        %dma_wait3A_269 = arith.constant 0 : i32
        %dma_wait3A_270 = tpu.memref_slice %arg8[%dma_wait3A_264, %dma_wait3A_269] : memref<80x128xi32, #tpu.memory_space<vmem>> -> memref<1x128xi32, #tpu.memory_space<vmem>>
        %dma_wait3A_271 = tpu.memref_squeeze %dma_wait3A_270 : memref<1x128xi32, #tpu.memory_space<vmem>> -> memref<128xi32, #tpu.memory_space<vmem>>
        %dma_wait3A_272 = arith.constant 0 : i32
        %dma_wait3A_273 = arith.constant 0 : i32
        %dma_wait3A_274 = tpu.memref_slice %arg20[%dma_wait3A_272, %dma_wait3A_273] : memref<10112x128xbf16, #tpu.memory_space<vmem_shared>> -> memref<10112x128xbf16, #tpu.memory_space<vmem_shared>>
        tpu.wait_indirect_dma semaphore(%arg17 : memref<!tpu.dma_semaphore, #tpu.memory_space<semaphore_mem>>) src(%dma_wait3A_268 : memref<128x128xbf16, #tpu.memory_space<vmem>>) dst(%dma_wait3A_274 : memref<10112x128xbf16, #tpu.memory_space<vmem_shared>>)
      } else {
      }
      %add3A_256 = arith.constant 3 : i32
      %add3A_257 = arith.addi %add3A_227, %add3A_256 : i32
      %lt3A_258 = arith.constant 80 : i32
      %lt3A_259 = arith.cmpi slt, %add3A_257, %lt3A_258 : i32
      %convert_element_type3A_260 = arith.extui %lt3A_259 : i1 to i32
      %cond3A_261 = arith.constant 0 : i32
      %cond3A_262 = arith.cmpi ne, %convert_element_type3A_260, %cond3A_261 : i32
      scf.if %cond3A_262 {
        %add3A_263 = arith.constant 3 : i32
        %add3A_264 = arith.addi %add3A_227, %add3A_263 : i32
        %dma_start3A_265 = arith.constant 2 : i32
        %dma_start3A_266 = arith.constant 0 : i32
        %dma_start3A_267 = arith.constant 0 : i32
        %dma_start3A_268 = tpu.memref_slice %arg9[%dma_start3A_265, %dma_start3A_266, %dma_start3A_267] : memref<5x128x128xbf16, #tpu.memory_space<vmem>> -> memref<1x128x128xbf16, #tpu.memory_space<vmem>>
        %dma_start3A_269 = tpu.memref_squeeze %dma_start3A_268 : memref<1x128x128xbf16, #tpu.memory_space<vmem>> -> memref<128x128xbf16, #tpu.memory_space<vmem>>
        %dma_start3A_270 = arith.constant 0 : i32
        %dma_start3A_271 = tpu.memref_slice %arg7[%add3A_264, %dma_start3A_270] : memref<80x128xi32, #tpu.memory_space<vmem>> -> memref<1x128xi32, #tpu.memory_space<vmem>>
        %dma_start3A_272 = tpu.memref_squeeze %dma_start3A_271 : memref<1x128xi32, #tpu.memory_space<vmem>> -> memref<128xi32, #tpu.memory_space<vmem>>
        %dma_start3A_273 = arith.constant 0 : i32
        %dma_start3A_274 = arith.constant 0 : i32
        %dma_start3A_275 = tpu.memref_slice %arg2[%dma_start3A_273, %dma_start3A_274] : memref<10000x128xbf16, #tpu.memory_space<hbm>> -> memref<10000x128xbf16, #tpu.memory_space<hbm>>
        tpu.enqueue_indirect_dma source(%dma_start3A_275 : memref<10000x128xbf16, #tpu.memory_space<hbm>>) target(%dma_start3A_269 : memref<128x128xbf16, #tpu.memory_space<vmem>>) offsets(%dma_start3A_272 : memref<128xi32, #tpu.memory_space<vmem>>) semaphore(%arg12 : memref<!tpu.dma_semaphore, #tpu.memory_space<semaphore_mem>>)
      } else {
      }
    }
    %scan3A_42 = arith.constant 16 : i32
    %dma_wait3A = arith.constant 3 : i32
    %dma_wait3A_43 = arith.constant 0 : i32
    %dma_wait3A_44 = arith.constant 0 : i32
    %dma_wait3A_45 = arith.constant 0 : i32
    %dma_wait3A_46 = tpu.memref_slice %arg9[%dma_wait3A, %dma_wait3A_44, %dma_wait3A_45] : memref<5x128x128xbf16, #tpu.memory_space<vmem>> -> memref<1x128x128xbf16, #tpu.memory_space<vmem>>
    %dma_wait3A_47 = tpu.memref_squeeze %dma_wait3A_46 : memref<1x128x128xbf16, #tpu.memory_space<vmem>> -> memref<128x128xbf16, #tpu.memory_space<vmem>>
    %dma_wait3A_48 = arith.constant 0 : i32
    %dma_wait3A_49 = tpu.memref_slice %arg8[%dma_wait3A_43, %dma_wait3A_48] : memref<80x128xi32, #tpu.memory_space<vmem>> -> memref<1x128xi32, #tpu.memory_space<vmem>>
    %dma_wait3A_50 = tpu.memref_squeeze %dma_wait3A_49 : memref<1x128xi32, #tpu.memory_space<vmem>> -> memref<128xi32, #tpu.memory_space<vmem>>
    %dma_wait3A_51 = arith.constant 0 : i32
    %dma_wait3A_52 = arith.constant 0 : i32
    %dma_wait3A_53 = tpu.memref_slice %arg20[%dma_wait3A_51, %dma_wait3A_52] : memref<10112x128xbf16, #tpu.memory_space<vmem_shared>> -> memref<10112x128xbf16, #tpu.memory_space<vmem_shared>>
    tpu.wait_indirect_dma semaphore(%arg18 : memref<!tpu.dma_semaphore, #tpu.memory_space<semaphore_mem>>) src(%dma_wait3A_47 : memref<128x128xbf16, #tpu.memory_space<vmem>>) dst(%dma_wait3A_53 : memref<10112x128xbf16, #tpu.memory_space<vmem_shared>>)
    %dma_wait3A_54 = arith.constant 4 : i32
    %dma_wait3A_55 = arith.constant 0 : i32
    %dma_wait3A_56 = arith.constant 0 : i32
    %dma_wait3A_57 = arith.constant 0 : i32
    %dma_wait3A_58 = tpu.memref_slice %arg9[%dma_wait3A_54, %dma_wait3A_56, %dma_wait3A_57] : memref<5x128x128xbf16, #tpu.memory_space<vmem>> -> memref<1x128x128xbf16, #tpu.memory_space<vmem>>
    %dma_wait3A_59 = tpu.memref_squeeze %dma_wait3A_58 : memref<1x128x128xbf16, #tpu.memory_space<vmem>> -> memref<128x128xbf16, #tpu.memory_space<vmem>>
    %dma_wait3A_60 = arith.constant 0 : i32
    %dma_wait3A_61 = tpu.memref_slice %arg8[%dma_wait3A_55, %dma_wait3A_60] : memref<80x128xi32, #tpu.memory_space<vmem>> -> memref<1x128xi32, #tpu.memory_space<vmem>>
    %dma_wait3A_62 = tpu.memref_squeeze %dma_wait3A_61 : memref<1x128xi32, #tpu.memory_space<vmem>> -> memref<128xi32, #tpu.memory_space<vmem>>
    %dma_wait3A_63 = arith.constant 0 : i32
    %dma_wait3A_64 = arith.constant 0 : i32
    %dma_wait3A_65 = tpu.memref_slice %arg20[%dma_wait3A_63, %dma_wait3A_64] : memref<10112x128xbf16, #tpu.memory_space<vmem_shared>> -> memref<10112x128xbf16, #tpu.memory_space<vmem_shared>>
    tpu.wait_indirect_dma semaphore(%arg19 : memref<!tpu.dma_semaphore, #tpu.memory_space<semaphore_mem>>) src(%dma_wait3A_59 : memref<128x128xbf16, #tpu.memory_space<vmem>>) dst(%dma_wait3A_65 : memref<10112x128xbf16, #tpu.memory_space<vmem_shared>>)
    %barrier3A_66 = arith.constant 0 : index
    tpu.barrier barrier_id(%barrier3A_66)
    %mul3A_67 = arith.constant 632 : i32
    %mul3A_68 = arith.muli %arg1, %mul3A_67 : i32
    %mul3A_69 = arith.constant 632 : i32
    %mul3A_70 = arith.muli %arg1, %mul3A_69 : i32
    "tpu.region"() ({
      %run_scoped3A = tpu.sem_alloc : memref<!tpu.dma_semaphore, #tpu.memory_space<semaphore_mem>>
      %dma_start3A_71 = arith.constant 0 : i32
      %dma_start3A_72 = tpu.memref_slice %arg6[%arg0, %mul3A_70, %dma_start3A_71] : memref<2x10112x128xbf16, #tpu.memory_space<hbm>> -> memref<1x632x128xbf16, #tpu.memory_space<hbm>>
      %dma_start3A_73 = tpu.memref_squeeze %dma_start3A_72 : memref<1x632x128xbf16, #tpu.memory_space<hbm>> -> memref<632x128xbf16, #tpu.memory_space<hbm>>
      %dma_start3A_74 = arith.constant 0 : i32
      %dma_start3A_75 = tpu.memref_slice %arg20[%mul3A_68, %dma_start3A_74] : memref<10112x128xbf16, #tpu.memory_space<vmem_shared>> -> memref<632x128xbf16, #tpu.memory_space<vmem_shared>>
      tpu.enqueue_dma source(%dma_start3A_75 : memref<632x128xbf16, #tpu.memory_space<vmem_shared>>) target(%dma_start3A_73 : memref<632x128xbf16, #tpu.memory_space<hbm>>) target_semaphore(%run_scoped3A : memref<!tpu.dma_semaphore, #tpu.memory_space<semaphore_mem>>)
      %dma_wait3A_76 = arith.constant 0 : i32
      %dma_wait3A_77 = tpu.memref_slice %arg6[%arg0, %mul3A_70, %dma_wait3A_76] : memref<2x10112x128xbf16, #tpu.memory_space<hbm>> -> memref<1x632x128xbf16, #tpu.memory_space<hbm>>
      %dma_wait3A_78 = tpu.memref_squeeze %dma_wait3A_77 : memref<1x632x128xbf16, #tpu.memory_space<hbm>> -> memref<632x128xbf16, #tpu.memory_space<hbm>>
      %dma_wait3A_79 = arith.constant 0 : i32
      %dma_wait3A_80 = tpu.memref_slice %arg20[%mul3A_68, %dma_wait3A_79] : memref<10112x128xbf16, #tpu.memory_space<vmem_shared>> -> memref<632x128xbf16, #tpu.memory_space<vmem_shared>>
      tpu.wait_dma2 semaphore(%run_scoped3A : memref<!tpu.dma_semaphore, #tpu.memory_space<semaphore_mem>>) src(%dma_wait3A_80 : memref<632x128xbf16, #tpu.memory_space<vmem_shared>>) dst(%dma_wait3A_78 : memref<632x128xbf16, #tpu.memory_space<hbm>>)
      tpu.yield
    }) : () -> ()
    return
  }
}

#map = affine_map<(d0, d1) -> (0, 0)>
#map1 = affine_map<(d0, d1) -> (0, 0, 0)>
module attributes {stable_mosaic.version = 14 : i64} {
  func.func @_sc_propagate(%arg0: i32, %arg1: i32, %arg2: memref<10000x128xbf16, #tpu.memory_space<hbm>>, %arg3: memref<32x80x128xi32, #tpu.memory_space<hbm>>, %arg4: memref<32x80x128xi32, #tpu.memory_space<hbm>>, %arg5: memref<632x128xbf16, #tpu.memory_space<hbm>>, %arg6: memref<2x10112x128xbf16, #tpu.memory_space<hbm>>, %arg7: memref<80x128xi32, #tpu.memory_space<vmem>>, %arg8: memref<80x128xi32, #tpu.memory_space<vmem>>, %arg9: memref<5x128x128xbf16, #tpu.memory_space<vmem>>, %arg10: memref<!tpu.dma_semaphore, #tpu.memory_space<semaphore_mem>>, %arg11: memref<!tpu.dma_semaphore, #tpu.memory_space<semaphore_mem>>, %arg12: memref<!tpu.dma_semaphore, #tpu.memory_space<semaphore_mem>>, %arg13: memref<!tpu.dma_semaphore, #tpu.memory_space<semaphore_mem>>, %arg14: memref<!tpu.dma_semaphore, #tpu.memory_space<semaphore_mem>>, %arg15: memref<!tpu.dma_semaphore, #tpu.memory_space<semaphore_mem>>, %arg16: memref<!tpu.dma_semaphore, #tpu.memory_space<semaphore_mem>>, %arg17: memref<!tpu.dma_semaphore, #tpu.memory_space<semaphore_mem>>, %arg18: memref<!tpu.dma_semaphore, #tpu.memory_space<semaphore_mem>>, %arg19: memref<!tpu.dma_semaphore, #tpu.memory_space<semaphore_mem>>, %arg20: memref<10112x128xbf16, #tpu.memory_space<vmem_shared>>) attributes {dimension_semantics = [#tpu.dimension_semantics<core_parallel>, #tpu.dimension_semantics<subcore_parallel>], iteration_bounds = array<i64: 2, 16>, scalar_prefetch = 0 : i64, scratch_operands = 14 : i64, tpu.core_type = #tpu.core_type<sc_vector_subcore>, window_params = [{transform_indices = #map}, {transform_indices = #map1}, {transform_indices = #map1}, {transform_indices = #map}, {transform_indices = #map1}]} {
    %mul3A = arith.constant 2 : i32
    %mul3A_0 = arith.muli %arg1, %mul3A : i32
    %add3A = arith.addi %mul3A_0, %arg0 : i32
    "tpu.region"() ({
      %run_scoped3A = tpu.sem_alloc : memref<!tpu.dma_semaphore, #tpu.memory_space<semaphore_mem>>
      %dma_start3A_71 = arith.constant 0 : i32
      %dma_start3A_72 = arith.constant 0 : i32
      %dma_start3A_73 = tpu.memref_slice %arg3[%add3A, %dma_start3A_71, %dma_start3A_72] : memref<32x80x128xi32, #tpu.memory_space<hbm>> -> memref<1x80x128xi32, #tpu.memory_space<hbm>>
      %dma_start3A_74 = tpu.memref_squeeze %dma_start3A_73 : memref<1x80x128xi32, #tpu.memory_space<hbm>> -> memref<80x128xi32, #tpu.memory_space<hbm>>
      %dma_start3A_75 = arith.constant 0 : i32
      %dma_start3A_76 = arith.constant 0 : i32
      %dma_start3A_77 = tpu.memref_slice %arg3[%add3A, %dma_start3A_75, %dma_start3A_76] : memref<32x80x128xi32, #tpu.memory_space<hbm>> -> memref<1x80x128xi32, #tpu.memory_space<hbm>>
      %dma_start3A_78 = tpu.memref_squeeze %dma_start3A_77 : memref<1x80x128xi32, #tpu.memory_space<hbm>> -> memref<80x128xi32, #tpu.memory_space<hbm>>
      tpu.enqueue_dma source(%dma_start3A_78 : memref<80x128xi32, #tpu.memory_space<hbm>>) target(%arg7 : memref<80x128xi32, #tpu.memory_space<vmem>>) target_semaphore(%run_scoped3A : memref<!tpu.dma_semaphore, #tpu.memory_space<semaphore_mem>>)
      %dma_wait3A_79 = arith.constant 0 : i32
      %dma_wait3A_80 = arith.constant 0 : i32
      %dma_wait3A_81 = tpu.memref_slice %arg3[%add3A, %dma_wait3A_79, %dma_wait3A_80] : memref<32x80x128xi32, #tpu.memory_space<hbm>> -> memref<1x80x128xi32, #tpu.memory_space<hbm>>
      %dma_wait3A_82 = tpu.memref_squeeze %dma_wait3A_81 : memref<1x80x128xi32, #tpu.memory_space<hbm>> -> memref<80x128xi32, #tpu.memory_space<hbm>>
      %dma_wait3A_83 = arith.constant 0 : i32
      %dma_wait3A_84 = arith.constant 0 : i32
      %dma_wait3A_85 = tpu.memref_slice %arg3[%add3A, %dma_wait3A_83, %dma_wait3A_84] : memref<32x80x128xi32, #tpu.memory_space<hbm>> -> memref<1x80x128xi32, #tpu.memory_space<hbm>>
      %dma_wait3A_86 = tpu.memref_squeeze %dma_wait3A_85 : memref<1x80x128xi32, #tpu.memory_space<hbm>> -> memref<80x128xi32, #tpu.memory_space<hbm>>
      tpu.wait_dma2 semaphore(%run_scoped3A : memref<!tpu.dma_semaphore, #tpu.memory_space<semaphore_mem>>) src(%dma_wait3A_86 : memref<80x128xi32, #tpu.memory_space<hbm>>) dst(%arg7 : memref<80x128xi32, #tpu.memory_space<vmem>>)
      tpu.yield
    }) : () -> ()
    "tpu.region"() ({
      %run_scoped3A = tpu.sem_alloc : memref<!tpu.dma_semaphore, #tpu.memory_space<semaphore_mem>>
      %dma_start3A_71 = arith.constant 0 : i32
      %dma_start3A_72 = arith.constant 0 : i32
      %dma_start3A_73 = tpu.memref_slice %arg4[%add3A, %dma_start3A_71, %dma_start3A_72] : memref<32x80x128xi32, #tpu.memory_space<hbm>> -> memref<1x80x128xi32, #tpu.memory_space<hbm>>
      %dma_start3A_74 = tpu.memref_squeeze %dma_start3A_73 : memref<1x80x128xi32, #tpu.memory_space<hbm>> -> memref<80x128xi32, #tpu.memory_space<hbm>>
      %dma_start3A_75 = arith.constant 0 : i32
      %dma_start3A_76 = arith.constant 0 : i32
      %dma_start3A_77 = tpu.memref_slice %arg4[%add3A, %dma_start3A_75, %dma_start3A_76] : memref<32x80x128xi32, #tpu.memory_space<hbm>> -> memref<1x80x128xi32, #tpu.memory_space<hbm>>
      %dma_start3A_78 = tpu.memref_squeeze %dma_start3A_77 : memref<1x80x128xi32, #tpu.memory_space<hbm>> -> memref<80x128xi32, #tpu.memory_space<hbm>>
      tpu.enqueue_dma source(%dma_start3A_78 : memref<80x128xi32, #tpu.memory_space<hbm>>) target(%arg8 : memref<80x128xi32, #tpu.memory_space<vmem>>) target_semaphore(%run_scoped3A : memref<!tpu.dma_semaphore, #tpu.memory_space<semaphore_mem>>)
      %dma_wait3A_79 = arith.constant 0 : i32
      %dma_wait3A_80 = arith.constant 0 : i32
      %dma_wait3A_81 = tpu.memref_slice %arg4[%add3A, %dma_wait3A_79, %dma_wait3A_80] : memref<32x80x128xi32, #tpu.memory_space<hbm>> -> memref<1x80x128xi32, #tpu.memory_space<hbm>>
      %dma_wait3A_82 = tpu.memref_squeeze %dma_wait3A_81 : memref<1x80x128xi32, #tpu.memory_space<hbm>> -> memref<80x128xi32, #tpu.memory_space<hbm>>
      %dma_wait3A_83 = arith.constant 0 : i32
      %dma_wait3A_84 = arith.constant 0 : i32
      %dma_wait3A_85 = tpu.memref_slice %arg4[%add3A, %dma_wait3A_83, %dma_wait3A_84] : memref<32x80x128xi32, #tpu.memory_space<hbm>> -> memref<1x80x128xi32, #tpu.memory_space<hbm>>
      %dma_wait3A_86 = tpu.memref_squeeze %dma_wait3A_85 : memref<1x80x128xi32, #tpu.memory_space<hbm>> -> memref<80x128xi32, #tpu.memory_space<hbm>>
      tpu.wait_dma2 semaphore(%run_scoped3A : memref<!tpu.dma_semaphore, #tpu.memory_space<semaphore_mem>>) src(%dma_wait3A_86 : memref<80x128xi32, #tpu.memory_space<hbm>>) dst(%arg8 : memref<80x128xi32, #tpu.memory_space<vmem>>)
      tpu.yield
    }) : () -> ()
    %mul3A_1 = arith.constant 632 : i32
    %mul3A_2 = arith.muli %arg1, %mul3A_1 : i32
    "tpu.region"() ({
      %run_scoped3A = tpu.sem_alloc : memref<!tpu.dma_semaphore, #tpu.memory_space<semaphore_mem>>
      %dma_start3A_71 = arith.constant 0 : i32
      %dma_start3A_72 = tpu.memref_slice %arg20[%mul3A_2, %dma_start3A_71] : memref<10112x128xbf16, #tpu.memory_space<vmem_shared>> -> memref<632x128xbf16, #tpu.memory_space<vmem_shared>>
      tpu.enqueue_dma source(%arg5 : memref<632x128xbf16, #tpu.memory_space<hbm>>) target(%dma_start3A_72 : memref<632x128xbf16, #tpu.memory_space<vmem_shared>>) target_semaphore(%run_scoped3A : memref<!tpu.dma_semaphore, #tpu.memory_space<semaphore_mem>>)
      %dma_wait3A_73 = arith.constant 0 : i32
      %dma_wait3A_74 = tpu.memref_slice %arg20[%mul3A_2, %dma_wait3A_73] : memref<10112x128xbf16, #tpu.memory_space<vmem_shared>> -> memref<632x128xbf16, #tpu.memory_space<vmem_shared>>
      tpu.wait_dma2 semaphore(%run_scoped3A : memref<!tpu.dma_semaphore, #tpu.memory_space<semaphore_mem>>) src(%arg5 : memref<632x128xbf16, #tpu.memory_space<hbm>>) dst(%dma_wait3A_74 : memref<632x128xbf16, #tpu.memory_space<vmem_shared>>)
      tpu.yield
    }) : () -> ()
    %barrier3A = arith.constant 0 : index
    tpu.barrier barrier_id(%barrier3A)
    %dma_start3A = arith.constant 0 : i32
    %dma_start3A_3 = arith.constant 0 : i32
    %dma_start3A_4 = arith.constant 0 : i32
    %dma_start3A_5 = arith.constant 0 : i32
    %dma_start3A_6 = tpu.memref_slice %arg9[%dma_start3A_3, %dma_start3A_4, %dma_start3A_5] : memref<5x128x128xbf16, #tpu.memory_space<vmem>> -> memref<1x128x128xbf16, #tpu.memory_space<vmem>>
    %dma_start3A_7 = tpu.memref_squeeze %dma_start3A_6 : memref<1x128x128xbf16, #tpu.memory_space<vmem>> -> memref<128x128xbf16, #tpu.memory_space<vmem>>
    %dma_start3A_8 = arith.constant 0 : i32
    %dma_start3A_9 = tpu.memref_slice %arg7[%dma_start3A, %dma_start3A_8] : memref<80x128xi32, #tpu.memory_space<vmem>> -> memref<1x128xi32, #tpu.memory_space<vmem>>
    %dma_start3A_10 = tpu.memref_squeeze %dma_start3A_9 : memref<1x128xi32, #tpu.memory_space<vmem>> -> memref<128xi32, #tpu.memory_space<vmem>>
    %dma_start3A_11 = arith.constant 0 : i32
    %dma_start3A_12 = arith.constant 0 : i32
    %dma_start3A_13 = tpu.memref_slice %arg2[%dma_start3A_11, %dma_start3A_12] : memref<10000x128xbf16, #tpu.memory_space<hbm>> -> memref<10000x128xbf16, #tpu.memory_space<hbm>>
    tpu.enqueue_indirect_dma source(%dma_start3A_13 : memref<10000x128xbf16, #tpu.memory_space<hbm>>) target(%dma_start3A_7 : memref<128x128xbf16, #tpu.memory_space<vmem>>) offsets(%dma_start3A_10 : memref<128xi32, #tpu.memory_space<vmem>>) semaphore(%arg10 : memref<!tpu.dma_semaphore, #tpu.memory_space<semaphore_mem>>)
    %dma_start3A_14 = arith.constant 1 : i32
    %dma_start3A_15 = arith.constant 1 : i32
    %dma_start3A_16 = arith.constant 0 : i32
    %dma_start3A_17 = arith.constant 0 : i32
    %dma_start3A_18 = tpu.memref_slice %arg9[%dma_start3A_15, %dma_start3A_16, %dma_start3A_17] : memref<5x128x128xbf16, #tpu.memory_space<vmem>> -> memref<1x128x128xbf16, #tpu.memory_space<vmem>>
    %dma_start3A_19 = tpu.memref_squeeze %dma_start3A_18 : memref<1x128x128xbf16, #tpu.memory_space<vmem>> -> memref<128x128xbf16, #tpu.memory_space<vmem>>
    %dma_start3A_20 = arith.constant 0 : i32
    %dma_start3A_21 = tpu.memref_slice %arg7[%dma_start3A_14, %dma_start3A_20] : memref<80x128xi32, #tpu.memory_space<vmem>> -> memref<1x128xi32, #tpu.memory_space<vmem>>
    %dma_start3A_22 = tpu.memref_squeeze %dma_start3A_21 : memref<1x128xi32, #tpu.memory_space<vmem>> -> memref<128xi32, #tpu.memory_space<vmem>>
    %dma_start3A_23 = arith.constant 0 : i32
    %dma_start3A_24 = arith.constant 0 : i32
    %dma_start3A_25 = tpu.memref_slice %arg2[%dma_start3A_23, %dma_start3A_24] : memref<10000x128xbf16, #tpu.memory_space<hbm>> -> memref<10000x128xbf16, #tpu.memory_space<hbm>>
    tpu.enqueue_indirect_dma source(%dma_start3A_25 : memref<10000x128xbf16, #tpu.memory_space<hbm>>) target(%dma_start3A_19 : memref<128x128xbf16, #tpu.memory_space<vmem>>) offsets(%dma_start3A_22 : memref<128xi32, #tpu.memory_space<vmem>>) semaphore(%arg11 : memref<!tpu.dma_semaphore, #tpu.memory_space<semaphore_mem>>)
    %dma_start3A_26 = arith.constant 2 : i32
    %dma_start3A_27 = arith.constant 2 : i32
    %dma_start3A_28 = arith.constant 0 : i32
    %dma_start3A_29 = arith.constant 0 : i32
    %dma_start3A_30 = tpu.memref_slice %arg9[%dma_start3A_27, %dma_start3A_28, %dma_start3A_29] : memref<5x128x128xbf16, #tpu.memory_space<vmem>> -> memref<1x128x128xbf16, #tpu.memory_space<vmem>>
    %dma_start3A_31 = tpu.memref_squeeze %dma_start3A_30 : memref<1x128x128xbf16, #tpu.memory_space<vmem>> -> memref<128x128xbf16, #tpu.memory_space<vmem>>
    %dma_start3A_32 = arith.constant 0 : i32
    %dma_start3A_33 = tpu.memref_slice %arg7[%dma_start3A_26, %dma_start3A_32] : memref<80x128xi32, #tpu.memory_space<vmem>> -> memref<1x128xi32, #tpu.memory_space<vmem>>
    %dma_start3A_34 = tpu.memref_squeeze %dma_start3A_33 : memref<1x128xi32, #tpu.memory_space<vmem>> -> memref<128xi32, #tpu.memory_space<vmem>>
    %dma_start3A_35 = arith.constant 0 : i32
    %dma_start3A_36 = arith.constant 0 : i32
    %dma_start3A_37 = tpu.memref_slice %arg2[%dma_start3A_35, %dma_start3A_36] : memref<10000x128xbf16, #tpu.memory_space<hbm>> -> memref<10000x128xbf16, #tpu.memory_space<hbm>>
    tpu.enqueue_indirect_dma source(%dma_start3A_37 : memref<10000x128xbf16, #tpu.memory_space<hbm>>) target(%dma_start3A_31 : memref<128x128xbf16, #tpu.memory_space<vmem>>) offsets(%dma_start3A_34 : memref<128xi32, #tpu.memory_space<vmem>>) semaphore(%arg12 : memref<!tpu.dma_semaphore, #tpu.memory_space<semaphore_mem>>)
    %scan3A = arith.constant 0 : i32
    %scan3A_38 = arith.constant 0 : i32
    %scan3A_39 = arith.constant 16 : i32
    %scan3A_40 = arith.addi %scan3A_38, %scan3A_39 : i32
    %scan3A_41 = arith.constant 1 : i32
    scf.for %scan3A_71 = %scan3A_38 to %scan3A_40 step %scan3A_41  : i32 {
      %mul3A_72 = arith.constant 5 : i32
      %mul3A_73 = arith.muli %scan3A_71, %mul3A_72 : i32
      %add3A_74 = arith.constant 0 : i32
      %add3A_75 = arith.addi %mul3A_73, %add3A_74 : i32
      %dma_wait3A_76 = arith.constant 0 : i32
      %dma_wait3A_77 = arith.constant 0 : i32
      %dma_wait3A_78 = arith.constant 0 : i32
      %dma_wait3A_79 = arith.constant 0 : i32
      %dma_wait3A_80 = tpu.memref_slice %arg9[%dma_wait3A_77, %dma_wait3A_78, %dma_wait3A_79] : memref<5x128x128xbf16, #tpu.memory_space<vmem>> -> memref<1x128x128xbf16, #tpu.memory_space<vmem>>
      %dma_wait3A_81 = tpu.memref_squeeze %dma_wait3A_80 : memref<1x128x128xbf16, #tpu.memory_space<vmem>> -> memref<128x128xbf16, #tpu.memory_space<vmem>>
      %dma_wait3A_82 = arith.constant 0 : i32
      %dma_wait3A_83 = tpu.memref_slice %arg7[%dma_wait3A_76, %dma_wait3A_82] : memref<80x128xi32, #tpu.memory_space<vmem>> -> memref<1x128xi32, #tpu.memory_space<vmem>>
      %dma_wait3A_84 = tpu.memref_squeeze %dma_wait3A_83 : memref<1x128xi32, #tpu.memory_space<vmem>> -> memref<128xi32, #tpu.memory_space<vmem>>
      %dma_wait3A_85 = arith.constant 0 : i32
      %dma_wait3A_86 = arith.constant 0 : i32
      %dma_wait3A_87 = tpu.memref_slice %arg2[%dma_wait3A_85, %dma_wait3A_86] : memref<10000x128xbf16, #tpu.memory_space<hbm>> -> memref<10000x128xbf16, #tpu.memory_space<hbm>>
      tpu.wait_indirect_dma semaphore(%arg10 : memref<!tpu.dma_semaphore, #tpu.memory_space<semaphore_mem>>) src(%dma_wait3A_87 : memref<10000x128xbf16, #tpu.memory_space<hbm>>) dst(%dma_wait3A_81 : memref<128x128xbf16, #tpu.memory_space<vmem>>)
      %dma_start3A_88 = arith.constant 0 : i32
      %dma_start3A_89 = arith.constant 0 : i32
      %dma_start3A_90 = arith.constant 0 : i32
      %dma_start3A_91 = tpu.memref_slice %arg9[%dma_start3A_88, %dma_start3A_89, %dma_start3A_90] : memref<5x128x128xbf16, #tpu.memory_space<vmem>> -> memref<1x128x128xbf16, #tpu.memory_space<vmem>>
      %dma_start3A_92 = tpu.memref_squeeze %dma_start3A_91 : memref<1x128x128xbf16, #tpu.memory_space<vmem>> -> memref<128x128xbf16, #tpu.memory_space<vmem>>
      %dma_start3A_93 = arith.constant 0 : i32
      %dma_start3A_94 = tpu.memref_slice %arg8[%add3A_75, %dma_start3A_93] : memref<80x128xi32, #tpu.memory_space<vmem>> -> memref<1x128xi32, #tpu.memory_space<vmem>>
      %dma_start3A_95 = tpu.memref_squeeze %dma_start3A_94 : memref<1x128xi32, #tpu.memory_space<vmem>> -> memref<128xi32, #tpu.memory_space<vmem>>
      %dma_start3A_96 = arith.constant 0 : i32
      %dma_start3A_97 = arith.constant 0 : i32
      %dma_start3A_98 = tpu.memref_slice %arg20[%dma_start3A_96, %dma_start3A_97] : memref<10112x128xbf16, #tpu.memory_space<vmem_shared>> -> memref<10112x128xbf16, #tpu.memory_space<vmem_shared>>
      tpu.enqueue_indirect_dma source(%dma_start3A_92 : memref<128x128xbf16, #tpu.memory_space<vmem>>) target(%dma_start3A_98 : memref<10112x128xbf16, #tpu.memory_space<vmem_shared>>) offsets(%dma_start3A_95 : memref<128xi32, #tpu.memory_space<vmem>>) semaphore(%arg15 : memref<!tpu.dma_semaphore, #tpu.memory_space<semaphore_mem>>) {add = true}
      %ge3A = arith.constant 2 : i32
      %ge3A_99 = arith.cmpi sge, %add3A_75, %ge3A : i32
      %convert_element_type3A = arith.extui %ge3A_99 : i1 to i32
      %cond3A = arith.constant 0 : i32
      %cond3A_100 = arith.cmpi ne, %convert_element_type3A, %cond3A : i32
      scf.if %cond3A_100 {
        %dma_wait3A_263 = arith.constant 3 : i32
        %dma_wait3A_264 = arith.constant 0 : i32
        %dma_wait3A_265 = arith.constant 0 : i32
        %dma_wait3A_266 = arith.constant 0 : i32
        %dma_wait3A_267 = tpu.memref_slice %arg9[%dma_wait3A_263, %dma_wait3A_265, %dma_wait3A_266] : memref<5x128x128xbf16, #tpu.memory_space<vmem>> -> memref<1x128x128xbf16, #tpu.memory_space<vmem>>
        %dma_wait3A_268 = tpu.memref_squeeze %dma_wait3A_267 : memref<1x128x128xbf16, #tpu.memory_space<vmem>> -> memref<128x128xbf16, #tpu.memory_space<vmem>>
        %dma_wait3A_269 = arith.constant 0 : i32
        %dma_wait3A_270 = tpu.memref_slice %arg8[%dma_wait3A_264, %dma_wait3A_269] : memref<80x128xi32, #tpu.memory_space<vmem>> -> memref<1x128xi32, #tpu.memory_space<vmem>>
        %dma_wait3A_271 = tpu.memref_squeeze %dma_wait3A_270 : memref<1x128xi32, #tpu.memory_space<vmem>> -> memref<128xi32, #tpu.memory_space<vmem>>
        %dma_wait3A_272 = arith.constant 0 : i32
        %dma_wait3A_273 = arith.constant 0 : i32
        %dma_wait3A_274 = tpu.memref_slice %arg20[%dma_wait3A_272, %dma_wait3A_273] : memref<10112x128xbf16, #tpu.memory_space<vmem_shared>> -> memref<10112x128xbf16, #tpu.memory_space<vmem_shared>>
        tpu.wait_indirect_dma semaphore(%arg18 : memref<!tpu.dma_semaphore, #tpu.memory_space<semaphore_mem>>) src(%dma_wait3A_268 : memref<128x128xbf16, #tpu.memory_space<vmem>>) dst(%dma_wait3A_274 : memref<10112x128xbf16, #tpu.memory_space<vmem_shared>>)
      } else {
      }
      %add3A_101 = arith.constant 3 : i32
      %add3A_102 = arith.addi %add3A_75, %add3A_101 : i32
      %lt3A = arith.constant 80 : i32
      %lt3A_103 = arith.cmpi slt, %add3A_102, %lt3A : i32
      %convert_element_type3A_104 = arith.extui %lt3A_103 : i1 to i32
      %cond3A_105 = arith.constant 0 : i32
      %cond3A_106 = arith.cmpi ne, %convert_element_type3A_104, %cond3A_105 : i32
      scf.if %cond3A_106 {
        %add3A_263 = arith.constant 3 : i32
        %add3A_264 = arith.addi %add3A_75, %add3A_263 : i32
        %dma_start3A_265 = arith.constant 3 : i32
        %dma_start3A_266 = arith.constant 0 : i32
        %dma_start3A_267 = arith.constant 0 : i32
        %dma_start3A_268 = tpu.memref_slice %arg9[%dma_start3A_265, %dma_start3A_266, %dma_start3A_267] : memref<5x128x128xbf16, #tpu.memory_space<vmem>> -> memref<1x128x128xbf16, #tpu.memory_space<vmem>>
        %dma_start3A_269 = tpu.memref_squeeze %dma_start3A_268 : memref<1x128x128xbf16, #tpu.memory_space<vmem>> -> memref<128x128xbf16, #tpu.memory_space<vmem>>
        %dma_start3A_270 = arith.constant 0 : i32
        %dma_start3A_271 = tpu.memref_slice %arg7[%add3A_264, %dma_start3A_270] : memref<80x128xi32, #tpu.memory_space<vmem>> -> memref<1x128xi32, #tpu.memory_space<vmem>>
        %dma_start3A_272 = tpu.memref_squeeze %dma_start3A_271 : memref<1x128xi32, #tpu.memory_space<vmem>> -> memref<128xi32, #tpu.memory_space<vmem>>
        %dma_start3A_273 = arith.constant 0 : i32
        %dma_start3A_274 = arith.constant 0 : i32
        %dma_start3A_275 = tpu.memref_slice %arg2[%dma_start3A_273, %dma_start3A_274] : memref<10000x128xbf16, #tpu.memory_space<hbm>> -> memref<10000x128xbf16, #tpu.memory_space<hbm>>
        tpu.enqueue_indirect_dma source(%dma_start3A_275 : memref<10000x128xbf16, #tpu.memory_space<hbm>>) target(%dma_start3A_269 : memref<128x128xbf16, #tpu.memory_space<vmem>>) offsets(%dma_start3A_272 : memref<128xi32, #tpu.memory_space<vmem>>) semaphore(%arg13 : memref<!tpu.dma_semaphore, #tpu.memory_space<semaphore_mem>>)
      } else {
      }
      %mul3A_107 = arith.constant 5 : i32
      %mul3A_108 = arith.muli %scan3A_71, %mul3A_107 : i32
      %add3A_109 = arith.constant 1 : i32
      %add3A_110 = arith.addi %mul3A_108, %add3A_109 : i32
      %dma_wait3A_111 = arith.constant 0 : i32
      %dma_wait3A_112 = arith.constant 1 : i32
      %dma_wait3A_113 = arith.constant 0 : i32
      %dma_wait3A_114 = arith.constant 0 : i32
      %dma_wait3A_115 = tpu.memref_slice %arg9[%dma_wait3A_112, %dma_wait3A_113, %dma_wait3A_114] : memref<5x128x128xbf16, #tpu.memory_space<vmem>> -> memref<1x128x128xbf16, #tpu.memory_space<vmem>>
      %dma_wait3A_116 = tpu.memref_squeeze %dma_wait3A_115 : memref<1x128x128xbf16, #tpu.memory_space<vmem>> -> memref<128x128xbf16, #tpu.memory_space<vmem>>
      %dma_wait3A_117 = arith.constant 0 : i32
      %dma_wait3A_118 = tpu.memref_slice %arg7[%dma_wait3A_111, %dma_wait3A_117] : memref<80x128xi32, #tpu.memory_space<vmem>> -> memref<1x128xi32, #tpu.memory_space<vmem>>
      %dma_wait3A_119 = tpu.memref_squeeze %dma_wait3A_118 : memref<1x128xi32, #tpu.memory_space<vmem>> -> memref<128xi32, #tpu.memory_space<vmem>>
      %dma_wait3A_120 = arith.constant 0 : i32
      %dma_wait3A_121 = arith.constant 0 : i32
      %dma_wait3A_122 = tpu.memref_slice %arg2[%dma_wait3A_120, %dma_wait3A_121] : memref<10000x128xbf16, #tpu.memory_space<hbm>> -> memref<10000x128xbf16, #tpu.memory_space<hbm>>
      tpu.wait_indirect_dma semaphore(%arg11 : memref<!tpu.dma_semaphore, #tpu.memory_space<semaphore_mem>>) src(%dma_wait3A_122 : memref<10000x128xbf16, #tpu.memory_space<hbm>>) dst(%dma_wait3A_116 : memref<128x128xbf16, #tpu.memory_space<vmem>>)
      %dma_start3A_123 = arith.constant 1 : i32
      %dma_start3A_124 = arith.constant 0 : i32
      %dma_start3A_125 = arith.constant 0 : i32
      %dma_start3A_126 = tpu.memref_slice %arg9[%dma_start3A_123, %dma_start3A_124, %dma_start3A_125] : memref<5x128x128xbf16, #tpu.memory_space<vmem>> -> memref<1x128x128xbf16, #tpu.memory_space<vmem>>
      %dma_start3A_127 = tpu.memref_squeeze %dma_start3A_126 : memref<1x128x128xbf16, #tpu.memory_space<vmem>> -> memref<128x128xbf16, #tpu.memory_space<vmem>>
      %dma_start3A_128 = arith.constant 0 : i32
      %dma_start3A_129 = tpu.memref_slice %arg8[%add3A_110, %dma_start3A_128] : memref<80x128xi32, #tpu.memory_space<vmem>> -> memref<1x128xi32, #tpu.memory_space<vmem>>
      %dma_start3A_130 = tpu.memref_squeeze %dma_start3A_129 : memref<1x128xi32, #tpu.memory_space<vmem>> -> memref<128xi32, #tpu.memory_space<vmem>>
      %dma_start3A_131 = arith.constant 0 : i32
      %dma_start3A_132 = arith.constant 0 : i32
      %dma_start3A_133 = tpu.memref_slice %arg20[%dma_start3A_131, %dma_start3A_132] : memref<10112x128xbf16, #tpu.memory_space<vmem_shared>> -> memref<10112x128xbf16, #tpu.memory_space<vmem_shared>>
      tpu.enqueue_indirect_dma source(%dma_start3A_127 : memref<128x128xbf16, #tpu.memory_space<vmem>>) target(%dma_start3A_133 : memref<10112x128xbf16, #tpu.memory_space<vmem_shared>>) offsets(%dma_start3A_130 : memref<128xi32, #tpu.memory_space<vmem>>) semaphore(%arg16 : memref<!tpu.dma_semaphore, #tpu.memory_space<semaphore_mem>>) {add = true}
      %ge3A_134 = arith.constant 2 : i32
      %ge3A_135 = arith.cmpi sge, %add3A_110, %ge3A_134 : i32
      %convert_element_type3A_136 = arith.extui %ge3A_135 : i1 to i32
      %cond3A_137 = arith.constant 0 : i32
      %cond3A_138 = arith.cmpi ne, %convert_element_type3A_136, %cond3A_137 : i32
      scf.if %cond3A_138 {
        %dma_wait3A_263 = arith.constant 4 : i32
        %dma_wait3A_264 = arith.constant 0 : i32
        %dma_wait3A_265 = arith.constant 0 : i32
        %dma_wait3A_266 = arith.constant 0 : i32
        %dma_wait3A_267 = tpu.memref_slice %arg9[%dma_wait3A_263, %dma_wait3A_265, %dma_wait3A_266] : memref<5x128x128xbf16, #tpu.memory_space<vmem>> -> memref<1x128x128xbf16, #tpu.memory_space<vmem>>
        %dma_wait3A_268 = tpu.memref_squeeze %dma_wait3A_267 : memref<1x128x128xbf16, #tpu.memory_space<vmem>> -> memref<128x128xbf16, #tpu.memory_space<vmem>>
        %dma_wait3A_269 = arith.constant 0 : i32
        %dma_wait3A_270 = tpu.memref_slice %arg8[%dma_wait3A_264, %dma_wait3A_269] : memref<80x128xi32, #tpu.memory_space<vmem>> -> memref<1x128xi32, #tpu.memory_space<vmem>>
        %dma_wait3A_271 = tpu.memref_squeeze %dma_wait3A_270 : memref<1x128xi32, #tpu.memory_space<vmem>> -> memref<128xi32, #tpu.memory_space<vmem>>
        %dma_wait3A_272 = arith.constant 0 : i32
        %dma_wait3A_273 = arith.constant 0 : i32
        %dma_wait3A_274 = tpu.memref_slice %arg20[%dma_wait3A_272, %dma_wait3A_273] : memref<10112x128xbf16, #tpu.memory_space<vmem_shared>> -> memref<10112x128xbf16, #tpu.memory_space<vmem_shared>>
        tpu.wait_indirect_dma semaphore(%arg19 : memref<!tpu.dma_semaphore, #tpu.memory_space<semaphore_mem>>) src(%dma_wait3A_268 : memref<128x128xbf16, #tpu.memory_space<vmem>>) dst(%dma_wait3A_274 : memref<10112x128xbf16, #tpu.memory_space<vmem_shared>>)
      } else {
      }
      %add3A_139 = arith.constant 3 : i32
      %add3A_140 = arith.addi %add3A_110, %add3A_139 : i32
      %lt3A_141 = arith.constant 80 : i32
      %lt3A_142 = arith.cmpi slt, %add3A_140, %lt3A_141 : i32
      %convert_element_type3A_143 = arith.extui %lt3A_142 : i1 to i32
      %cond3A_144 = arith.constant 0 : i32
      %cond3A_145 = arith.cmpi ne, %convert_element_type3A_143, %cond3A_144 : i32
      scf.if %cond3A_145 {
        %add3A_263 = arith.constant 3 : i32
        %add3A_264 = arith.addi %add3A_110, %add3A_263 : i32
        %dma_start3A_265 = arith.constant 4 : i32
        %dma_start3A_266 = arith.constant 0 : i32
        %dma_start3A_267 = arith.constant 0 : i32
        %dma_start3A_268 = tpu.memref_slice %arg9[%dma_start3A_265, %dma_start3A_266, %dma_start3A_267] : memref<5x128x128xbf16, #tpu.memory_space<vmem>> -> memref<1x128x128xbf16, #tpu.memory_space<vmem>>
        %dma_start3A_269 = tpu.memref_squeeze %dma_start3A_268 : memref<1x128x128xbf16, #tpu.memory_space<vmem>> -> memref<128x128xbf16, #tpu.memory_space<vmem>>
        %dma_start3A_270 = arith.constant 0 : i32
        %dma_start3A_271 = tpu.memref_slice %arg7[%add3A_264, %dma_start3A_270] : memref<80x128xi32, #tpu.memory_space<vmem>> -> memref<1x128xi32, #tpu.memory_space<vmem>>
        %dma_start3A_272 = tpu.memref_squeeze %dma_start3A_271 : memref<1x128xi32, #tpu.memory_space<vmem>> -> memref<128xi32, #tpu.memory_space<vmem>>
        %dma_start3A_273 = arith.constant 0 : i32
        %dma_start3A_274 = arith.constant 0 : i32
        %dma_start3A_275 = tpu.memref_slice %arg2[%dma_start3A_273, %dma_start3A_274] : memref<10000x128xbf16, #tpu.memory_space<hbm>> -> memref<10000x128xbf16, #tpu.memory_space<hbm>>
        tpu.enqueue_indirect_dma source(%dma_start3A_275 : memref<10000x128xbf16, #tpu.memory_space<hbm>>) target(%dma_start3A_269 : memref<128x128xbf16, #tpu.memory_space<vmem>>) offsets(%dma_start3A_272 : memref<128xi32, #tpu.memory_space<vmem>>) semaphore(%arg14 : memref<!tpu.dma_semaphore, #tpu.memory_space<semaphore_mem>>)
      } else {
      }
      %mul3A_146 = arith.constant 5 : i32
      %mul3A_147 = arith.muli %scan3A_71, %mul3A_146 : i32
      %add3A_148 = arith.constant 2 : i32
      %add3A_149 = arith.addi %mul3A_147, %add3A_148 : i32
      %dma_wait3A_150 = arith.constant 0 : i32
      %dma_wait3A_151 = arith.constant 2 : i32
      %dma_wait3A_152 = arith.constant 0 : i32
      %dma_wait3A_153 = arith.constant 0 : i32
      %dma_wait3A_154 = tpu.memref_slice %arg9[%dma_wait3A_151, %dma_wait3A_152, %dma_wait3A_153] : memref<5x128x128xbf16, #tpu.memory_space<vmem>> -> memref<1x128x128xbf16, #tpu.memory_space<vmem>>
      %dma_wait3A_155 = tpu.memref_squeeze %dma_wait3A_154 : memref<1x128x128xbf16, #tpu.memory_space<vmem>> -> memref<128x128xbf16, #tpu.memory_space<vmem>>
      %dma_wait3A_156 = arith.constant 0 : i32
      %dma_wait3A_157 = tpu.memref_slice %arg7[%dma_wait3A_150, %dma_wait3A_156] : memref<80x128xi32, #tpu.memory_space<vmem>> -> memref<1x128xi32, #tpu.memory_space<vmem>>
      %dma_wait3A_158 = tpu.memref_squeeze %dma_wait3A_157 : memref<1x128xi32, #tpu.memory_space<vmem>> -> memref<128xi32, #tpu.memory_space<vmem>>
      %dma_wait3A_159 = arith.constant 0 : i32
      %dma_wait3A_160 = arith.constant 0 : i32
      %dma_wait3A_161 = tpu.memref_slice %arg2[%dma_wait3A_159, %dma_wait3A_160] : memref<10000x128xbf16, #tpu.memory_space<hbm>> -> memref<10000x128xbf16, #tpu.memory_space<hbm>>
      tpu.wait_indirect_dma semaphore(%arg12 : memref<!tpu.dma_semaphore, #tpu.memory_space<semaphore_mem>>) src(%dma_wait3A_161 : memref<10000x128xbf16, #tpu.memory_space<hbm>>) dst(%dma_wait3A_155 : memref<128x128xbf16, #tpu.memory_space<vmem>>)
      %dma_start3A_162 = arith.constant 2 : i32
      %dma_start3A_163 = arith.constant 0 : i32
      %dma_start3A_164 = arith.constant 0 : i32
      %dma_start3A_165 = tpu.memref_slice %arg9[%dma_start3A_162, %dma_start3A_163, %dma_start3A_164] : memref<5x128x128xbf16, #tpu.memory_space<vmem>> -> memref<1x128x128xbf16, #tpu.memory_space<vmem>>
      %dma_start3A_166 = tpu.memref_squeeze %dma_start3A_165 : memref<1x128x128xbf16, #tpu.memory_space<vmem>> -> memref<128x128xbf16, #tpu.memory_space<vmem>>
      %dma_start3A_167 = arith.constant 0 : i32
      %dma_start3A_168 = tpu.memref_slice %arg8[%add3A_149, %dma_start3A_167] : memref<80x128xi32, #tpu.memory_space<vmem>> -> memref<1x128xi32, #tpu.memory_space<vmem>>
      %dma_start3A_169 = tpu.memref_squeeze %dma_start3A_168 : memref<1x128xi32, #tpu.memory_space<vmem>> -> memref<128xi32, #tpu.memory_space<vmem>>
      %dma_start3A_170 = arith.constant 0 : i32
      %dma_start3A_171 = arith.constant 0 : i32
      %dma_start3A_172 = tpu.memref_slice %arg20[%dma_start3A_170, %dma_start3A_171] : memref<10112x128xbf16, #tpu.memory_space<vmem_shared>> -> memref<10112x128xbf16, #tpu.memory_space<vmem_shared>>
      tpu.enqueue_indirect_dma source(%dma_start3A_166 : memref<128x128xbf16, #tpu.memory_space<vmem>>) target(%dma_start3A_172 : memref<10112x128xbf16, #tpu.memory_space<vmem_shared>>) offsets(%dma_start3A_169 : memref<128xi32, #tpu.memory_space<vmem>>) semaphore(%arg17 : memref<!tpu.dma_semaphore, #tpu.memory_space<semaphore_mem>>) {add = true}
      %ge3A_173 = arith.constant 2 : i32
      %ge3A_174 = arith.cmpi sge, %add3A_149, %ge3A_173 : i32
      %convert_element_type3A_175 = arith.extui %ge3A_174 : i1 to i32
      %cond3A_176 = arith.constant 0 : i32
      %cond3A_177 = arith.cmpi ne, %convert_element_type3A_175, %cond3A_176 : i32
      scf.if %cond3A_177 {
        %dma_wait3A_263 = arith.constant 0 : i32
        %dma_wait3A_264 = arith.constant 0 : i32
        %dma_wait3A_265 = arith.constant 0 : i32
        %dma_wait3A_266 = arith.constant 0 : i32
        %dma_wait3A_267 = tpu.memref_slice %arg9[%dma_wait3A_263, %dma_wait3A_265, %dma_wait3A_266] : memref<5x128x128xbf16, #tpu.memory_space<vmem>> -> memref<1x128x128xbf16, #tpu.memory_space<vmem>>
        %dma_wait3A_268 = tpu.memref_squeeze %dma_wait3A_267 : memref<1x128x128xbf16, #tpu.memory_space<vmem>> -> memref<128x128xbf16, #tpu.memory_space<vmem>>
        %dma_wait3A_269 = arith.constant 0 : i32
        %dma_wait3A_270 = tpu.memref_slice %arg8[%dma_wait3A_264, %dma_wait3A_269] : memref<80x128xi32, #tpu.memory_space<vmem>> -> memref<1x128xi32, #tpu.memory_space<vmem>>
        %dma_wait3A_271 = tpu.memref_squeeze %dma_wait3A_270 : memref<1x128xi32, #tpu.memory_space<vmem>> -> memref<128xi32, #tpu.memory_space<vmem>>
        %dma_wait3A_272 = arith.constant 0 : i32
        %dma_wait3A_273 = arith.constant 0 : i32
        %dma_wait3A_274 = tpu.memref_slice %arg20[%dma_wait3A_272, %dma_wait3A_273] : memref<10112x128xbf16, #tpu.memory_space<vmem_shared>> -> memref<10112x128xbf16, #tpu.memory_space<vmem_shared>>
        tpu.wait_indirect_dma semaphore(%arg15 : memref<!tpu.dma_semaphore, #tpu.memory_space<semaphore_mem>>) src(%dma_wait3A_268 : memref<128x128xbf16, #tpu.memory_space<vmem>>) dst(%dma_wait3A_274 : memref<10112x128xbf16, #tpu.memory_space<vmem_shared>>)
      } else {
      }
      %add3A_178 = arith.constant 3 : i32
      %add3A_179 = arith.addi %add3A_149, %add3A_178 : i32
      %lt3A_180 = arith.constant 80 : i32
      %lt3A_181 = arith.cmpi slt, %add3A_179, %lt3A_180 : i32
      %convert_element_type3A_182 = arith.extui %lt3A_181 : i1 to i32
      %cond3A_183 = arith.constant 0 : i32
      %cond3A_184 = arith.cmpi ne, %convert_element_type3A_182, %cond3A_183 : i32
      scf.if %cond3A_184 {
        %add3A_263 = arith.constant 3 : i32
        %add3A_264 = arith.addi %add3A_149, %add3A_263 : i32
        %dma_start3A_265 = arith.constant 0 : i32
        %dma_start3A_266 = arith.constant 0 : i32
        %dma_start3A_267 = arith.constant 0 : i32
        %dma_start3A_268 = tpu.memref_slice %arg9[%dma_start3A_265, %dma_start3A_266, %dma_start3A_267] : memref<5x128x128xbf16, #tpu.memory_space<vmem>> -> memref<1x128x128xbf16, #tpu.memory_space<vmem>>
        %dma_start3A_269 = tpu.memref_squeeze %dma_start3A_268 : memref<1x128x128xbf16, #tpu.memory_space<vmem>> -> memref<128x128xbf16, #tpu.memory_space<vmem>>
        %dma_start3A_270 = arith.constant 0 : i32
        %dma_start3A_271 = tpu.memref_slice %arg7[%add3A_264, %dma_start3A_270] : memref<80x128xi32, #tpu.memory_space<vmem>> -> memref<1x128xi32, #tpu.memory_space<vmem>>
        %dma_start3A_272 = tpu.memref_squeeze %dma_start3A_271 : memref<1x128xi32, #tpu.memory_space<vmem>> -> memref<128xi32, #tpu.memory_space<vmem>>
        %dma_start3A_273 = arith.constant 0 : i32
        %dma_start3A_274 = arith.constant 0 : i32
        %dma_start3A_275 = tpu.memref_slice %arg2[%dma_start3A_273, %dma_start3A_274] : memref<10000x128xbf16, #tpu.memory_space<hbm>> -> memref<10000x128xbf16, #tpu.memory_space<hbm>>
        tpu.enqueue_indirect_dma source(%dma_start3A_275 : memref<10000x128xbf16, #tpu.memory_space<hbm>>) target(%dma_start3A_269 : memref<128x128xbf16, #tpu.memory_space<vmem>>) offsets(%dma_start3A_272 : memref<128xi32, #tpu.memory_space<vmem>>) semaphore(%arg10 : memref<!tpu.dma_semaphore, #tpu.memory_space<semaphore_mem>>)
      } else {
      }
      %mul3A_185 = arith.constant 5 : i32
      %mul3A_186 = arith.muli %scan3A_71, %mul3A_185 : i32
      %add3A_187 = arith.constant 3 : i32
      %add3A_188 = arith.addi %mul3A_186, %add3A_187 : i32
      %dma_wait3A_189 = arith.constant 0 : i32
      %dma_wait3A_190 = arith.constant 3 : i32
      %dma_wait3A_191 = arith.constant 0 : i32
      %dma_wait3A_192 = arith.constant 0 : i32
      %dma_wait3A_193 = tpu.memref_slice %arg9[%dma_wait3A_190, %dma_wait3A_191, %dma_wait3A_192] : memref<5x128x128xbf16, #tpu.memory_space<vmem>> -> memref<1x128x128xbf16, #tpu.memory_space<vmem>>
      %dma_wait3A_194 = tpu.memref_squeeze %dma_wait3A_193 : memref<1x128x128xbf16, #tpu.memory_space<vmem>> -> memref<128x128xbf16, #tpu.memory_space<vmem>>
      %dma_wait3A_195 = arith.constant 0 : i32
      %dma_wait3A_196 = tpu.memref_slice %arg7[%dma_wait3A_189, %dma_wait3A_195] : memref<80x128xi32, #tpu.memory_space<vmem>> -> memref<1x128xi32, #tpu.memory_space<vmem>>
      %dma_wait3A_197 = tpu.memref_squeeze %dma_wait3A_196 : memref<1x128xi32, #tpu.memory_space<vmem>> -> memref<128xi32, #tpu.memory_space<vmem>>
      %dma_wait3A_198 = arith.constant 0 : i32
      %dma_wait3A_199 = arith.constant 0 : i32
      %dma_wait3A_200 = tpu.memref_slice %arg2[%dma_wait3A_198, %dma_wait3A_199] : memref<10000x128xbf16, #tpu.memory_space<hbm>> -> memref<10000x128xbf16, #tpu.memory_space<hbm>>
      tpu.wait_indirect_dma semaphore(%arg13 : memref<!tpu.dma_semaphore, #tpu.memory_space<semaphore_mem>>) src(%dma_wait3A_200 : memref<10000x128xbf16, #tpu.memory_space<hbm>>) dst(%dma_wait3A_194 : memref<128x128xbf16, #tpu.memory_space<vmem>>)
      %dma_start3A_201 = arith.constant 3 : i32
      %dma_start3A_202 = arith.constant 0 : i32
      %dma_start3A_203 = arith.constant 0 : i32
      %dma_start3A_204 = tpu.memref_slice %arg9[%dma_start3A_201, %dma_start3A_202, %dma_start3A_203] : memref<5x128x128xbf16, #tpu.memory_space<vmem>> -> memref<1x128x128xbf16, #tpu.memory_space<vmem>>
      %dma_start3A_205 = tpu.memref_squeeze %dma_start3A_204 : memref<1x128x128xbf16, #tpu.memory_space<vmem>> -> memref<128x128xbf16, #tpu.memory_space<vmem>>
      %dma_start3A_206 = arith.constant 0 : i32
      %dma_start3A_207 = tpu.memref_slice %arg8[%add3A_188, %dma_start3A_206] : memref<80x128xi32, #tpu.memory_space<vmem>> -> memref<1x128xi32, #tpu.memory_space<vmem>>
      %dma_start3A_208 = tpu.memref_squeeze %dma_start3A_207 : memref<1x128xi32, #tpu.memory_space<vmem>> -> memref<128xi32, #tpu.memory_space<vmem>>
      %dma_start3A_209 = arith.constant 0 : i32
      %dma_start3A_210 = arith.constant 0 : i32
      %dma_start3A_211 = tpu.memref_slice %arg20[%dma_start3A_209, %dma_start3A_210] : memref<10112x128xbf16, #tpu.memory_space<vmem_shared>> -> memref<10112x128xbf16, #tpu.memory_space<vmem_shared>>
      tpu.enqueue_indirect_dma source(%dma_start3A_205 : memref<128x128xbf16, #tpu.memory_space<vmem>>) target(%dma_start3A_211 : memref<10112x128xbf16, #tpu.memory_space<vmem_shared>>) offsets(%dma_start3A_208 : memref<128xi32, #tpu.memory_space<vmem>>) semaphore(%arg18 : memref<!tpu.dma_semaphore, #tpu.memory_space<semaphore_mem>>) {add = true}
      %ge3A_212 = arith.constant 2 : i32
      %ge3A_213 = arith.cmpi sge, %add3A_188, %ge3A_212 : i32
      %convert_element_type3A_214 = arith.extui %ge3A_213 : i1 to i32
      %cond3A_215 = arith.constant 0 : i32
      %cond3A_216 = arith.cmpi ne, %convert_element_type3A_214, %cond3A_215 : i32
      scf.if %cond3A_216 {
        %dma_wait3A_263 = arith.constant 1 : i32
        %dma_wait3A_264 = arith.constant 0 : i32
        %dma_wait3A_265 = arith.constant 0 : i32
        %dma_wait3A_266 = arith.constant 0 : i32
        %dma_wait3A_267 = tpu.memref_slice %arg9[%dma_wait3A_263, %dma_wait3A_265, %dma_wait3A_266] : memref<5x128x128xbf16, #tpu.memory_space<vmem>> -> memref<1x128x128xbf16, #tpu.memory_space<vmem>>
        %dma_wait3A_268 = tpu.memref_squeeze %dma_wait3A_267 : memref<1x128x128xbf16, #tpu.memory_space<vmem>> -> memref<128x128xbf16, #tpu.memory_space<vmem>>
        %dma_wait3A_269 = arith.constant 0 : i32
        %dma_wait3A_270 = tpu.memref_slice %arg8[%dma_wait3A_264, %dma_wait3A_269] : memref<80x128xi32, #tpu.memory_space<vmem>> -> memref<1x128xi32, #tpu.memory_space<vmem>>
        %dma_wait3A_271 = tpu.memref_squeeze %dma_wait3A_270 : memref<1x128xi32, #tpu.memory_space<vmem>> -> memref<128xi32, #tpu.memory_space<vmem>>
        %dma_wait3A_272 = arith.constant 0 : i32
        %dma_wait3A_273 = arith.constant 0 : i32
        %dma_wait3A_274 = tpu.memref_slice %arg20[%dma_wait3A_272, %dma_wait3A_273] : memref<10112x128xbf16, #tpu.memory_space<vmem_shared>> -> memref<10112x128xbf16, #tpu.memory_space<vmem_shared>>
        tpu.wait_indirect_dma semaphore(%arg16 : memref<!tpu.dma_semaphore, #tpu.memory_space<semaphore_mem>>) src(%dma_wait3A_268 : memref<128x128xbf16, #tpu.memory_space<vmem>>) dst(%dma_wait3A_274 : memref<10112x128xbf16, #tpu.memory_space<vmem_shared>>)
      } else {
      }
      %add3A_217 = arith.constant 3 : i32
      %add3A_218 = arith.addi %add3A_188, %add3A_217 : i32
      %lt3A_219 = arith.constant 80 : i32
      %lt3A_220 = arith.cmpi slt, %add3A_218, %lt3A_219 : i32
      %convert_element_type3A_221 = arith.extui %lt3A_220 : i1 to i32
      %cond3A_222 = arith.constant 0 : i32
      %cond3A_223 = arith.cmpi ne, %convert_element_type3A_221, %cond3A_222 : i32
      scf.if %cond3A_223 {
        %add3A_263 = arith.constant 3 : i32
        %add3A_264 = arith.addi %add3A_188, %add3A_263 : i32
        %dma_start3A_265 = arith.constant 1 : i32
        %dma_start3A_266 = arith.constant 0 : i32
        %dma_start3A_267 = arith.constant 0 : i32
        %dma_start3A_268 = tpu.memref_slice %arg9[%dma_start3A_265, %dma_start3A_266, %dma_start3A_267] : memref<5x128x128xbf16, #tpu.memory_space<vmem>> -> memref<1x128x128xbf16, #tpu.memory_space<vmem>>
        %dma_start3A_269 = tpu.memref_squeeze %dma_start3A_268 : memref<1x128x128xbf16, #tpu.memory_space<vmem>> -> memref<128x128xbf16, #tpu.memory_space<vmem>>
        %dma_start3A_270 = arith.constant 0 : i32
        %dma_start3A_271 = tpu.memref_slice %arg7[%add3A_264, %dma_start3A_270] : memref<80x128xi32, #tpu.memory_space<vmem>> -> memref<1x128xi32, #tpu.memory_space<vmem>>
        %dma_start3A_272 = tpu.memref_squeeze %dma_start3A_271 : memref<1x128xi32, #tpu.memory_space<vmem>> -> memref<128xi32, #tpu.memory_space<vmem>>
        %dma_start3A_273 = arith.constant 0 : i32
        %dma_start3A_274 = arith.constant 0 : i32
        %dma_start3A_275 = tpu.memref_slice %arg2[%dma_start3A_273, %dma_start3A_274] : memref<10000x128xbf16, #tpu.memory_space<hbm>> -> memref<10000x128xbf16, #tpu.memory_space<hbm>>
        tpu.enqueue_indirect_dma source(%dma_start3A_275 : memref<10000x128xbf16, #tpu.memory_space<hbm>>) target(%dma_start3A_269 : memref<128x128xbf16, #tpu.memory_space<vmem>>) offsets(%dma_start3A_272 : memref<128xi32, #tpu.memory_space<vmem>>) semaphore(%arg11 : memref<!tpu.dma_semaphore, #tpu.memory_space<semaphore_mem>>)
      } else {
      }
      %mul3A_224 = arith.constant 5 : i32
      %mul3A_225 = arith.muli %scan3A_71, %mul3A_224 : i32
      %add3A_226 = arith.constant 4 : i32
      %add3A_227 = arith.addi %mul3A_225, %add3A_226 : i32
      %dma_wait3A_228 = arith.constant 0 : i32
      %dma_wait3A_229 = arith.constant 4 : i32
      %dma_wait3A_230 = arith.constant 0 : i32
      %dma_wait3A_231 = arith.constant 0 : i32
      %dma_wait3A_232 = tpu.memref_slice %arg9[%dma_wait3A_229, %dma_wait3A_230, %dma_wait3A_231] : memref<5x128x128xbf16, #tpu.memory_space<vmem>> -> memref<1x128x128xbf16, #tpu.memory_space<vmem>>
      %dma_wait3A_233 = tpu.memref_squeeze %dma_wait3A_232 : memref<1x128x128xbf16, #tpu.memory_space<vmem>> -> memref<128x128xbf16, #tpu.memory_space<vmem>>
      %dma_wait3A_234 = arith.constant 0 : i32
      %dma_wait3A_235 = tpu.memref_slice %arg7[%dma_wait3A_228, %dma_wait3A_234] : memref<80x128xi32, #tpu.memory_space<vmem>> -> memref<1x128xi32, #tpu.memory_space<vmem>>
      %dma_wait3A_236 = tpu.memref_squeeze %dma_wait3A_235 : memref<1x128xi32, #tpu.memory_space<vmem>> -> memref<128xi32, #tpu.memory_space<vmem>>
      %dma_wait3A_237 = arith.constant 0 : i32
      %dma_wait3A_238 = arith.constant 0 : i32
      %dma_wait3A_239 = tpu.memref_slice %arg2[%dma_wait3A_237, %dma_wait3A_238] : memref<10000x128xbf16, #tpu.memory_space<hbm>> -> memref<10000x128xbf16, #tpu.memory_space<hbm>>
      tpu.wait_indirect_dma semaphore(%arg14 : memref<!tpu.dma_semaphore, #tpu.memory_space<semaphore_mem>>) src(%dma_wait3A_239 : memref<10000x128xbf16, #tpu.memory_space<hbm>>) dst(%dma_wait3A_233 : memref<128x128xbf16, #tpu.memory_space<vmem>>)
      %dma_start3A_240 = arith.constant 4 : i32
      %dma_start3A_241 = arith.constant 0 : i32
      %dma_start3A_242 = arith.constant 0 : i32
      %dma_start3A_243 = tpu.memref_slice %arg9[%dma_start3A_240, %dma_start3A_241, %dma_start3A_242] : memref<5x128x128xbf16, #tpu.memory_space<vmem>> -> memref<1x128x128xbf16, #tpu.memory_space<vmem>>
      %dma_start3A_244 = tpu.memref_squeeze %dma_start3A_243 : memref<1x128x128xbf16, #tpu.memory_space<vmem>> -> memref<128x128xbf16, #tpu.memory_space<vmem>>
      %dma_start3A_245 = arith.constant 0 : i32
      %dma_start3A_246 = tpu.memref_slice %arg8[%add3A_227, %dma_start3A_245] : memref<80x128xi32, #tpu.memory_space<vmem>> -> memref<1x128xi32, #tpu.memory_space<vmem>>
      %dma_start3A_247 = tpu.memref_squeeze %dma_start3A_246 : memref<1x128xi32, #tpu.memory_space<vmem>> -> memref<128xi32, #tpu.memory_space<vmem>>
      %dma_start3A_248 = arith.constant 0 : i32
      %dma_start3A_249 = arith.constant 0 : i32
      %dma_start3A_250 = tpu.memref_slice %arg20[%dma_start3A_248, %dma_start3A_249] : memref<10112x128xbf16, #tpu.memory_space<vmem_shared>> -> memref<10112x128xbf16, #tpu.memory_space<vmem_shared>>
      tpu.enqueue_indirect_dma source(%dma_start3A_244 : memref<128x128xbf16, #tpu.memory_space<vmem>>) target(%dma_start3A_250 : memref<10112x128xbf16, #tpu.memory_space<vmem_shared>>) offsets(%dma_start3A_247 : memref<128xi32, #tpu.memory_space<vmem>>) semaphore(%arg19 : memref<!tpu.dma_semaphore, #tpu.memory_space<semaphore_mem>>) {add = true}
      %ge3A_251 = arith.constant 2 : i32
      %ge3A_252 = arith.cmpi sge, %add3A_227, %ge3A_251 : i32
      %convert_element_type3A_253 = arith.extui %ge3A_252 : i1 to i32
      %cond3A_254 = arith.constant 0 : i32
      %cond3A_255 = arith.cmpi ne, %convert_element_type3A_253, %cond3A_254 : i32
      scf.if %cond3A_255 {
        %dma_wait3A_263 = arith.constant 2 : i32
        %dma_wait3A_264 = arith.constant 0 : i32
        %dma_wait3A_265 = arith.constant 0 : i32
        %dma_wait3A_266 = arith.constant 0 : i32
        %dma_wait3A_267 = tpu.memref_slice %arg9[%dma_wait3A_263, %dma_wait3A_265, %dma_wait3A_266] : memref<5x128x128xbf16, #tpu.memory_space<vmem>> -> memref<1x128x128xbf16, #tpu.memory_space<vmem>>
        %dma_wait3A_268 = tpu.memref_squeeze %dma_wait3A_267 : memref<1x128x128xbf16, #tpu.memory_space<vmem>> -> memref<128x128xbf16, #tpu.memory_space<vmem>>
        %dma_wait3A_269 = arith.constant 0 : i32
        %dma_wait3A_270 = tpu.memref_slice %arg8[%dma_wait3A_264, %dma_wait3A_269] : memref<80x128xi32, #tpu.memory_space<vmem>> -> memref<1x128xi32, #tpu.memory_space<vmem>>
        %dma_wait3A_271 = tpu.memref_squeeze %dma_wait3A_270 : memref<1x128xi32, #tpu.memory_space<vmem>> -> memref<128xi32, #tpu.memory_space<vmem>>
        %dma_wait3A_272 = arith.constant 0 : i32
        %dma_wait3A_273 = arith.constant 0 : i32
        %dma_wait3A_274 = tpu.memref_slice %arg20[%dma_wait3A_272, %dma_wait3A_273] : memref<10112x128xbf16, #tpu.memory_space<vmem_shared>> -> memref<10112x128xbf16, #tpu.memory_space<vmem_shared>>
        tpu.wait_indirect_dma semaphore(%arg17 : memref<!tpu.dma_semaphore, #tpu.memory_space<semaphore_mem>>) src(%dma_wait3A_268 : memref<128x128xbf16, #tpu.memory_space<vmem>>) dst(%dma_wait3A_274 : memref<10112x128xbf16, #tpu.memory_space<vmem_shared>>)
      } else {
      }
      %add3A_256 = arith.constant 3 : i32
      %add3A_257 = arith.addi %add3A_227, %add3A_256 : i32
      %lt3A_258 = arith.constant 80 : i32
      %lt3A_259 = arith.cmpi slt, %add3A_257, %lt3A_258 : i32
      %convert_element_type3A_260 = arith.extui %lt3A_259 : i1 to i32
      %cond3A_261 = arith.constant 0 : i32
      %cond3A_262 = arith.cmpi ne, %convert_element_type3A_260, %cond3A_261 : i32
      scf.if %cond3A_262 {
        %add3A_263 = arith.constant 3 : i32
        %add3A_264 = arith.addi %add3A_227, %add3A_263 : i32
        %dma_start3A_265 = arith.constant 2 : i32
        %dma_start3A_266 = arith.constant 0 : i32
        %dma_start3A_267 = arith.constant 0 : i32
        %dma_start3A_268 = tpu.memref_slice %arg9[%dma_start3A_265, %dma_start3A_266, %dma_start3A_267] : memref<5x128x128xbf16, #tpu.memory_space<vmem>> -> memref<1x128x128xbf16, #tpu.memory_space<vmem>>
        %dma_start3A_269 = tpu.memref_squeeze %dma_start3A_268 : memref<1x128x128xbf16, #tpu.memory_space<vmem>> -> memref<128x128xbf16, #tpu.memory_space<vmem>>
        %dma_start3A_270 = arith.constant 0 : i32
        %dma_start3A_271 = tpu.memref_slice %arg7[%add3A_264, %dma_start3A_270] : memref<80x128xi32, #tpu.memory_space<vmem>> -> memref<1x128xi32, #tpu.memory_space<vmem>>
        %dma_start3A_272 = tpu.memref_squeeze %dma_start3A_271 : memref<1x128xi32, #tpu.memory_space<vmem>> -> memref<128xi32, #tpu.memory_space<vmem>>
        %dma_start3A_273 = arith.constant 0 : i32
        %dma_start3A_274 = arith.constant 0 : i32
        %dma_start3A_275 = tpu.memref_slice %arg2[%dma_start3A_273, %dma_start3A_274] : memref<10000x128xbf16, #tpu.memory_space<hbm>> -> memref<10000x128xbf16, #tpu.memory_space<hbm>>
        tpu.enqueue_indirect_dma source(%dma_start3A_275 : memref<10000x128xbf16, #tpu.memory_space<hbm>>) target(%dma_start3A_269 : memref<128x128xbf16, #tpu.memory_space<vmem>>) offsets(%dma_start3A_272 : memref<128xi32, #tpu.memory_space<vmem>>) semaphore(%arg12 : memref<!tpu.dma_semaphore, #tpu.memory_space<semaphore_mem>>)
      } else {
      }
    }
    %scan3A_42 = arith.constant 16 : i32
    %dma_wait3A = arith.constant 3 : i32
    %dma_wait3A_43 = arith.constant 0 : i32
    %dma_wait3A_44 = arith.constant 0 : i32
    %dma_wait3A_45 = arith.constant 0 : i32
    %dma_wait3A_46 = tpu.memref_slice %arg9[%dma_wait3A, %dma_wait3A_44, %dma_wait3A_45] : memref<5x128x128xbf16, #tpu.memory_space<vmem>> -> memref<1x128x128xbf16, #tpu.memory_space<vmem>>
    %dma_wait3A_47 = tpu.memref_squeeze %dma_wait3A_46 : memref<1x128x128xbf16, #tpu.memory_space<vmem>> -> memref<128x128xbf16, #tpu.memory_space<vmem>>
    %dma_wait3A_48 = arith.constant 0 : i32
    %dma_wait3A_49 = tpu.memref_slice %arg8[%dma_wait3A_43, %dma_wait3A_48] : memref<80x128xi32, #tpu.memory_space<vmem>> -> memref<1x128xi32, #tpu.memory_space<vmem>>
    %dma_wait3A_50 = tpu.memref_squeeze %dma_wait3A_49 : memref<1x128xi32, #tpu.memory_space<vmem>> -> memref<128xi32, #tpu.memory_space<vmem>>
    %dma_wait3A_51 = arith.constant 0 : i32
    %dma_wait3A_52 = arith.constant 0 : i32
    %dma_wait3A_53 = tpu.memref_slice %arg20[%dma_wait3A_51, %dma_wait3A_52] : memref<10112x128xbf16, #tpu.memory_space<vmem_shared>> -> memref<10112x128xbf16, #tpu.memory_space<vmem_shared>>
    tpu.wait_indirect_dma semaphore(%arg18 : memref<!tpu.dma_semaphore, #tpu.memory_space<semaphore_mem>>) src(%dma_wait3A_47 : memref<128x128xbf16, #tpu.memory_space<vmem>>) dst(%dma_wait3A_53 : memref<10112x128xbf16, #tpu.memory_space<vmem_shared>>)
    %dma_wait3A_54 = arith.constant 4 : i32
    %dma_wait3A_55 = arith.constant 0 : i32
    %dma_wait3A_56 = arith.constant 0 : i32
    %dma_wait3A_57 = arith.constant 0 : i32
    %dma_wait3A_58 = tpu.memref_slice %arg9[%dma_wait3A_54, %dma_wait3A_56, %dma_wait3A_57] : memref<5x128x128xbf16, #tpu.memory_space<vmem>> -> memref<1x128x128xbf16, #tpu.memory_space<vmem>>
    %dma_wait3A_59 = tpu.memref_squeeze %dma_wait3A_58 : memref<1x128x128xbf16, #tpu.memory_space<vmem>> -> memref<128x128xbf16, #tpu.memory_space<vmem>>
    %dma_wait3A_60 = arith.constant 0 : i32
    %dma_wait3A_61 = tpu.memref_slice %arg8[%dma_wait3A_55, %dma_wait3A_60] : memref<80x128xi32, #tpu.memory_space<vmem>> -> memref<1x128xi32, #tpu.memory_space<vmem>>
    %dma_wait3A_62 = tpu.memref_squeeze %dma_wait3A_61 : memref<1x128xi32, #tpu.memory_space<vmem>> -> memref<128xi32, #tpu.memory_space<vmem>>
    %dma_wait3A_63 = arith.constant 0 : i32
    %dma_wait3A_64 = arith.constant 0 : i32
    %dma_wait3A_65 = tpu.memref_slice %arg20[%dma_wait3A_63, %dma_wait3A_64] : memref<10112x128xbf16, #tpu.memory_space<vmem_shared>> -> memref<10112x128xbf16, #tpu.memory_space<vmem_shared>>
    tpu.wait_indirect_dma semaphore(%arg19 : memref<!tpu.dma_semaphore, #tpu.memory_space<semaphore_mem>>) src(%dma_wait3A_59 : memref<128x128xbf16, #tpu.memory_space<vmem>>) dst(%dma_wait3A_65 : memref<10112x128xbf16, #tpu.memory_space<vmem_shared>>)
    %barrier3A_66 = arith.constant 0 : index
    tpu.barrier barrier_id(%barrier3A_66)
    %mul3A_67 = arith.constant 632 : i32
    %mul3A_68 = arith.muli %arg1, %mul3A_67 : i32
    %mul3A_69 = arith.constant 632 : i32
    %mul3A_70 = arith.muli %arg1, %mul3A_69 : i32
    "tpu.region"() ({
      %run_scoped3A = tpu.sem_alloc : memref<!tpu.dma_semaphore, #tpu.memory_space<semaphore_mem>>
      %dma_start3A_71 = arith.constant 0 : i32
      %dma_start3A_72 = tpu.memref_slice %arg6[%arg0, %mul3A_70, %dma_start3A_71] : memref<2x10112x128xbf16, #tpu.memory_space<hbm>> -> memref<1x632x128xbf16, #tpu.memory_space<hbm>>
      %dma_start3A_73 = tpu.memref_squeeze %dma_start3A_72 : memref<1x632x128xbf16, #tpu.memory_space<hbm>> -> memref<632x128xbf16, #tpu.memory_space<hbm>>
      %dma_start3A_74 = arith.constant 0 : i32
      %dma_start3A_75 = tpu.memref_slice %arg20[%mul3A_68, %dma_start3A_74] : memref<10112x128xbf16, #tpu.memory_space<vmem_shared>> -> memref<632x128xbf16, #tpu.memory_space<vmem_shared>>
      tpu.enqueue_dma source(%dma_start3A_75 : memref<632x128xbf16, #tpu.memory_space<vmem_shared>>) target(%dma_start3A_73 : memref<632x128xbf16, #tpu.memory_space<hbm>>) target_semaphore(%run_scoped3A : memref<!tpu.dma_semaphore, #tpu.memory_space<semaphore_mem>>)
      %dma_wait3A_76 = arith.constant 0 : i32
      %dma_wait3A_77 = tpu.memref_slice %arg6[%arg0, %mul3A_70, %dma_wait3A_76] : memref<2x10112x128xbf16, #tpu.memory_space<hbm>> -> memref<1x632x128xbf16, #tpu.memory_space<hbm>>
      %dma_wait3A_78 = tpu.memref_squeeze %dma_wait3A_77 : memref<1x632x128xbf16, #tpu.memory_space<hbm>> -> memref<632x128xbf16, #tpu.memory_space<hbm>>
      %dma_wait3A_79 = arith.constant 0 : i32
      %dma_wait3A_80 = tpu.memref_slice %arg20[%mul3A_68, %dma_wait3A_79] : memref<10112x128xbf16, #tpu.memory_space<vmem_shared>> -> memref<632x128xbf16, #tpu.memory_space<vmem_shared>>
      tpu.wait_dma2 semaphore(%run_scoped3A : memref<!tpu.dma_semaphore, #tpu.memory_space<semaphore_mem>>) src(%dma_wait3A_80 : memref<632x128xbf16, #tpu.memory_space<vmem_shared>>) dst(%dma_wait3A_78 : memref<632x128xbf16, #tpu.memory_space<hbm>>)
      tpu.yield
    }) : () -> ()
    return
  }
}

#map = affine_map<(d0, d1) -> (0, 0)>
#map1 = affine_map<(d0, d1) -> (0, 0, 0)>
module attributes {stable_mosaic.version = 14 : i64} {
  func.func @_sc_propagate(%arg0: i32, %arg1: i32, %arg2: memref<10000x128xbf16, #tpu.memory_space<hbm>>, %arg3: memref<32x80x128xi32, #tpu.memory_space<hbm>>, %arg4: memref<32x80x128xi32, #tpu.memory_space<hbm>>, %arg5: memref<632x128xbf16, #tpu.memory_space<hbm>>, %arg6: memref<2x10112x128xbf16, #tpu.memory_space<hbm>>, %arg7: memref<80x128xi32, #tpu.memory_space<vmem>>, %arg8: memref<80x128xi32, #tpu.memory_space<vmem>>, %arg9: memref<5x128x128xbf16, #tpu.memory_space<vmem>>, %arg10: memref<!tpu.dma_semaphore, #tpu.memory_space<semaphore_mem>>, %arg11: memref<!tpu.dma_semaphore, #tpu.memory_space<semaphore_mem>>, %arg12: memref<!tpu.dma_semaphore, #tpu.memory_space<semaphore_mem>>, %arg13: memref<!tpu.dma_semaphore, #tpu.memory_space<semaphore_mem>>, %arg14: memref<!tpu.dma_semaphore, #tpu.memory_space<semaphore_mem>>, %arg15: memref<!tpu.dma_semaphore, #tpu.memory_space<semaphore_mem>>, %arg16: memref<!tpu.dma_semaphore, #tpu.memory_space<semaphore_mem>>, %arg17: memref<!tpu.dma_semaphore, #tpu.memory_space<semaphore_mem>>, %arg18: memref<!tpu.dma_semaphore, #tpu.memory_space<semaphore_mem>>, %arg19: memref<!tpu.dma_semaphore, #tpu.memory_space<semaphore_mem>>, %arg20: memref<10112x128xbf16, #tpu.memory_space<vmem_shared>>) attributes {dimension_semantics = [#tpu.dimension_semantics<core_parallel>, #tpu.dimension_semantics<subcore_parallel>], iteration_bounds = array<i64: 2, 16>, scalar_prefetch = 0 : i64, scratch_operands = 14 : i64, tpu.core_type = #tpu.core_type<sc_vector_subcore>, window_params = [{transform_indices = #map}, {transform_indices = #map1}, {transform_indices = #map1}, {transform_indices = #map}, {transform_indices = #map1}]} {
    %mul3A = arith.constant 2 : i32
    %mul3A_0 = arith.muli %arg1, %mul3A : i32
    %add3A = arith.addi %mul3A_0, %arg0 : i32
    "tpu.region"() ({
      %run_scoped3A = tpu.sem_alloc : memref<!tpu.dma_semaphore, #tpu.memory_space<semaphore_mem>>
      %dma_start3A_71 = arith.constant 0 : i32
      %dma_start3A_72 = arith.constant 0 : i32
      %dma_start3A_73 = tpu.memref_slice %arg3[%add3A, %dma_start3A_71, %dma_start3A_72] : memref<32x80x128xi32, #tpu.memory_space<hbm>> -> memref<1x80x128xi32, #tpu.memory_space<hbm>>
      %dma_start3A_74 = tpu.memref_squeeze %dma_start3A_73 : memref<1x80x128xi32, #tpu.memory_space<hbm>> -> memref<80x128xi32, #tpu.memory_space<hbm>>
      %dma_start3A_75 = arith.constant 0 : i32
      %dma_start3A_76 = arith.constant 0 : i32
      %dma_start3A_77 = tpu.memref_slice %arg3[%add3A, %dma_start3A_75, %dma_start3A_76] : memref<32x80x128xi32, #tpu.memory_space<hbm>> -> memref<1x80x128xi32, #tpu.memory_space<hbm>>
      %dma_start3A_78 = tpu.memref_squeeze %dma_start3A_77 : memref<1x80x128xi32, #tpu.memory_space<hbm>> -> memref<80x128xi32, #tpu.memory_space<hbm>>
      tpu.enqueue_dma source(%dma_start3A_78 : memref<80x128xi32, #tpu.memory_space<hbm>>) target(%arg7 : memref<80x128xi32, #tpu.memory_space<vmem>>) target_semaphore(%run_scoped3A : memref<!tpu.dma_semaphore, #tpu.memory_space<semaphore_mem>>)
      %dma_wait3A_79 = arith.constant 0 : i32
      %dma_wait3A_80 = arith.constant 0 : i32
      %dma_wait3A_81 = tpu.memref_slice %arg3[%add3A, %dma_wait3A_79, %dma_wait3A_80] : memref<32x80x128xi32, #tpu.memory_space<hbm>> -> memref<1x80x128xi32, #tpu.memory_space<hbm>>
      %dma_wait3A_82 = tpu.memref_squeeze %dma_wait3A_81 : memref<1x80x128xi32, #tpu.memory_space<hbm>> -> memref<80x128xi32, #tpu.memory_space<hbm>>
      %dma_wait3A_83 = arith.constant 0 : i32
      %dma_wait3A_84 = arith.constant 0 : i32
      %dma_wait3A_85 = tpu.memref_slice %arg3[%add3A, %dma_wait3A_83, %dma_wait3A_84] : memref<32x80x128xi32, #tpu.memory_space<hbm>> -> memref<1x80x128xi32, #tpu.memory_space<hbm>>
      %dma_wait3A_86 = tpu.memref_squeeze %dma_wait3A_85 : memref<1x80x128xi32, #tpu.memory_space<hbm>> -> memref<80x128xi32, #tpu.memory_space<hbm>>
      tpu.wait_dma2 semaphore(%run_scoped3A : memref<!tpu.dma_semaphore, #tpu.memory_space<semaphore_mem>>) src(%dma_wait3A_86 : memref<80x128xi32, #tpu.memory_space<hbm>>) dst(%arg7 : memref<80x128xi32, #tpu.memory_space<vmem>>)
      tpu.yield
    }) : () -> ()
    "tpu.region"() ({
      %run_scoped3A = tpu.sem_alloc : memref<!tpu.dma_semaphore, #tpu.memory_space<semaphore_mem>>
      %dma_start3A_71 = arith.constant 0 : i32
      %dma_start3A_72 = arith.constant 0 : i32
      %dma_start3A_73 = tpu.memref_slice %arg4[%add3A, %dma_start3A_71, %dma_start3A_72] : memref<32x80x128xi32, #tpu.memory_space<hbm>> -> memref<1x80x128xi32, #tpu.memory_space<hbm>>
      %dma_start3A_74 = tpu.memref_squeeze %dma_start3A_73 : memref<1x80x128xi32, #tpu.memory_space<hbm>> -> memref<80x128xi32, #tpu.memory_space<hbm>>
      %dma_start3A_75 = arith.constant 0 : i32
      %dma_start3A_76 = arith.constant 0 : i32
      %dma_start3A_77 = tpu.memref_slice %arg4[%add3A, %dma_start3A_75, %dma_start3A_76] : memref<32x80x128xi32, #tpu.memory_space<hbm>> -> memref<1x80x128xi32, #tpu.memory_space<hbm>>
      %dma_start3A_78 = tpu.memref_squeeze %dma_start3A_77 : memref<1x80x128xi32, #tpu.memory_space<hbm>> -> memref<80x128xi32, #tpu.memory_space<hbm>>
      tpu.enqueue_dma source(%dma_start3A_78 : memref<80x128xi32, #tpu.memory_space<hbm>>) target(%arg8 : memref<80x128xi32, #tpu.memory_space<vmem>>) target_semaphore(%run_scoped3A : memref<!tpu.dma_semaphore, #tpu.memory_space<semaphore_mem>>)
      %dma_wait3A_79 = arith.constant 0 : i32
      %dma_wait3A_80 = arith.constant 0 : i32
      %dma_wait3A_81 = tpu.memref_slice %arg4[%add3A, %dma_wait3A_79, %dma_wait3A_80] : memref<32x80x128xi32, #tpu.memory_space<hbm>> -> memref<1x80x128xi32, #tpu.memory_space<hbm>>
      %dma_wait3A_82 = tpu.memref_squeeze %dma_wait3A_81 : memref<1x80x128xi32, #tpu.memory_space<hbm>> -> memref<80x128xi32, #tpu.memory_space<hbm>>
      %dma_wait3A_83 = arith.constant 0 : i32
      %dma_wait3A_84 = arith.constant 0 : i32
      %dma_wait3A_85 = tpu.memref_slice %arg4[%add3A, %dma_wait3A_83, %dma_wait3A_84] : memref<32x80x128xi32, #tpu.memory_space<hbm>> -> memref<1x80x128xi32, #tpu.memory_space<hbm>>
      %dma_wait3A_86 = tpu.memref_squeeze %dma_wait3A_85 : memref<1x80x128xi32, #tpu.memory_space<hbm>> -> memref<80x128xi32, #tpu.memory_space<hbm>>
      tpu.wait_dma2 semaphore(%run_scoped3A : memref<!tpu.dma_semaphore, #tpu.memory_space<semaphore_mem>>) src(%dma_wait3A_86 : memref<80x128xi32, #tpu.memory_space<hbm>>) dst(%arg8 : memref<80x128xi32, #tpu.memory_space<vmem>>)
      tpu.yield
    }) : () -> ()
    %mul3A_1 = arith.constant 632 : i32
    %mul3A_2 = arith.muli %arg1, %mul3A_1 : i32
    "tpu.region"() ({
      %run_scoped3A = tpu.sem_alloc : memref<!tpu.dma_semaphore, #tpu.memory_space<semaphore_mem>>
      %dma_start3A_71 = arith.constant 0 : i32
      %dma_start3A_72 = tpu.memref_slice %arg20[%mul3A_2, %dma_start3A_71] : memref<10112x128xbf16, #tpu.memory_space<vmem_shared>> -> memref<632x128xbf16, #tpu.memory_space<vmem_shared>>
      tpu.enqueue_dma source(%arg5 : memref<632x128xbf16, #tpu.memory_space<hbm>>) target(%dma_start3A_72 : memref<632x128xbf16, #tpu.memory_space<vmem_shared>>) target_semaphore(%run_scoped3A : memref<!tpu.dma_semaphore, #tpu.memory_space<semaphore_mem>>)
      %dma_wait3A_73 = arith.constant 0 : i32
      %dma_wait3A_74 = tpu.memref_slice %arg20[%mul3A_2, %dma_wait3A_73] : memref<10112x128xbf16, #tpu.memory_space<vmem_shared>> -> memref<632x128xbf16, #tpu.memory_space<vmem_shared>>
      tpu.wait_dma2 semaphore(%run_scoped3A : memref<!tpu.dma_semaphore, #tpu.memory_space<semaphore_mem>>) src(%arg5 : memref<632x128xbf16, #tpu.memory_space<hbm>>) dst(%dma_wait3A_74 : memref<632x128xbf16, #tpu.memory_space<vmem_shared>>)
      tpu.yield
    }) : () -> ()
    %barrier3A = arith.constant 0 : index
    tpu.barrier barrier_id(%barrier3A)
    %dma_start3A = arith.constant 0 : i32
    %dma_start3A_3 = arith.constant 0 : i32
    %dma_start3A_4 = arith.constant 0 : i32
    %dma_start3A_5 = arith.constant 0 : i32
    %dma_start3A_6 = tpu.memref_slice %arg9[%dma_start3A_3, %dma_start3A_4, %dma_start3A_5] : memref<5x128x128xbf16, #tpu.memory_space<vmem>> -> memref<1x128x128xbf16, #tpu.memory_space<vmem>>
    %dma_start3A_7 = tpu.memref_squeeze %dma_start3A_6 : memref<1x128x128xbf16, #tpu.memory_space<vmem>> -> memref<128x128xbf16, #tpu.memory_space<vmem>>
    %dma_start3A_8 = arith.constant 0 : i32
    %dma_start3A_9 = tpu.memref_slice %arg7[%dma_start3A, %dma_start3A_8] : memref<80x128xi32, #tpu.memory_space<vmem>> -> memref<1x128xi32, #tpu.memory_space<vmem>>
    %dma_start3A_10 = tpu.memref_squeeze %dma_start3A_9 : memref<1x128xi32, #tpu.memory_space<vmem>> -> memref<128xi32, #tpu.memory_space<vmem>>
    %dma_start3A_11 = arith.constant 0 : i32
    %dma_start3A_12 = arith.constant 0 : i32
    %dma_start3A_13 = tpu.memref_slice %arg2[%dma_start3A_11, %dma_start3A_12] : memref<10000x128xbf16, #tpu.memory_space<hbm>> -> memref<10000x128xbf16, #tpu.memory_space<hbm>>
    tpu.enqueue_indirect_dma source(%dma_start3A_13 : memref<10000x128xbf16, #tpu.memory_space<hbm>>) target(%dma_start3A_7 : memref<128x128xbf16, #tpu.memory_space<vmem>>) offsets(%dma_start3A_10 : memref<128xi32, #tpu.memory_space<vmem>>) semaphore(%arg10 : memref<!tpu.dma_semaphore, #tpu.memory_space<semaphore_mem>>)
    %dma_start3A_14 = arith.constant 1 : i32
    %dma_start3A_15 = arith.constant 1 : i32
    %dma_start3A_16 = arith.constant 0 : i32
    %dma_start3A_17 = arith.constant 0 : i32
    %dma_start3A_18 = tpu.memref_slice %arg9[%dma_start3A_15, %dma_start3A_16, %dma_start3A_17] : memref<5x128x128xbf16, #tpu.memory_space<vmem>> -> memref<1x128x128xbf16, #tpu.memory_space<vmem>>
    %dma_start3A_19 = tpu.memref_squeeze %dma_start3A_18 : memref<1x128x128xbf16, #tpu.memory_space<vmem>> -> memref<128x128xbf16, #tpu.memory_space<vmem>>
    %dma_start3A_20 = arith.constant 0 : i32
    %dma_start3A_21 = tpu.memref_slice %arg7[%dma_start3A_14, %dma_start3A_20] : memref<80x128xi32, #tpu.memory_space<vmem>> -> memref<1x128xi32, #tpu.memory_space<vmem>>
    %dma_start3A_22 = tpu.memref_squeeze %dma_start3A_21 : memref<1x128xi32, #tpu.memory_space<vmem>> -> memref<128xi32, #tpu.memory_space<vmem>>
    %dma_start3A_23 = arith.constant 0 : i32
    %dma_start3A_24 = arith.constant 0 : i32
    %dma_start3A_25 = tpu.memref_slice %arg2[%dma_start3A_23, %dma_start3A_24] : memref<10000x128xbf16, #tpu.memory_space<hbm>> -> memref<10000x128xbf16, #tpu.memory_space<hbm>>
    tpu.enqueue_indirect_dma source(%dma_start3A_25 : memref<10000x128xbf16, #tpu.memory_space<hbm>>) target(%dma_start3A_19 : memref<128x128xbf16, #tpu.memory_space<vmem>>) offsets(%dma_start3A_22 : memref<128xi32, #tpu.memory_space<vmem>>) semaphore(%arg11 : memref<!tpu.dma_semaphore, #tpu.memory_space<semaphore_mem>>)
    %dma_start3A_26 = arith.constant 2 : i32
    %dma_start3A_27 = arith.constant 2 : i32
    %dma_start3A_28 = arith.constant 0 : i32
    %dma_start3A_29 = arith.constant 0 : i32
    %dma_start3A_30 = tpu.memref_slice %arg9[%dma_start3A_27, %dma_start3A_28, %dma_start3A_29] : memref<5x128x128xbf16, #tpu.memory_space<vmem>> -> memref<1x128x128xbf16, #tpu.memory_space<vmem>>
    %dma_start3A_31 = tpu.memref_squeeze %dma_start3A_30 : memref<1x128x128xbf16, #tpu.memory_space<vmem>> -> memref<128x128xbf16, #tpu.memory_space<vmem>>
    %dma_start3A_32 = arith.constant 0 : i32
    %dma_start3A_33 = tpu.memref_slice %arg7[%dma_start3A_26, %dma_start3A_32] : memref<80x128xi32, #tpu.memory_space<vmem>> -> memref<1x128xi32, #tpu.memory_space<vmem>>
    %dma_start3A_34 = tpu.memref_squeeze %dma_start3A_33 : memref<1x128xi32, #tpu.memory_space<vmem>> -> memref<128xi32, #tpu.memory_space<vmem>>
    %dma_start3A_35 = arith.constant 0 : i32
    %dma_start3A_36 = arith.constant 0 : i32
    %dma_start3A_37 = tpu.memref_slice %arg2[%dma_start3A_35, %dma_start3A_36] : memref<10000x128xbf16, #tpu.memory_space<hbm>> -> memref<10000x128xbf16, #tpu.memory_space<hbm>>
    tpu.enqueue_indirect_dma source(%dma_start3A_37 : memref<10000x128xbf16, #tpu.memory_space<hbm>>) target(%dma_start3A_31 : memref<128x128xbf16, #tpu.memory_space<vmem>>) offsets(%dma_start3A_34 : memref<128xi32, #tpu.memory_space<vmem>>) semaphore(%arg12 : memref<!tpu.dma_semaphore, #tpu.memory_space<semaphore_mem>>)
    %scan3A = arith.constant 0 : i32
    %scan3A_38 = arith.constant 0 : i32
    %scan3A_39 = arith.constant 16 : i32
    %scan3A_40 = arith.addi %scan3A_38, %scan3A_39 : i32
    %scan3A_41 = arith.constant 1 : i32
    scf.for %scan3A_71 = %scan3A_38 to %scan3A_40 step %scan3A_41  : i32 {
      %mul3A_72 = arith.constant 5 : i32
      %mul3A_73 = arith.muli %scan3A_71, %mul3A_72 : i32
      %add3A_74 = arith.constant 0 : i32
      %add3A_75 = arith.addi %mul3A_73, %add3A_74 : i32
      %dma_wait3A_76 = arith.constant 0 : i32
      %dma_wait3A_77 = arith.constant 0 : i32
      %dma_wait3A_78 = arith.constant 0 : i32
      %dma_wait3A_79 = arith.constant 0 : i32
      %dma_wait3A_80 = tpu.memref_slice %arg9[%dma_wait3A_77, %dma_wait3A_78, %dma_wait3A_79] : memref<5x128x128xbf16, #tpu.memory_space<vmem>> -> memref<1x128x128xbf16, #tpu.memory_space<vmem>>
      %dma_wait3A_81 = tpu.memref_squeeze %dma_wait3A_80 : memref<1x128x128xbf16, #tpu.memory_space<vmem>> -> memref<128x128xbf16, #tpu.memory_space<vmem>>
      %dma_wait3A_82 = arith.constant 0 : i32
      %dma_wait3A_83 = tpu.memref_slice %arg7[%dma_wait3A_76, %dma_wait3A_82] : memref<80x128xi32, #tpu.memory_space<vmem>> -> memref<1x128xi32, #tpu.memory_space<vmem>>
      %dma_wait3A_84 = tpu.memref_squeeze %dma_wait3A_83 : memref<1x128xi32, #tpu.memory_space<vmem>> -> memref<128xi32, #tpu.memory_space<vmem>>
      %dma_wait3A_85 = arith.constant 0 : i32
      %dma_wait3A_86 = arith.constant 0 : i32
      %dma_wait3A_87 = tpu.memref_slice %arg2[%dma_wait3A_85, %dma_wait3A_86] : memref<10000x128xbf16, #tpu.memory_space<hbm>> -> memref<10000x128xbf16, #tpu.memory_space<hbm>>
      tpu.wait_indirect_dma semaphore(%arg10 : memref<!tpu.dma_semaphore, #tpu.memory_space<semaphore_mem>>) src(%dma_wait3A_87 : memref<10000x128xbf16, #tpu.memory_space<hbm>>) dst(%dma_wait3A_81 : memref<128x128xbf16, #tpu.memory_space<vmem>>)
      %dma_start3A_88 = arith.constant 0 : i32
      %dma_start3A_89 = arith.constant 0 : i32
      %dma_start3A_90 = arith.constant 0 : i32
      %dma_start3A_91 = tpu.memref_slice %arg9[%dma_start3A_88, %dma_start3A_89, %dma_start3A_90] : memref<5x128x128xbf16, #tpu.memory_space<vmem>> -> memref<1x128x128xbf16, #tpu.memory_space<vmem>>
      %dma_start3A_92 = tpu.memref_squeeze %dma_start3A_91 : memref<1x128x128xbf16, #tpu.memory_space<vmem>> -> memref<128x128xbf16, #tpu.memory_space<vmem>>
      %dma_start3A_93 = arith.constant 0 : i32
      %dma_start3A_94 = tpu.memref_slice %arg8[%add3A_75, %dma_start3A_93] : memref<80x128xi32, #tpu.memory_space<vmem>> -> memref<1x128xi32, #tpu.memory_space<vmem>>
      %dma_start3A_95 = tpu.memref_squeeze %dma_start3A_94 : memref<1x128xi32, #tpu.memory_space<vmem>> -> memref<128xi32, #tpu.memory_space<vmem>>
      %dma_start3A_96 = arith.constant 0 : i32
      %dma_start3A_97 = arith.constant 0 : i32
      %dma_start3A_98 = tpu.memref_slice %arg20[%dma_start3A_96, %dma_start3A_97] : memref<10112x128xbf16, #tpu.memory_space<vmem_shared>> -> memref<10112x128xbf16, #tpu.memory_space<vmem_shared>>
      tpu.enqueue_indirect_dma source(%dma_start3A_92 : memref<128x128xbf16, #tpu.memory_space<vmem>>) target(%dma_start3A_98 : memref<10112x128xbf16, #tpu.memory_space<vmem_shared>>) offsets(%dma_start3A_95 : memref<128xi32, #tpu.memory_space<vmem>>) semaphore(%arg15 : memref<!tpu.dma_semaphore, #tpu.memory_space<semaphore_mem>>) {add = true}
      %ge3A = arith.constant 2 : i32
      %ge3A_99 = arith.cmpi sge, %add3A_75, %ge3A : i32
      %convert_element_type3A = arith.extui %ge3A_99 : i1 to i32
      %cond3A = arith.constant 0 : i32
      %cond3A_100 = arith.cmpi ne, %convert_element_type3A, %cond3A : i32
      scf.if %cond3A_100 {
        %dma_wait3A_263 = arith.constant 3 : i32
        %dma_wait3A_264 = arith.constant 0 : i32
        %dma_wait3A_265 = arith.constant 0 : i32
        %dma_wait3A_266 = arith.constant 0 : i32
        %dma_wait3A_267 = tpu.memref_slice %arg9[%dma_wait3A_263, %dma_wait3A_265, %dma_wait3A_266] : memref<5x128x128xbf16, #tpu.memory_space<vmem>> -> memref<1x128x128xbf16, #tpu.memory_space<vmem>>
        %dma_wait3A_268 = tpu.memref_squeeze %dma_wait3A_267 : memref<1x128x128xbf16, #tpu.memory_space<vmem>> -> memref<128x128xbf16, #tpu.memory_space<vmem>>
        %dma_wait3A_269 = arith.constant 0 : i32
        %dma_wait3A_270 = tpu.memref_slice %arg8[%dma_wait3A_264, %dma_wait3A_269] : memref<80x128xi32, #tpu.memory_space<vmem>> -> memref<1x128xi32, #tpu.memory_space<vmem>>
        %dma_wait3A_271 = tpu.memref_squeeze %dma_wait3A_270 : memref<1x128xi32, #tpu.memory_space<vmem>> -> memref<128xi32, #tpu.memory_space<vmem>>
        %dma_wait3A_272 = arith.constant 0 : i32
        %dma_wait3A_273 = arith.constant 0 : i32
        %dma_wait3A_274 = tpu.memref_slice %arg20[%dma_wait3A_272, %dma_wait3A_273] : memref<10112x128xbf16, #tpu.memory_space<vmem_shared>> -> memref<10112x128xbf16, #tpu.memory_space<vmem_shared>>
        tpu.wait_indirect_dma semaphore(%arg18 : memref<!tpu.dma_semaphore, #tpu.memory_space<semaphore_mem>>) src(%dma_wait3A_268 : memref<128x128xbf16, #tpu.memory_space<vmem>>) dst(%dma_wait3A_274 : memref<10112x128xbf16, #tpu.memory_space<vmem_shared>>)
      } else {
      }
      %add3A_101 = arith.constant 3 : i32
      %add3A_102 = arith.addi %add3A_75, %add3A_101 : i32
      %lt3A = arith.constant 80 : i32
      %lt3A_103 = arith.cmpi slt, %add3A_102, %lt3A : i32
      %convert_element_type3A_104 = arith.extui %lt3A_103 : i1 to i32
      %cond3A_105 = arith.constant 0 : i32
      %cond3A_106 = arith.cmpi ne, %convert_element_type3A_104, %cond3A_105 : i32
      scf.if %cond3A_106 {
        %add3A_263 = arith.constant 3 : i32
        %add3A_264 = arith.addi %add3A_75, %add3A_263 : i32
        %dma_start3A_265 = arith.constant 3 : i32
        %dma_start3A_266 = arith.constant 0 : i32
        %dma_start3A_267 = arith.constant 0 : i32
        %dma_start3A_268 = tpu.memref_slice %arg9[%dma_start3A_265, %dma_start3A_266, %dma_start3A_267] : memref<5x128x128xbf16, #tpu.memory_space<vmem>> -> memref<1x128x128xbf16, #tpu.memory_space<vmem>>
        %dma_start3A_269 = tpu.memref_squeeze %dma_start3A_268 : memref<1x128x128xbf16, #tpu.memory_space<vmem>> -> memref<128x128xbf16, #tpu.memory_space<vmem>>
        %dma_start3A_270 = arith.constant 0 : i32
        %dma_start3A_271 = tpu.memref_slice %arg7[%add3A_264, %dma_start3A_270] : memref<80x128xi32, #tpu.memory_space<vmem>> -> memref<1x128xi32, #tpu.memory_space<vmem>>
        %dma_start3A_272 = tpu.memref_squeeze %dma_start3A_271 : memref<1x128xi32, #tpu.memory_space<vmem>> -> memref<128xi32, #tpu.memory_space<vmem>>
        %dma_start3A_273 = arith.constant 0 : i32
        %dma_start3A_274 = arith.constant 0 : i32
        %dma_start3A_275 = tpu.memref_slice %arg2[%dma_start3A_273, %dma_start3A_274] : memref<10000x128xbf16, #tpu.memory_space<hbm>> -> memref<10000x128xbf16, #tpu.memory_space<hbm>>
        tpu.enqueue_indirect_dma source(%dma_start3A_275 : memref<10000x128xbf16, #tpu.memory_space<hbm>>) target(%dma_start3A_269 : memref<128x128xbf16, #tpu.memory_space<vmem>>) offsets(%dma_start3A_272 : memref<128xi32, #tpu.memory_space<vmem>>) semaphore(%arg13 : memref<!tpu.dma_semaphore, #tpu.memory_space<semaphore_mem>>)
      } else {
      }
      %mul3A_107 = arith.constant 5 : i32
      %mul3A_108 = arith.muli %scan3A_71, %mul3A_107 : i32
      %add3A_109 = arith.constant 1 : i32
      %add3A_110 = arith.addi %mul3A_108, %add3A_109 : i32
      %dma_wait3A_111 = arith.constant 0 : i32
      %dma_wait3A_112 = arith.constant 1 : i32
      %dma_wait3A_113 = arith.constant 0 : i32
      %dma_wait3A_114 = arith.constant 0 : i32
      %dma_wait3A_115 = tpu.memref_slice %arg9[%dma_wait3A_112, %dma_wait3A_113, %dma_wait3A_114] : memref<5x128x128xbf16, #tpu.memory_space<vmem>> -> memref<1x128x128xbf16, #tpu.memory_space<vmem>>
      %dma_wait3A_116 = tpu.memref_squeeze %dma_wait3A_115 : memref<1x128x128xbf16, #tpu.memory_space<vmem>> -> memref<128x128xbf16, #tpu.memory_space<vmem>>
      %dma_wait3A_117 = arith.constant 0 : i32
      %dma_wait3A_118 = tpu.memref_slice %arg7[%dma_wait3A_111, %dma_wait3A_117] : memref<80x128xi32, #tpu.memory_space<vmem>> -> memref<1x128xi32, #tpu.memory_space<vmem>>
      %dma_wait3A_119 = tpu.memref_squeeze %dma_wait3A_118 : memref<1x128xi32, #tpu.memory_space<vmem>> -> memref<128xi32, #tpu.memory_space<vmem>>
      %dma_wait3A_120 = arith.constant 0 : i32
      %dma_wait3A_121 = arith.constant 0 : i32
      %dma_wait3A_122 = tpu.memref_slice %arg2[%dma_wait3A_120, %dma_wait3A_121] : memref<10000x128xbf16, #tpu.memory_space<hbm>> -> memref<10000x128xbf16, #tpu.memory_space<hbm>>
      tpu.wait_indirect_dma semaphore(%arg11 : memref<!tpu.dma_semaphore, #tpu.memory_space<semaphore_mem>>) src(%dma_wait3A_122 : memref<10000x128xbf16, #tpu.memory_space<hbm>>) dst(%dma_wait3A_116 : memref<128x128xbf16, #tpu.memory_space<vmem>>)
      %dma_start3A_123 = arith.constant 1 : i32
      %dma_start3A_124 = arith.constant 0 : i32
      %dma_start3A_125 = arith.constant 0 : i32
      %dma_start3A_126 = tpu.memref_slice %arg9[%dma_start3A_123, %dma_start3A_124, %dma_start3A_125] : memref<5x128x128xbf16, #tpu.memory_space<vmem>> -> memref<1x128x128xbf16, #tpu.memory_space<vmem>>
      %dma_start3A_127 = tpu.memref_squeeze %dma_start3A_126 : memref<1x128x128xbf16, #tpu.memory_space<vmem>> -> memref<128x128xbf16, #tpu.memory_space<vmem>>
      %dma_start3A_128 = arith.constant 0 : i32
      %dma_start3A_129 = tpu.memref_slice %arg8[%add3A_110, %dma_start3A_128] : memref<80x128xi32, #tpu.memory_space<vmem>> -> memref<1x128xi32, #tpu.memory_space<vmem>>
      %dma_start3A_130 = tpu.memref_squeeze %dma_start3A_129 : memref<1x128xi32, #tpu.memory_space<vmem>> -> memref<128xi32, #tpu.memory_space<vmem>>
      %dma_start3A_131 = arith.constant 0 : i32
      %dma_start3A_132 = arith.constant 0 : i32
      %dma_start3A_133 = tpu.memref_slice %arg20[%dma_start3A_131, %dma_start3A_132] : memref<10112x128xbf16, #tpu.memory_space<vmem_shared>> -> memref<10112x128xbf16, #tpu.memory_space<vmem_shared>>
      tpu.enqueue_indirect_dma source(%dma_start3A_127 : memref<128x128xbf16, #tpu.memory_space<vmem>>) target(%dma_start3A_133 : memref<10112x128xbf16, #tpu.memory_space<vmem_shared>>) offsets(%dma_start3A_130 : memref<128xi32, #tpu.memory_space<vmem>>) semaphore(%arg16 : memref<!tpu.dma_semaphore, #tpu.memory_space<semaphore_mem>>) {add = true}
      %ge3A_134 = arith.constant 2 : i32
      %ge3A_135 = arith.cmpi sge, %add3A_110, %ge3A_134 : i32
      %convert_element_type3A_136 = arith.extui %ge3A_135 : i1 to i32
      %cond3A_137 = arith.constant 0 : i32
      %cond3A_138 = arith.cmpi ne, %convert_element_type3A_136, %cond3A_137 : i32
      scf.if %cond3A_138 {
        %dma_wait3A_263 = arith.constant 4 : i32
        %dma_wait3A_264 = arith.constant 0 : i32
        %dma_wait3A_265 = arith.constant 0 : i32
        %dma_wait3A_266 = arith.constant 0 : i32
        %dma_wait3A_267 = tpu.memref_slice %arg9[%dma_wait3A_263, %dma_wait3A_265, %dma_wait3A_266] : memref<5x128x128xbf16, #tpu.memory_space<vmem>> -> memref<1x128x128xbf16, #tpu.memory_space<vmem>>
        %dma_wait3A_268 = tpu.memref_squeeze %dma_wait3A_267 : memref<1x128x128xbf16, #tpu.memory_space<vmem>> -> memref<128x128xbf16, #tpu.memory_space<vmem>>
        %dma_wait3A_269 = arith.constant 0 : i32
        %dma_wait3A_270 = tpu.memref_slice %arg8[%dma_wait3A_264, %dma_wait3A_269] : memref<80x128xi32, #tpu.memory_space<vmem>> -> memref<1x128xi32, #tpu.memory_space<vmem>>
        %dma_wait3A_271 = tpu.memref_squeeze %dma_wait3A_270 : memref<1x128xi32, #tpu.memory_space<vmem>> -> memref<128xi32, #tpu.memory_space<vmem>>
        %dma_wait3A_272 = arith.constant 0 : i32
        %dma_wait3A_273 = arith.constant 0 : i32
        %dma_wait3A_274 = tpu.memref_slice %arg20[%dma_wait3A_272, %dma_wait3A_273] : memref<10112x128xbf16, #tpu.memory_space<vmem_shared>> -> memref<10112x128xbf16, #tpu.memory_space<vmem_shared>>
        tpu.wait_indirect_dma semaphore(%arg19 : memref<!tpu.dma_semaphore, #tpu.memory_space<semaphore_mem>>) src(%dma_wait3A_268 : memref<128x128xbf16, #tpu.memory_space<vmem>>) dst(%dma_wait3A_274 : memref<10112x128xbf16, #tpu.memory_space<vmem_shared>>)
      } else {
      }
      %add3A_139 = arith.constant 3 : i32
      %add3A_140 = arith.addi %add3A_110, %add3A_139 : i32
      %lt3A_141 = arith.constant 80 : i32
      %lt3A_142 = arith.cmpi slt, %add3A_140, %lt3A_141 : i32
      %convert_element_type3A_143 = arith.extui %lt3A_142 : i1 to i32
      %cond3A_144 = arith.constant 0 : i32
      %cond3A_145 = arith.cmpi ne, %convert_element_type3A_143, %cond3A_144 : i32
      scf.if %cond3A_145 {
        %add3A_263 = arith.constant 3 : i32
        %add3A_264 = arith.addi %add3A_110, %add3A_263 : i32
        %dma_start3A_265 = arith.constant 4 : i32
        %dma_start3A_266 = arith.constant 0 : i32
        %dma_start3A_267 = arith.constant 0 : i32
        %dma_start3A_268 = tpu.memref_slice %arg9[%dma_start3A_265, %dma_start3A_266, %dma_start3A_267] : memref<5x128x128xbf16, #tpu.memory_space<vmem>> -> memref<1x128x128xbf16, #tpu.memory_space<vmem>>
        %dma_start3A_269 = tpu.memref_squeeze %dma_start3A_268 : memref<1x128x128xbf16, #tpu.memory_space<vmem>> -> memref<128x128xbf16, #tpu.memory_space<vmem>>
        %dma_start3A_270 = arith.constant 0 : i32
        %dma_start3A_271 = tpu.memref_slice %arg7[%add3A_264, %dma_start3A_270] : memref<80x128xi32, #tpu.memory_space<vmem>> -> memref<1x128xi32, #tpu.memory_space<vmem>>
        %dma_start3A_272 = tpu.memref_squeeze %dma_start3A_271 : memref<1x128xi32, #tpu.memory_space<vmem>> -> memref<128xi32, #tpu.memory_space<vmem>>
        %dma_start3A_273 = arith.constant 0 : i32
        %dma_start3A_274 = arith.constant 0 : i32
        %dma_start3A_275 = tpu.memref_slice %arg2[%dma_start3A_273, %dma_start3A_274] : memref<10000x128xbf16, #tpu.memory_space<hbm>> -> memref<10000x128xbf16, #tpu.memory_space<hbm>>
        tpu.enqueue_indirect_dma source(%dma_start3A_275 : memref<10000x128xbf16, #tpu.memory_space<hbm>>) target(%dma_start3A_269 : memref<128x128xbf16, #tpu.memory_space<vmem>>) offsets(%dma_start3A_272 : memref<128xi32, #tpu.memory_space<vmem>>) semaphore(%arg14 : memref<!tpu.dma_semaphore, #tpu.memory_space<semaphore_mem>>)
      } else {
      }
      %mul3A_146 = arith.constant 5 : i32
      %mul3A_147 = arith.muli %scan3A_71, %mul3A_146 : i32
      %add3A_148 = arith.constant 2 : i32
      %add3A_149 = arith.addi %mul3A_147, %add3A_148 : i32
      %dma_wait3A_150 = arith.constant 0 : i32
      %dma_wait3A_151 = arith.constant 2 : i32
      %dma_wait3A_152 = arith.constant 0 : i32
      %dma_wait3A_153 = arith.constant 0 : i32
      %dma_wait3A_154 = tpu.memref_slice %arg9[%dma_wait3A_151, %dma_wait3A_152, %dma_wait3A_153] : memref<5x128x128xbf16, #tpu.memory_space<vmem>> -> memref<1x128x128xbf16, #tpu.memory_space<vmem>>
      %dma_wait3A_155 = tpu.memref_squeeze %dma_wait3A_154 : memref<1x128x128xbf16, #tpu.memory_space<vmem>> -> memref<128x128xbf16, #tpu.memory_space<vmem>>
      %dma_wait3A_156 = arith.constant 0 : i32
      %dma_wait3A_157 = tpu.memref_slice %arg7[%dma_wait3A_150, %dma_wait3A_156] : memref<80x128xi32, #tpu.memory_space<vmem>> -> memref<1x128xi32, #tpu.memory_space<vmem>>
      %dma_wait3A_158 = tpu.memref_squeeze %dma_wait3A_157 : memref<1x128xi32, #tpu.memory_space<vmem>> -> memref<128xi32, #tpu.memory_space<vmem>>
      %dma_wait3A_159 = arith.constant 0 : i32
      %dma_wait3A_160 = arith.constant 0 : i32
      %dma_wait3A_161 = tpu.memref_slice %arg2[%dma_wait3A_159, %dma_wait3A_160] : memref<10000x128xbf16, #tpu.memory_space<hbm>> -> memref<10000x128xbf16, #tpu.memory_space<hbm>>
      tpu.wait_indirect_dma semaphore(%arg12 : memref<!tpu.dma_semaphore, #tpu.memory_space<semaphore_mem>>) src(%dma_wait3A_161 : memref<10000x128xbf16, #tpu.memory_space<hbm>>) dst(%dma_wait3A_155 : memref<128x128xbf16, #tpu.memory_space<vmem>>)
      %dma_start3A_162 = arith.constant 2 : i32
      %dma_start3A_163 = arith.constant 0 : i32
      %dma_start3A_164 = arith.constant 0 : i32
      %dma_start3A_165 = tpu.memref_slice %arg9[%dma_start3A_162, %dma_start3A_163, %dma_start3A_164] : memref<5x128x128xbf16, #tpu.memory_space<vmem>> -> memref<1x128x128xbf16, #tpu.memory_space<vmem>>
      %dma_start3A_166 = tpu.memref_squeeze %dma_start3A_165 : memref<1x128x128xbf16, #tpu.memory_space<vmem>> -> memref<128x128xbf16, #tpu.memory_space<vmem>>
      %dma_start3A_167 = arith.constant 0 : i32
      %dma_start3A_168 = tpu.memref_slice %arg8[%add3A_149, %dma_start3A_167] : memref<80x128xi32, #tpu.memory_space<vmem>> -> memref<1x128xi32, #tpu.memory_space<vmem>>
      %dma_start3A_169 = tpu.memref_squeeze %dma_start3A_168 : memref<1x128xi32, #tpu.memory_space<vmem>> -> memref<128xi32, #tpu.memory_space<vmem>>
      %dma_start3A_170 = arith.constant 0 : i32
      %dma_start3A_171 = arith.constant 0 : i32
      %dma_start3A_172 = tpu.memref_slice %arg20[%dma_start3A_170, %dma_start3A_171] : memref<10112x128xbf16, #tpu.memory_space<vmem_shared>> -> memref<10112x128xbf16, #tpu.memory_space<vmem_shared>>
      tpu.enqueue_indirect_dma source(%dma_start3A_166 : memref<128x128xbf16, #tpu.memory_space<vmem>>) target(%dma_start3A_172 : memref<10112x128xbf16, #tpu.memory_space<vmem_shared>>) offsets(%dma_start3A_169 : memref<128xi32, #tpu.memory_space<vmem>>) semaphore(%arg17 : memref<!tpu.dma_semaphore, #tpu.memory_space<semaphore_mem>>) {add = true}
      %ge3A_173 = arith.constant 2 : i32
      %ge3A_174 = arith.cmpi sge, %add3A_149, %ge3A_173 : i32
      %convert_element_type3A_175 = arith.extui %ge3A_174 : i1 to i32
      %cond3A_176 = arith.constant 0 : i32
      %cond3A_177 = arith.cmpi ne, %convert_element_type3A_175, %cond3A_176 : i32
      scf.if %cond3A_177 {
        %dma_wait3A_263 = arith.constant 0 : i32
        %dma_wait3A_264 = arith.constant 0 : i32
        %dma_wait3A_265 = arith.constant 0 : i32
        %dma_wait3A_266 = arith.constant 0 : i32
        %dma_wait3A_267 = tpu.memref_slice %arg9[%dma_wait3A_263, %dma_wait3A_265, %dma_wait3A_266] : memref<5x128x128xbf16, #tpu.memory_space<vmem>> -> memref<1x128x128xbf16, #tpu.memory_space<vmem>>
        %dma_wait3A_268 = tpu.memref_squeeze %dma_wait3A_267 : memref<1x128x128xbf16, #tpu.memory_space<vmem>> -> memref<128x128xbf16, #tpu.memory_space<vmem>>
        %dma_wait3A_269 = arith.constant 0 : i32
        %dma_wait3A_270 = tpu.memref_slice %arg8[%dma_wait3A_264, %dma_wait3A_269] : memref<80x128xi32, #tpu.memory_space<vmem>> -> memref<1x128xi32, #tpu.memory_space<vmem>>
        %dma_wait3A_271 = tpu.memref_squeeze %dma_wait3A_270 : memref<1x128xi32, #tpu.memory_space<vmem>> -> memref<128xi32, #tpu.memory_space<vmem>>
        %dma_wait3A_272 = arith.constant 0 : i32
        %dma_wait3A_273 = arith.constant 0 : i32
        %dma_wait3A_274 = tpu.memref_slice %arg20[%dma_wait3A_272, %dma_wait3A_273] : memref<10112x128xbf16, #tpu.memory_space<vmem_shared>> -> memref<10112x128xbf16, #tpu.memory_space<vmem_shared>>
        tpu.wait_indirect_dma semaphore(%arg15 : memref<!tpu.dma_semaphore, #tpu.memory_space<semaphore_mem>>) src(%dma_wait3A_268 : memref<128x128xbf16, #tpu.memory_space<vmem>>) dst(%dma_wait3A_274 : memref<10112x128xbf16, #tpu.memory_space<vmem_shared>>)
      } else {
      }
      %add3A_178 = arith.constant 3 : i32
      %add3A_179 = arith.addi %add3A_149, %add3A_178 : i32
      %lt3A_180 = arith.constant 80 : i32
      %lt3A_181 = arith.cmpi slt, %add3A_179, %lt3A_180 : i32
      %convert_element_type3A_182 = arith.extui %lt3A_181 : i1 to i32
      %cond3A_183 = arith.constant 0 : i32
      %cond3A_184 = arith.cmpi ne, %convert_element_type3A_182, %cond3A_183 : i32
      scf.if %cond3A_184 {
        %add3A_263 = arith.constant 3 : i32
        %add3A_264 = arith.addi %add3A_149, %add3A_263 : i32
        %dma_start3A_265 = arith.constant 0 : i32
        %dma_start3A_266 = arith.constant 0 : i32
        %dma_start3A_267 = arith.constant 0 : i32
        %dma_start3A_268 = tpu.memref_slice %arg9[%dma_start3A_265, %dma_start3A_266, %dma_start3A_267] : memref<5x128x128xbf16, #tpu.memory_space<vmem>> -> memref<1x128x128xbf16, #tpu.memory_space<vmem>>
        %dma_start3A_269 = tpu.memref_squeeze %dma_start3A_268 : memref<1x128x128xbf16, #tpu.memory_space<vmem>> -> memref<128x128xbf16, #tpu.memory_space<vmem>>
        %dma_start3A_270 = arith.constant 0 : i32
        %dma_start3A_271 = tpu.memref_slice %arg7[%add3A_264, %dma_start3A_270] : memref<80x128xi32, #tpu.memory_space<vmem>> -> memref<1x128xi32, #tpu.memory_space<vmem>>
        %dma_start3A_272 = tpu.memref_squeeze %dma_start3A_271 : memref<1x128xi32, #tpu.memory_space<vmem>> -> memref<128xi32, #tpu.memory_space<vmem>>
        %dma_start3A_273 = arith.constant 0 : i32
        %dma_start3A_274 = arith.constant 0 : i32
        %dma_start3A_275 = tpu.memref_slice %arg2[%dma_start3A_273, %dma_start3A_274] : memref<10000x128xbf16, #tpu.memory_space<hbm>> -> memref<10000x128xbf16, #tpu.memory_space<hbm>>
        tpu.enqueue_indirect_dma source(%dma_start3A_275 : memref<10000x128xbf16, #tpu.memory_space<hbm>>) target(%dma_start3A_269 : memref<128x128xbf16, #tpu.memory_space<vmem>>) offsets(%dma_start3A_272 : memref<128xi32, #tpu.memory_space<vmem>>) semaphore(%arg10 : memref<!tpu.dma_semaphore, #tpu.memory_space<semaphore_mem>>)
      } else {
      }
      %mul3A_185 = arith.constant 5 : i32
      %mul3A_186 = arith.muli %scan3A_71, %mul3A_185 : i32
      %add3A_187 = arith.constant 3 : i32
      %add3A_188 = arith.addi %mul3A_186, %add3A_187 : i32
      %dma_wait3A_189 = arith.constant 0 : i32
      %dma_wait3A_190 = arith.constant 3 : i32
      %dma_wait3A_191 = arith.constant 0 : i32
      %dma_wait3A_192 = arith.constant 0 : i32
      %dma_wait3A_193 = tpu.memref_slice %arg9[%dma_wait3A_190, %dma_wait3A_191, %dma_wait3A_192] : memref<5x128x128xbf16, #tpu.memory_space<vmem>> -> memref<1x128x128xbf16, #tpu.memory_space<vmem>>
      %dma_wait3A_194 = tpu.memref_squeeze %dma_wait3A_193 : memref<1x128x128xbf16, #tpu.memory_space<vmem>> -> memref<128x128xbf16, #tpu.memory_space<vmem>>
      %dma_wait3A_195 = arith.constant 0 : i32
      %dma_wait3A_196 = tpu.memref_slice %arg7[%dma_wait3A_189, %dma_wait3A_195] : memref<80x128xi32, #tpu.memory_space<vmem>> -> memref<1x128xi32, #tpu.memory_space<vmem>>
      %dma_wait3A_197 = tpu.memref_squeeze %dma_wait3A_196 : memref<1x128xi32, #tpu.memory_space<vmem>> -> memref<128xi32, #tpu.memory_space<vmem>>
      %dma_wait3A_198 = arith.constant 0 : i32
      %dma_wait3A_199 = arith.constant 0 : i32
      %dma_wait3A_200 = tpu.memref_slice %arg2[%dma_wait3A_198, %dma_wait3A_199] : memref<10000x128xbf16, #tpu.memory_space<hbm>> -> memref<10000x128xbf16, #tpu.memory_space<hbm>>
      tpu.wait_indirect_dma semaphore(%arg13 : memref<!tpu.dma_semaphore, #tpu.memory_space<semaphore_mem>>) src(%dma_wait3A_200 : memref<10000x128xbf16, #tpu.memory_space<hbm>>) dst(%dma_wait3A_194 : memref<128x128xbf16, #tpu.memory_space<vmem>>)
      %dma_start3A_201 = arith.constant 3 : i32
      %dma_start3A_202 = arith.constant 0 : i32
      %dma_start3A_203 = arith.constant 0 : i32
      %dma_start3A_204 = tpu.memref_slice %arg9[%dma_start3A_201, %dma_start3A_202, %dma_start3A_203] : memref<5x128x128xbf16, #tpu.memory_space<vmem>> -> memref<1x128x128xbf16, #tpu.memory_space<vmem>>
      %dma_start3A_205 = tpu.memref_squeeze %dma_start3A_204 : memref<1x128x128xbf16, #tpu.memory_space<vmem>> -> memref<128x128xbf16, #tpu.memory_space<vmem>>
      %dma_start3A_206 = arith.constant 0 : i32
      %dma_start3A_207 = tpu.memref_slice %arg8[%add3A_188, %dma_start3A_206] : memref<80x128xi32, #tpu.memory_space<vmem>> -> memref<1x128xi32, #tpu.memory_space<vmem>>
      %dma_start3A_208 = tpu.memref_squeeze %dma_start3A_207 : memref<1x128xi32, #tpu.memory_space<vmem>> -> memref<128xi32, #tpu.memory_space<vmem>>
      %dma_start3A_209 = arith.constant 0 : i32
      %dma_start3A_210 = arith.constant 0 : i32
      %dma_start3A_211 = tpu.memref_slice %arg20[%dma_start3A_209, %dma_start3A_210] : memref<10112x128xbf16, #tpu.memory_space<vmem_shared>> -> memref<10112x128xbf16, #tpu.memory_space<vmem_shared>>
      tpu.enqueue_indirect_dma source(%dma_start3A_205 : memref<128x128xbf16, #tpu.memory_space<vmem>>) target(%dma_start3A_211 : memref<10112x128xbf16, #tpu.memory_space<vmem_shared>>) offsets(%dma_start3A_208 : memref<128xi32, #tpu.memory_space<vmem>>) semaphore(%arg18 : memref<!tpu.dma_semaphore, #tpu.memory_space<semaphore_mem>>) {add = true}
      %ge3A_212 = arith.constant 2 : i32
      %ge3A_213 = arith.cmpi sge, %add3A_188, %ge3A_212 : i32
      %convert_element_type3A_214 = arith.extui %ge3A_213 : i1 to i32
      %cond3A_215 = arith.constant 0 : i32
      %cond3A_216 = arith.cmpi ne, %convert_element_type3A_214, %cond3A_215 : i32
      scf.if %cond3A_216 {
        %dma_wait3A_263 = arith.constant 1 : i32
        %dma_wait3A_264 = arith.constant 0 : i32
        %dma_wait3A_265 = arith.constant 0 : i32
        %dma_wait3A_266 = arith.constant 0 : i32
        %dma_wait3A_267 = tpu.memref_slice %arg9[%dma_wait3A_263, %dma_wait3A_265, %dma_wait3A_266] : memref<5x128x128xbf16, #tpu.memory_space<vmem>> -> memref<1x128x128xbf16, #tpu.memory_space<vmem>>
        %dma_wait3A_268 = tpu.memref_squeeze %dma_wait3A_267 : memref<1x128x128xbf16, #tpu.memory_space<vmem>> -> memref<128x128xbf16, #tpu.memory_space<vmem>>
        %dma_wait3A_269 = arith.constant 0 : i32
        %dma_wait3A_270 = tpu.memref_slice %arg8[%dma_wait3A_264, %dma_wait3A_269] : memref<80x128xi32, #tpu.memory_space<vmem>> -> memref<1x128xi32, #tpu.memory_space<vmem>>
        %dma_wait3A_271 = tpu.memref_squeeze %dma_wait3A_270 : memref<1x128xi32, #tpu.memory_space<vmem>> -> memref<128xi32, #tpu.memory_space<vmem>>
        %dma_wait3A_272 = arith.constant 0 : i32
        %dma_wait3A_273 = arith.constant 0 : i32
        %dma_wait3A_274 = tpu.memref_slice %arg20[%dma_wait3A_272, %dma_wait3A_273] : memref<10112x128xbf16, #tpu.memory_space<vmem_shared>> -> memref<10112x128xbf16, #tpu.memory_space<vmem_shared>>
        tpu.wait_indirect_dma semaphore(%arg16 : memref<!tpu.dma_semaphore, #tpu.memory_space<semaphore_mem>>) src(%dma_wait3A_268 : memref<128x128xbf16, #tpu.memory_space<vmem>>) dst(%dma_wait3A_274 : memref<10112x128xbf16, #tpu.memory_space<vmem_shared>>)
      } else {
      }
      %add3A_217 = arith.constant 3 : i32
      %add3A_218 = arith.addi %add3A_188, %add3A_217 : i32
      %lt3A_219 = arith.constant 80 : i32
      %lt3A_220 = arith.cmpi slt, %add3A_218, %lt3A_219 : i32
      %convert_element_type3A_221 = arith.extui %lt3A_220 : i1 to i32
      %cond3A_222 = arith.constant 0 : i32
      %cond3A_223 = arith.cmpi ne, %convert_element_type3A_221, %cond3A_222 : i32
      scf.if %cond3A_223 {
        %add3A_263 = arith.constant 3 : i32
        %add3A_264 = arith.addi %add3A_188, %add3A_263 : i32
        %dma_start3A_265 = arith.constant 1 : i32
        %dma_start3A_266 = arith.constant 0 : i32
        %dma_start3A_267 = arith.constant 0 : i32
        %dma_start3A_268 = tpu.memref_slice %arg9[%dma_start3A_265, %dma_start3A_266, %dma_start3A_267] : memref<5x128x128xbf16, #tpu.memory_space<vmem>> -> memref<1x128x128xbf16, #tpu.memory_space<vmem>>
        %dma_start3A_269 = tpu.memref_squeeze %dma_start3A_268 : memref<1x128x128xbf16, #tpu.memory_space<vmem>> -> memref<128x128xbf16, #tpu.memory_space<vmem>>
        %dma_start3A_270 = arith.constant 0 : i32
        %dma_start3A_271 = tpu.memref_slice %arg7[%add3A_264, %dma_start3A_270] : memref<80x128xi32, #tpu.memory_space<vmem>> -> memref<1x128xi32, #tpu.memory_space<vmem>>
        %dma_start3A_272 = tpu.memref_squeeze %dma_start3A_271 : memref<1x128xi32, #tpu.memory_space<vmem>> -> memref<128xi32, #tpu.memory_space<vmem>>
        %dma_start3A_273 = arith.constant 0 : i32
        %dma_start3A_274 = arith.constant 0 : i32
        %dma_start3A_275 = tpu.memref_slice %arg2[%dma_start3A_273, %dma_start3A_274] : memref<10000x128xbf16, #tpu.memory_space<hbm>> -> memref<10000x128xbf16, #tpu.memory_space<hbm>>
        tpu.enqueue_indirect_dma source(%dma_start3A_275 : memref<10000x128xbf16, #tpu.memory_space<hbm>>) target(%dma_start3A_269 : memref<128x128xbf16, #tpu.memory_space<vmem>>) offsets(%dma_start3A_272 : memref<128xi32, #tpu.memory_space<vmem>>) semaphore(%arg11 : memref<!tpu.dma_semaphore, #tpu.memory_space<semaphore_mem>>)
      } else {
      }
      %mul3A_224 = arith.constant 5 : i32
      %mul3A_225 = arith.muli %scan3A_71, %mul3A_224 : i32
      %add3A_226 = arith.constant 4 : i32
      %add3A_227 = arith.addi %mul3A_225, %add3A_226 : i32
      %dma_wait3A_228 = arith.constant 0 : i32
      %dma_wait3A_229 = arith.constant 4 : i32
      %dma_wait3A_230 = arith.constant 0 : i32
      %dma_wait3A_231 = arith.constant 0 : i32
      %dma_wait3A_232 = tpu.memref_slice %arg9[%dma_wait3A_229, %dma_wait3A_230, %dma_wait3A_231] : memref<5x128x128xbf16, #tpu.memory_space<vmem>> -> memref<1x128x128xbf16, #tpu.memory_space<vmem>>
      %dma_wait3A_233 = tpu.memref_squeeze %dma_wait3A_232 : memref<1x128x128xbf16, #tpu.memory_space<vmem>> -> memref<128x128xbf16, #tpu.memory_space<vmem>>
      %dma_wait3A_234 = arith.constant 0 : i32
      %dma_wait3A_235 = tpu.memref_slice %arg7[%dma_wait3A_228, %dma_wait3A_234] : memref<80x128xi32, #tpu.memory_space<vmem>> -> memref<1x128xi32, #tpu.memory_space<vmem>>
      %dma_wait3A_236 = tpu.memref_squeeze %dma_wait3A_235 : memref<1x128xi32, #tpu.memory_space<vmem>> -> memref<128xi32, #tpu.memory_space<vmem>>
      %dma_wait3A_237 = arith.constant 0 : i32
      %dma_wait3A_238 = arith.constant 0 : i32
      %dma_wait3A_239 = tpu.memref_slice %arg2[%dma_wait3A_237, %dma_wait3A_238] : memref<10000x128xbf16, #tpu.memory_space<hbm>> -> memref<10000x128xbf16, #tpu.memory_space<hbm>>
      tpu.wait_indirect_dma semaphore(%arg14 : memref<!tpu.dma_semaphore, #tpu.memory_space<semaphore_mem>>) src(%dma_wait3A_239 : memref<10000x128xbf16, #tpu.memory_space<hbm>>) dst(%dma_wait3A_233 : memref<128x128xbf16, #tpu.memory_space<vmem>>)
      %dma_start3A_240 = arith.constant 4 : i32
      %dma_start3A_241 = arith.constant 0 : i32
      %dma_start3A_242 = arith.constant 0 : i32
      %dma_start3A_243 = tpu.memref_slice %arg9[%dma_start3A_240, %dma_start3A_241, %dma_start3A_242] : memref<5x128x128xbf16, #tpu.memory_space<vmem>> -> memref<1x128x128xbf16, #tpu.memory_space<vmem>>
      %dma_start3A_244 = tpu.memref_squeeze %dma_start3A_243 : memref<1x128x128xbf16, #tpu.memory_space<vmem>> -> memref<128x128xbf16, #tpu.memory_space<vmem>>
      %dma_start3A_245 = arith.constant 0 : i32
      %dma_start3A_246 = tpu.memref_slice %arg8[%add3A_227, %dma_start3A_245] : memref<80x128xi32, #tpu.memory_space<vmem>> -> memref<1x128xi32, #tpu.memory_space<vmem>>
      %dma_start3A_247 = tpu.memref_squeeze %dma_start3A_246 : memref<1x128xi32, #tpu.memory_space<vmem>> -> memref<128xi32, #tpu.memory_space<vmem>>
      %dma_start3A_248 = arith.constant 0 : i32
      %dma_start3A_249 = arith.constant 0 : i32
      %dma_start3A_250 = tpu.memref_slice %arg20[%dma_start3A_248, %dma_start3A_249] : memref<10112x128xbf16, #tpu.memory_space<vmem_shared>> -> memref<10112x128xbf16, #tpu.memory_space<vmem_shared>>
      tpu.enqueue_indirect_dma source(%dma_start3A_244 : memref<128x128xbf16, #tpu.memory_space<vmem>>) target(%dma_start3A_250 : memref<10112x128xbf16, #tpu.memory_space<vmem_shared>>) offsets(%dma_start3A_247 : memref<128xi32, #tpu.memory_space<vmem>>) semaphore(%arg19 : memref<!tpu.dma_semaphore, #tpu.memory_space<semaphore_mem>>) {add = true}
      %ge3A_251 = arith.constant 2 : i32
      %ge3A_252 = arith.cmpi sge, %add3A_227, %ge3A_251 : i32
      %convert_element_type3A_253 = arith.extui %ge3A_252 : i1 to i32
      %cond3A_254 = arith.constant 0 : i32
      %cond3A_255 = arith.cmpi ne, %convert_element_type3A_253, %cond3A_254 : i32
      scf.if %cond3A_255 {
        %dma_wait3A_263 = arith.constant 2 : i32
        %dma_wait3A_264 = arith.constant 0 : i32
        %dma_wait3A_265 = arith.constant 0 : i32
        %dma_wait3A_266 = arith.constant 0 : i32
        %dma_wait3A_267 = tpu.memref_slice %arg9[%dma_wait3A_263, %dma_wait3A_265, %dma_wait3A_266] : memref<5x128x128xbf16, #tpu.memory_space<vmem>> -> memref<1x128x128xbf16, #tpu.memory_space<vmem>>
        %dma_wait3A_268 = tpu.memref_squeeze %dma_wait3A_267 : memref<1x128x128xbf16, #tpu.memory_space<vmem>> -> memref<128x128xbf16, #tpu.memory_space<vmem>>
        %dma_wait3A_269 = arith.constant 0 : i32
        %dma_wait3A_270 = tpu.memref_slice %arg8[%dma_wait3A_264, %dma_wait3A_269] : memref<80x128xi32, #tpu.memory_space<vmem>> -> memref<1x128xi32, #tpu.memory_space<vmem>>
        %dma_wait3A_271 = tpu.memref_squeeze %dma_wait3A_270 : memref<1x128xi32, #tpu.memory_space<vmem>> -> memref<128xi32, #tpu.memory_space<vmem>>
        %dma_wait3A_272 = arith.constant 0 : i32
        %dma_wait3A_273 = arith.constant 0 : i32
        %dma_wait3A_274 = tpu.memref_slice %arg20[%dma_wait3A_272, %dma_wait3A_273] : memref<10112x128xbf16, #tpu.memory_space<vmem_shared>> -> memref<10112x128xbf16, #tpu.memory_space<vmem_shared>>
        tpu.wait_indirect_dma semaphore(%arg17 : memref<!tpu.dma_semaphore, #tpu.memory_space<semaphore_mem>>) src(%dma_wait3A_268 : memref<128x128xbf16, #tpu.memory_space<vmem>>) dst(%dma_wait3A_274 : memref<10112x128xbf16, #tpu.memory_space<vmem_shared>>)
      } else {
      }
      %add3A_256 = arith.constant 3 : i32
      %add3A_257 = arith.addi %add3A_227, %add3A_256 : i32
      %lt3A_258 = arith.constant 80 : i32
      %lt3A_259 = arith.cmpi slt, %add3A_257, %lt3A_258 : i32
      %convert_element_type3A_260 = arith.extui %lt3A_259 : i1 to i32
      %cond3A_261 = arith.constant 0 : i32
      %cond3A_262 = arith.cmpi ne, %convert_element_type3A_260, %cond3A_261 : i32
      scf.if %cond3A_262 {
        %add3A_263 = arith.constant 3 : i32
        %add3A_264 = arith.addi %add3A_227, %add3A_263 : i32
        %dma_start3A_265 = arith.constant 2 : i32
        %dma_start3A_266 = arith.constant 0 : i32
        %dma_start3A_267 = arith.constant 0 : i32
        %dma_start3A_268 = tpu.memref_slice %arg9[%dma_start3A_265, %dma_start3A_266, %dma_start3A_267] : memref<5x128x128xbf16, #tpu.memory_space<vmem>> -> memref<1x128x128xbf16, #tpu.memory_space<vmem>>
        %dma_start3A_269 = tpu.memref_squeeze %dma_start3A_268 : memref<1x128x128xbf16, #tpu.memory_space<vmem>> -> memref<128x128xbf16, #tpu.memory_space<vmem>>
        %dma_start3A_270 = arith.constant 0 : i32
        %dma_start3A_271 = tpu.memref_slice %arg7[%add3A_264, %dma_start3A_270] : memref<80x128xi32, #tpu.memory_space<vmem>> -> memref<1x128xi32, #tpu.memory_space<vmem>>
        %dma_start3A_272 = tpu.memref_squeeze %dma_start3A_271 : memref<1x128xi32, #tpu.memory_space<vmem>> -> memref<128xi32, #tpu.memory_space<vmem>>
        %dma_start3A_273 = arith.constant 0 : i32
        %dma_start3A_274 = arith.constant 0 : i32
        %dma_start3A_275 = tpu.memref_slice %arg2[%dma_start3A_273, %dma_start3A_274] : memref<10000x128xbf16, #tpu.memory_space<hbm>> -> memref<10000x128xbf16, #tpu.memory_space<hbm>>
        tpu.enqueue_indirect_dma source(%dma_start3A_275 : memref<10000x128xbf16, #tpu.memory_space<hbm>>) target(%dma_start3A_269 : memref<128x128xbf16, #tpu.memory_space<vmem>>) offsets(%dma_start3A_272 : memref<128xi32, #tpu.memory_space<vmem>>) semaphore(%arg12 : memref<!tpu.dma_semaphore, #tpu.memory_space<semaphore_mem>>)
      } else {
      }
    }
    %scan3A_42 = arith.constant 16 : i32
    %dma_wait3A = arith.constant 3 : i32
    %dma_wait3A_43 = arith.constant 0 : i32
    %dma_wait3A_44 = arith.constant 0 : i32
    %dma_wait3A_45 = arith.constant 0 : i32
    %dma_wait3A_46 = tpu.memref_slice %arg9[%dma_wait3A, %dma_wait3A_44, %dma_wait3A_45] : memref<5x128x128xbf16, #tpu.memory_space<vmem>> -> memref<1x128x128xbf16, #tpu.memory_space<vmem>>
    %dma_wait3A_47 = tpu.memref_squeeze %dma_wait3A_46 : memref<1x128x128xbf16, #tpu.memory_space<vmem>> -> memref<128x128xbf16, #tpu.memory_space<vmem>>
    %dma_wait3A_48 = arith.constant 0 : i32
    %dma_wait3A_49 = tpu.memref_slice %arg8[%dma_wait3A_43, %dma_wait3A_48] : memref<80x128xi32, #tpu.memory_space<vmem>> -> memref<1x128xi32, #tpu.memory_space<vmem>>
    %dma_wait3A_50 = tpu.memref_squeeze %dma_wait3A_49 : memref<1x128xi32, #tpu.memory_space<vmem>> -> memref<128xi32, #tpu.memory_space<vmem>>
    %dma_wait3A_51 = arith.constant 0 : i32
    %dma_wait3A_52 = arith.constant 0 : i32
    %dma_wait3A_53 = tpu.memref_slice %arg20[%dma_wait3A_51, %dma_wait3A_52] : memref<10112x128xbf16, #tpu.memory_space<vmem_shared>> -> memref<10112x128xbf16, #tpu.memory_space<vmem_shared>>
    tpu.wait_indirect_dma semaphore(%arg18 : memref<!tpu.dma_semaphore, #tpu.memory_space<semaphore_mem>>) src(%dma_wait3A_47 : memref<128x128xbf16, #tpu.memory_space<vmem>>) dst(%dma_wait3A_53 : memref<10112x128xbf16, #tpu.memory_space<vmem_shared>>)
    %dma_wait3A_54 = arith.constant 4 : i32
    %dma_wait3A_55 = arith.constant 0 : i32
    %dma_wait3A_56 = arith.constant 0 : i32
    %dma_wait3A_57 = arith.constant 0 : i32
    %dma_wait3A_58 = tpu.memref_slice %arg9[%dma_wait3A_54, %dma_wait3A_56, %dma_wait3A_57] : memref<5x128x128xbf16, #tpu.memory_space<vmem>> -> memref<1x128x128xbf16, #tpu.memory_space<vmem>>
    %dma_wait3A_59 = tpu.memref_squeeze %dma_wait3A_58 : memref<1x128x128xbf16, #tpu.memory_space<vmem>> -> memref<128x128xbf16, #tpu.memory_space<vmem>>
    %dma_wait3A_60 = arith.constant 0 : i32
    %dma_wait3A_61 = tpu.memref_slice %arg8[%dma_wait3A_55, %dma_wait3A_60] : memref<80x128xi32, #tpu.memory_space<vmem>> -> memref<1x128xi32, #tpu.memory_space<vmem>>
    %dma_wait3A_62 = tpu.memref_squeeze %dma_wait3A_61 : memref<1x128xi32, #tpu.memory_space<vmem>> -> memref<128xi32, #tpu.memory_space<vmem>>
    %dma_wait3A_63 = arith.constant 0 : i32
    %dma_wait3A_64 = arith.constant 0 : i32
    %dma_wait3A_65 = tpu.memref_slice %arg20[%dma_wait3A_63, %dma_wait3A_64] : memref<10112x128xbf16, #tpu.memory_space<vmem_shared>> -> memref<10112x128xbf16, #tpu.memory_space<vmem_shared>>
    tpu.wait_indirect_dma semaphore(%arg19 : memref<!tpu.dma_semaphore, #tpu.memory_space<semaphore_mem>>) src(%dma_wait3A_59 : memref<128x128xbf16, #tpu.memory_space<vmem>>) dst(%dma_wait3A_65 : memref<10112x128xbf16, #tpu.memory_space<vmem_shared>>)
    %barrier3A_66 = arith.constant 0 : index
    tpu.barrier barrier_id(%barrier3A_66)
    %mul3A_67 = arith.constant 632 : i32
    %mul3A_68 = arith.muli %arg1, %mul3A_67 : i32
    %mul3A_69 = arith.constant 632 : i32
    %mul3A_70 = arith.muli %arg1, %mul3A_69 : i32
    "tpu.region"() ({
      %run_scoped3A = tpu.sem_alloc : memref<!tpu.dma_semaphore, #tpu.memory_space<semaphore_mem>>
      %dma_start3A_71 = arith.constant 0 : i32
      %dma_start3A_72 = tpu.memref_slice %arg6[%arg0, %mul3A_70, %dma_start3A_71] : memref<2x10112x128xbf16, #tpu.memory_space<hbm>> -> memref<1x632x128xbf16, #tpu.memory_space<hbm>>
      %dma_start3A_73 = tpu.memref_squeeze %dma_start3A_72 : memref<1x632x128xbf16, #tpu.memory_space<hbm>> -> memref<632x128xbf16, #tpu.memory_space<hbm>>
      %dma_start3A_74 = arith.constant 0 : i32
      %dma_start3A_75 = tpu.memref_slice %arg20[%mul3A_68, %dma_start3A_74] : memref<10112x128xbf16, #tpu.memory_space<vmem_shared>> -> memref<632x128xbf16, #tpu.memory_space<vmem_shared>>
      tpu.enqueue_dma source(%dma_start3A_75 : memref<632x128xbf16, #tpu.memory_space<vmem_shared>>) target(%dma_start3A_73 : memref<632x128xbf16, #tpu.memory_space<hbm>>) target_semaphore(%run_scoped3A : memref<!tpu.dma_semaphore, #tpu.memory_space<semaphore_mem>>)
      %dma_wait3A_76 = arith.constant 0 : i32
      %dma_wait3A_77 = tpu.memref_slice %arg6[%arg0, %mul3A_70, %dma_wait3A_76] : memref<2x10112x128xbf16, #tpu.memory_space<hbm>> -> memref<1x632x128xbf16, #tpu.memory_space<hbm>>
      %dma_wait3A_78 = tpu.memref_squeeze %dma_wait3A_77 : memref<1x632x128xbf16, #tpu.memory_space<hbm>> -> memref<632x128xbf16, #tpu.memory_space<hbm>>
      %dma_wait3A_79 = arith.constant 0 : i32
      %dma_wait3A_80 = tpu.memref_slice %arg20[%mul3A_68, %dma_wait3A_79] : memref<10112x128xbf16, #tpu.memory_space<vmem_shared>> -> memref<632x128xbf16, #tpu.memory_space<vmem_shared>>
      tpu.wait_dma2 semaphore(%run_scoped3A : memref<!tpu.dma_semaphore, #tpu.memory_space<semaphore_mem>>) src(%dma_wait3A_80 : memref<632x128xbf16, #tpu.memory_space<vmem_shared>>) dst(%dma_wait3A_78 : memref<632x128xbf16, #tpu.memory_space<hbm>>)
      tpu.yield
    }) : () -> ()
    return
  }
}

module attributes {stable_mosaic.version = 14 : i64} {
  func.func @_tc_in_body(%arg0: i32, %arg1: memref<400x128xf32, #tpu.memory_space<vmem>>, %arg2: memref<128x128xf32, #tpu.memory_space<vmem>>, %arg3: memref<1x400x16xf32, #tpu.memory_space<vmem>>, %arg4: memref<1x400x16xf32, #tpu.memory_space<vmem>>, %arg5: memref<400x128xf32, #tpu.memory_space<vmem>>, %arg6: memref<400x128xbf16, #tpu.memory_space<vmem>>, %arg7: memref<400x1xf32, #tpu.memory_space<vmem>>) attributes {dimension_semantics = [#tpu.dimension_semantics<arbitrary>], iteration_bounds = array<i64: 25>, scalar_prefetch = 0 : i64, scratch_operands = 0 : i64, tpu.core_type = #tpu.core_type<tc>, window_params = [{transform_indices = @transform_0, window_bounds = array<i64: 400, 128>}, {pipeline_mode = #tpu.pipeline_mode<synchronous>, transform_indices = @transform_1, window_bounds = array<i64: 128, 128>}, {transform_indices = @transform_2, window_bounds = array<i64: 1, 400, 16>}, {transform_indices = @transform_3, window_bounds = array<i64: 1, 400, 16>}, {transform_indices = @transform_4, window_bounds = array<i64: 400, 128>}, {transform_indices = @transform_5, window_bounds = array<i64: 400, 128>}, {transform_indices = @transform_6, window_bounds = array<i64: 400, 1>}]} {
    %get3A = arith.constant 0 : index
    %get3A_0 = arith.constant 0 : index
    %get3A_1 = arith.constant 0 : index
    %get3A_2 = vector.load %arg3[%get3A, %get3A_0, %get3A_1] : memref<1x400x16xf32, #tpu.memory_space<vmem>>, vector<1x400x1xf32>
    %get3A_3 = vector.shape_cast %get3A_2 : vector<1x400x1xf32> to vector<400x1xf32>
    %get3A_4 = arith.constant 0 : index
    %get3A_5 = arith.constant 0 : index
    %get3A_6 = arith.constant 0 : index
    %get3A_7 = vector.load %arg4[%get3A_4, %get3A_5, %get3A_6] : memref<1x400x16xf32, #tpu.memory_space<vmem>>, vector<1x400x1xf32>
    %get3A_8 = vector.shape_cast %get3A_7 : vector<1x400x1xf32> to vector<400x1xf32>
    %add3A = arith.addf %get3A_3, %get3A_8 : vector<400x1xf32>
    %add3A_9 = arith.constant 1.000000e+00 : f32
    %add3A_10 = vector.broadcast %add3A_9 : f32 to vector<400x1xf32>
    %add3A_11 = arith.addf %add3A, %add3A_10 : vector<400x1xf32>
    %rsqrt3A = math.rsqrt %add3A_11 : vector<400x1xf32>
    %get3A_12 = arith.constant 0 : index
    %get3A_13 = arith.constant 0 : index
    %get3A_14 = vector.load %arg1[%get3A_12, %get3A_13] : memref<400x128xf32, #tpu.memory_space<vmem>>, vector<400x128xf32>
    %get3A_15 = arith.constant 0 : index
    %get3A_16 = arith.constant 0 : index
    %get3A_17 = vector.load %arg2[%get3A_15, %get3A_16] : memref<128x128xf32, #tpu.memory_space<vmem>>, vector<128x128xf32>
    %dot_general3A = arith.constant dense<0.000000e+00> : vector<400x128xf32>
    %dot_general3A_18 = tpu.matmul %get3A_14, %get3A_17, %dot_general3A {dimension_numbers = #tpu.dot_dimension_numbers<[1], [0], [0], [1], [0, 0, 1, 1], [], []>, precision = #tpu.contract_precision<fp32>, transpose_lhs_hint = false} : vector<400x128xf32>, vector<128x128xf32>, vector<400x128xf32> -> vector<400x128xf32>
    %mul3A = vector.broadcast %rsqrt3A : vector<400x1xf32> to vector<400x128xf32>
    %mul3A_19 = arith.mulf %dot_general3A_18, %mul3A : vector<400x128xf32>
    %swap3A = arith.constant 0 : index
    %swap3A_20 = arith.constant 0 : index
    %swap3A_21 = vector.load %arg5[%swap3A, %swap3A_20] : memref<400x128xf32, #tpu.memory_space<vmem>>, vector<400x128xf32>
    tpu.vector_store %arg5[%swap3A, %swap3A_20], %mul3A_19 {strides = array<i32>} : memref<400x128xf32, #tpu.memory_space<vmem>>, vector<400x128xf32>,
    %convert_element_type3A = arith.truncf %mul3A_19 : vector<400x128xf32> to vector<400x128xbf16>
    %swap3A_22 = arith.constant 0 : index
    %swap3A_23 = arith.constant 0 : index
    %swap3A_24 = vector.load %arg6[%swap3A_22, %swap3A_23] : memref<400x128xbf16, #tpu.memory_space<vmem>>, vector<400x128xbf16>
    tpu.vector_store %arg6[%swap3A_22, %swap3A_23], %convert_element_type3A {strides = array<i32>} : memref<400x128xbf16, #tpu.memory_space<vmem>>, vector<400x128xbf16>,
    %swap3A_25 = arith.constant 0 : index
    %swap3A_26 = arith.constant 0 : index
    %swap3A_27 = vector.load %arg7[%swap3A_25, %swap3A_26] : memref<400x1xf32, #tpu.memory_space<vmem>>, vector<400x1xf32>
    tpu.vector_store %arg7[%swap3A_25, %swap3A_26], %rsqrt3A {strides = array<i32>} : memref<400x1xf32, #tpu.memory_space<vmem>>, vector<400x1xf32>,
    return
  }
  func.func @transform_0(%arg0: i32) -> (i32, i32) {
    %c0_i32 = arith.constant 0 : i32
    %c0_i32_0 = arith.constant 0 : i32
    return %arg0, %c0_i32 : i32, i32
  }
  func.func @transform_1(%arg0: i32) -> (i32, i32) {
    %c0_i32 = arith.constant 0 : i32
    %c0_i32_0 = arith.constant 0 : i32
    %c0_i32_1 = arith.constant 0 : i32
    return %c0_i32, %c0_i32_0 : i32, i32
  }
  func.func @transform_2(%arg0: i32) -> (i32, i32, i32) {
    %c0_i32 = arith.constant 0 : i32
    %c0_i32_0 = arith.constant 0 : i32
    %c0_i32_1 = arith.constant 0 : i32
    return %c0_i32, %arg0, %c0_i32_0 : i32, i32, i32
  }
  func.func @transform_3(%arg0: i32) -> (i32, i32, i32) {
    %c1_i32 = arith.constant 1 : i32
    %c0_i32 = arith.constant 0 : i32
    %c0_i32_0 = arith.constant 0 : i32
    return %c1_i32, %arg0, %c0_i32 : i32, i32, i32
  }
  func.func @transform_4(%arg0: i32) -> (i32, i32) {
    %c0_i32 = arith.constant 0 : i32
    %c0_i32_0 = arith.constant 0 : i32
    return %arg0, %c0_i32 : i32, i32
  }
  func.func @transform_5(%arg0: i32) -> (i32, i32) {
    %c0_i32 = arith.constant 0 : i32
    %c0_i32_0 = arith.constant 0 : i32
    return %arg0, %c0_i32 : i32, i32
  }
  func.func @transform_6(%arg0: i32) -> (i32, i32) {
    %c0_i32 = arith.constant 0 : i32
    %c0_i32_0 = arith.constant 0 : i32
    return %arg0, %c0_i32 : i32, i32
  }
}

module attributes {stable_mosaic.version = 14 : i64} {
  func.func @_tc_mid_body(%arg0: i32, %arg1: memref<2x400x128xbf16, #tpu.memory_space<vmem>>, %arg2: memref<400x128xf32, #tpu.memory_space<vmem>>, %arg3: memref<400x1xf32, #tpu.memory_space<vmem>>, %arg4: memref<1x128xf32, #tpu.memory_space<vmem>>, %arg5: memref<128x128xf32, #tpu.memory_space<vmem>>, %arg6: memref<400x128xf32, #tpu.memory_space<vmem>>, %arg7: memref<400x128xbf16, #tpu.memory_space<vmem>>) attributes {dimension_semantics = [#tpu.dimension_semantics<arbitrary>], iteration_bounds = array<i64: 25>, scalar_prefetch = 0 : i64, scratch_operands = 0 : i64, tpu.core_type = #tpu.core_type<tc>, window_params = [{transform_indices = @transform_0, window_bounds = array<i64: 2, 400, 128>}, {transform_indices = @transform_1, window_bounds = array<i64: 400, 128>}, {transform_indices = @transform_2, window_bounds = array<i64: 400, 1>}, {pipeline_mode = #tpu.pipeline_mode<synchronous>, transform_indices = @transform_3, window_bounds = array<i64: 1, 128>}, {pipeline_mode = #tpu.pipeline_mode<synchronous>, transform_indices = @transform_4, window_bounds = array<i64: 128, 128>}, {transform_indices = @transform_5, window_bounds = array<i64: 400, 128>}, {transform_indices = @transform_6, window_bounds = array<i64: 400, 128>}]} {
    %get3A = arith.constant 0 : index
    %get3A_0 = arith.constant 0 : index
    %get3A_1 = arith.constant 0 : index
    %get3A_2 = vector.load %arg1[%get3A, %get3A_0, %get3A_1] : memref<2x400x128xbf16, #tpu.memory_space<vmem>>, vector<1x400x128xbf16>
    %get3A_3 = vector.shape_cast %get3A_2 : vector<1x400x128xbf16> to vector<400x128xbf16>
    %convert_element_type3A = arith.extf %get3A_3 : vector<400x128xbf16> to vector<400x128xf32>
    %get3A_4 = arith.constant 1 : index
    %get3A_5 = arith.constant 0 : index
    %get3A_6 = arith.constant 0 : index
    %get3A_7 = vector.load %arg1[%get3A_4, %get3A_5, %get3A_6] : memref<2x400x128xbf16, #tpu.memory_space<vmem>>, vector<1x400x128xbf16>
    %get3A_8 = vector.shape_cast %get3A_7 : vector<1x400x128xbf16> to vector<400x128xbf16>
    %convert_element_type3A_9 = arith.extf %get3A_8 : vector<400x128xbf16> to vector<400x128xf32>
    %add3A = arith.addf %convert_element_type3A, %convert_element_type3A_9 : vector<400x128xf32>
    %get3A_10 = arith.constant 0 : index
    %get3A_11 = arith.constant 0 : index
    %get3A_12 = vector.load %arg2[%get3A_10, %get3A_11] : memref<400x128xf32, #tpu.memory_space<vmem>>, vector<400x128xf32>
    %add3A_13 = arith.addf %add3A, %get3A_12 : vector<400x128xf32>
    %get3A_14 = arith.constant 0 : index
    %get3A_15 = arith.constant 0 : index
    %get3A_16 = vector.load %arg3[%get3A_14, %get3A_15] : memref<400x1xf32, #tpu.memory_space<vmem>>, vector<400x1xf32>
    %mul3A = vector.broadcast %get3A_16 : vector<400x1xf32> to vector<400x128xf32>
    %mul3A_17 = arith.mulf %add3A_13, %mul3A : vector<400x128xf32>
    %get3A_18 = arith.constant 0 : index
    %get3A_19 = arith.constant 0 : index
    %get3A_20 = vector.load %arg4[%get3A_18, %get3A_19] : memref<1x128xf32, #tpu.memory_space<vmem>>, vector<1x128xf32>
    %add3A_21 = vector.broadcast %get3A_20 : vector<1x128xf32> to vector<400x128xf32>
    %add3A_22 = arith.addf %mul3A_17, %add3A_21 : vector<400x128xf32>
    %max3A = arith.constant 0.000000e+00 : f32
    %max3A_23 = vector.broadcast %max3A : f32 to vector<400x128xf32>
    %max3A_24 = arith.maximumf %add3A_22, %max3A_23 : vector<400x128xf32>
    %get3A_25 = arith.constant 0 : index
    %get3A_26 = arith.constant 0 : index
    %get3A_27 = vector.load %arg5[%get3A_25, %get3A_26] : memref<128x128xf32, #tpu.memory_space<vmem>>, vector<128x128xf32>
    %dot_general3A = arith.constant dense<0.000000e+00> : vector<400x128xf32>
    %dot_general3A_28 = tpu.matmul %max3A_24, %get3A_27, %dot_general3A {dimension_numbers = #tpu.dot_dimension_numbers<[1], [0], [0], [1], [0, 0, 1, 1], [], []>, precision = #tpu.contract_precision<fp32>, transpose_lhs_hint = false} : vector<400x128xf32>, vector<128x128xf32>, vector<400x128xf32> -> vector<400x128xf32>
    %mul3A_29 = vector.broadcast %get3A_16 : vector<400x1xf32> to vector<400x128xf32>
    %mul3A_30 = arith.mulf %dot_general3A_28, %mul3A_29 : vector<400x128xf32>
    %swap3A = arith.constant 0 : index
    %swap3A_31 = arith.constant 0 : index
    %swap3A_32 = vector.load %arg6[%swap3A, %swap3A_31] : memref<400x128xf32, #tpu.memory_space<vmem>>, vector<400x128xf32>
    tpu.vector_store %arg6[%swap3A, %swap3A_31], %mul3A_30 {strides = array<i32>} : memref<400x128xf32, #tpu.memory_space<vmem>>, vector<400x128xf32>,
    %convert_element_type3A_33 = arith.truncf %mul3A_30 : vector<400x128xf32> to vector<400x128xbf16>
    %swap3A_34 = arith.constant 0 : index
    %swap3A_35 = arith.constant 0 : index
    %swap3A_36 = vector.load %arg7[%swap3A_34, %swap3A_35] : memref<400x128xbf16, #tpu.memory_space<vmem>>, vector<400x128xbf16>
    tpu.vector_store %arg7[%swap3A_34, %swap3A_35], %convert_element_type3A_33 {strides = array<i32>} : memref<400x128xbf16, #tpu.memory_space<vmem>>, vector<400x128xbf16>,
    return
  }
  func.func @transform_0(%arg0: i32) -> (i32, i32, i32) {
    %c0_i32 = arith.constant 0 : i32
    %c0_i32_0 = arith.constant 0 : i32
    %c0_i32_1 = arith.constant 0 : i32
    return %c0_i32, %arg0, %c0_i32_0 : i32, i32, i32
  }
  func.func @transform_1(%arg0: i32) -> (i32, i32) {
    %c0_i32 = arith.constant 0 : i32
    %c0_i32_0 = arith.constant 0 : i32
    return %arg0, %c0_i32 : i32, i32
  }
  func.func @transform_2(%arg0: i32) -> (i32, i32) {
    %c0_i32 = arith.constant 0 : i32
    %c0_i32_0 = arith.constant 0 : i32
    return %arg0, %c0_i32 : i32, i32
  }
  func.func @transform_3(%arg0: i32) -> (i32, i32) {
    %c0_i32 = arith.constant 0 : i32
    %c0_i32_0 = arith.constant 0 : i32
    %c0_i32_1 = arith.constant 0 : i32
    return %c0_i32, %c0_i32_0 : i32, i32
  }
  func.func @transform_4(%arg0: i32) -> (i32, i32) {
    %c0_i32 = arith.constant 0 : i32
    %c0_i32_0 = arith.constant 0 : i32
    %c0_i32_1 = arith.constant 0 : i32
    return %c0_i32, %c0_i32_0 : i32, i32
  }
  func.func @transform_5(%arg0: i32) -> (i32, i32) {
    %c0_i32 = arith.constant 0 : i32
    %c0_i32_0 = arith.constant 0 : i32
    return %arg0, %c0_i32 : i32, i32
  }
  func.func @transform_6(%arg0: i32) -> (i32, i32) {
    %c0_i32 = arith.constant 0 : i32
    %c0_i32_0 = arith.constant 0 : i32
    return %arg0, %c0_i32 : i32, i32
  }
}

module attributes {stable_mosaic.version = 14 : i64} {
  func.func @_tc_head_body(%arg0: i32, %arg1: memref<2x400x128xbf16, #tpu.memory_space<vmem>>, %arg2: memref<400x128xf32, #tpu.memory_space<vmem>>, %arg3: memref<400x1xf32, #tpu.memory_space<vmem>>, %arg4: memref<1x128xf32, #tpu.memory_space<vmem>>, %arg5: memref<128x128xf32, #tpu.memory_space<vmem>>, %arg6: memref<1x128xf32, #tpu.memory_space<vmem>>, %arg7: memref<128x128xf32, #tpu.memory_space<vmem>>, %arg8: memref<1x128xf32, #tpu.memory_space<vmem>>, %arg9: memref<128x128xf32, #tpu.memory_space<vmem>>, %arg10: memref<1x128xf32, #tpu.memory_space<vmem>>, %arg11: memref<128x128xf32, #tpu.memory_space<vmem>>, %arg12: memref<1x128xf32, #tpu.memory_space<vmem>>, %arg13: memref<1x128xf32, #tpu.memory_space<vmem>>, %arg14: memref<1x128xf32, #tpu.memory_space<vmem>>, %arg15: memref<1x128xf32, #tpu.memory_space<vmem>>) attributes {dimension_semantics = [#tpu.dimension_semantics<arbitrary>], iteration_bounds = array<i64: 25>, scalar_prefetch = 0 : i64, scratch_operands = 1 : i64, tpu.core_type = #tpu.core_type<tc>, window_params = [{transform_indices = @transform_0, window_bounds = array<i64: 2, 400, 128>}, {transform_indices = @transform_1, window_bounds = array<i64: 400, 128>}, {transform_indices = @transform_2, window_bounds = array<i64: 400, 1>}, {pipeline_mode = #tpu.pipeline_mode<synchronous>, transform_indices = @transform_3, window_bounds = array<i64: 1, 128>}, {pipeline_mode = #tpu.pipeline_mode<synchronous>, transform_indices = @transform_4, window_bounds = array<i64: 128, 128>}, {pipeline_mode = #tpu.pipeline_mode<synchronous>, transform_indices = @transform_5, window_bounds = array<i64: 1, 128>}, {pipeline_mode = #tpu.pipeline_mode<synchronous>, transform_indices = @transform_6, window_bounds = array<i64: 128, 128>}, {pipeline_mode = #tpu.pipeline_mode<synchronous>, transform_indices = @transform_7, window_bounds = array<i64: 1, 128>}, {pipeline_mode = #tpu.pipeline_mode<synchronous>, transform_indices = @transform_8, window_bounds = array<i64: 128, 128>}, {pipeline_mode = #tpu.pipeline_mode<synchronous>, transform_indices = @transform_9, window_bounds = array<i64: 1, 128>}, {pipeline_mode = #tpu.pipeline_mode<synchronous>, transform_indices = @transform_10, window_bounds = array<i64: 128, 128>}, {pipeline_mode = #tpu.pipeline_mode<synchronous>, transform_indices = @transform_11, window_bounds = array<i64: 1, 128>}, {pipeline_mode = #tpu.pipeline_mode<synchronous>, transform_indices = @transform_12, window_bounds = array<i64: 1, 128>}, {pipeline_mode = #tpu.pipeline_mode<synchronous>, transform_indices = @transform_13, window_bounds = array<i64: 1, 128>}]} {
    %get3A = arith.constant 0 : index
    %get3A_0 = arith.constant 0 : index
    %get3A_1 = arith.constant 0 : index
    %get3A_2 = vector.load %arg1[%get3A, %get3A_0, %get3A_1] : memref<2x400x128xbf16, #tpu.memory_space<vmem>>, vector<1x400x128xbf16>
    %get3A_3 = vector.shape_cast %get3A_2 : vector<1x400x128xbf16> to vector<400x128xbf16>
    %convert_element_type3A = arith.extf %get3A_3 : vector<400x128xbf16> to vector<400x128xf32>
    %get3A_4 = arith.constant 1 : index
    %get3A_5 = arith.constant 0 : index
    %get3A_6 = arith.constant 0 : index
    %get3A_7 = vector.load %arg1[%get3A_4, %get3A_5, %get3A_6] : memref<2x400x128xbf16, #tpu.memory_space<vmem>>, vector<1x400x128xbf16>
    %get3A_8 = vector.shape_cast %get3A_7 : vector<1x400x128xbf16> to vector<400x128xbf16>
    %convert_element_type3A_9 = arith.extf %get3A_8 : vector<400x128xbf16> to vector<400x128xf32>
    %add3A = arith.addf %convert_element_type3A, %convert_element_type3A_9 : vector<400x128xf32>
    %get3A_10 = arith.constant 0 : index
    %get3A_11 = arith.constant 0 : index
    %get3A_12 = vector.load %arg2[%get3A_10, %get3A_11] : memref<400x128xf32, #tpu.memory_space<vmem>>, vector<400x128xf32>
    %add3A_13 = arith.addf %add3A, %get3A_12 : vector<400x128xf32>
    %get3A_14 = arith.constant 0 : index
    %get3A_15 = arith.constant 0 : index
    %get3A_16 = vector.load %arg3[%get3A_14, %get3A_15] : memref<400x1xf32, #tpu.memory_space<vmem>>, vector<400x1xf32>
    %mul3A = vector.broadcast %get3A_16 : vector<400x1xf32> to vector<400x128xf32>
    %mul3A_17 = arith.mulf %add3A_13, %mul3A : vector<400x128xf32>
    %get3A_18 = arith.constant 0 : index
    %get3A_19 = arith.constant 0 : index
    %get3A_20 = vector.load %arg4[%get3A_18, %get3A_19] : memref<1x128xf32, #tpu.memory_space<vmem>>, vector<1x128xf32>
    %add3A_21 = vector.broadcast %get3A_20 : vector<1x128xf32> to vector<400x128xf32>
    %add3A_22 = arith.addf %mul3A_17, %add3A_21 : vector<400x128xf32>
    %reduce_sum3A = arith.constant dense<0.000000e+00> : vector<128xf32>
    %reduce_sum3A_23 = vector.multi_reduction <add>, %add3A_22, %reduce_sum3A [0] : vector<400x128xf32> to vector<128xf32>
    %broadcast_in_dim3A = vector.shape_cast %reduce_sum3A_23 : vector<128xf32> to vector<1x128xf32>
    %eq3A = arith.constant 0 : i32
    %eq3A_24 = arith.cmpi eq, %arg0, %eq3A : i32
    %convert_element_type3A_25 = arith.extui %eq3A_24 : i1 to i32
    %cond3A = arith.constant 0 : i32
    %cond3A_26 = arith.cmpi ne, %convert_element_type3A_25, %cond3A : i32
    scf.if %cond3A_26 {
      %swap3A = arith.constant 0 : index
      %swap3A_36 = arith.constant 0 : index
      %swap3A_37 = vector.load %arg15[%swap3A, %swap3A_36] : memref<1x128xf32, #tpu.memory_space<vmem>>, vector<1x128xf32>
      tpu.vector_store %arg15[%swap3A, %swap3A_36], %broadcast_in_dim3A {strides = array<i32>} : memref<1x128xf32, #tpu.memory_space<vmem>>, vector<1x128xf32>,
    } else {
    }
    %gt3A = arith.constant 0 : i32
    %gt3A_27 = arith.cmpi sgt, %arg0, %gt3A : i32
    %convert_element_type3A_28 = arith.extui %gt3A_27 : i1 to i32
    %cond3A_29 = arith.constant 0 : i32
    %cond3A_30 = arith.cmpi ne, %convert_element_type3A_28, %cond3A_29 : i32
    scf.if %cond3A_30 {
      %get3A_36 = arith.constant 0 : index
      %get3A_37 = arith.constant 0 : index
      %get3A_38 = vector.load %arg15[%get3A_36, %get3A_37] : memref<1x128xf32, #tpu.memory_space<vmem>>, vector<1x128xf32>
      %add3A_39 = arith.addf %get3A_38, %broadcast_in_dim3A : vector<1x128xf32>
      %swap3A = arith.constant 0 : index
      %swap3A_40 = arith.constant 0 : index
      %swap3A_41 = vector.load %arg15[%swap3A, %swap3A_40] : memref<1x128xf32, #tpu.memory_space<vmem>>, vector<1x128xf32>
      tpu.vector_store %arg15[%swap3A, %swap3A_40], %add3A_39 {strides = array<i32>} : memref<1x128xf32, #tpu.memory_space<vmem>>, vector<1x128xf32>,
    } else {
    }
    %eq3A_31 = arith.constant 24 : i32
    %eq3A_32 = arith.cmpi eq, %arg0, %eq3A_31 : i32
    %convert_element_type3A_33 = arith.extui %eq3A_32 : i1 to i32
    %cond3A_34 = arith.constant 0 : i32
    %cond3A_35 = arith.cmpi ne, %convert_element_type3A_33, %cond3A_34 : i32
    scf.if %cond3A_35 {
      %get3A_36 = arith.constant 0 : index
      %get3A_37 = arith.constant 0 : index
      %get3A_38 = vector.load %arg15[%get3A_36, %get3A_37] : memref<1x128xf32, #tpu.memory_space<vmem>>, vector<1x128xf32>
      %mul3A_39 = arith.constant 9.99999974E-5 : f32
      %mul3A_40 = vector.broadcast %mul3A_39 : f32 to vector<1x128xf32>
      %mul3A_41 = arith.mulf %get3A_38, %mul3A_40 : vector<1x128xf32>
      %get3A_42 = arith.constant 0 : index
      %get3A_43 = arith.constant 0 : index
      %get3A_44 = vector.load %arg5[%get3A_42, %get3A_43] : memref<128x128xf32, #tpu.memory_space<vmem>>, vector<128x128xf32>
      %dot_general3A = arith.constant dense<0.000000e+00> : vector<1x128xf32>
      %dot_general3A_45 = tpu.matmul %mul3A_41, %get3A_44, %dot_general3A {dimension_numbers = #tpu.dot_dimension_numbers<[1], [0], [0], [1], [0, 0, 1, 1], [], []>, precision = #tpu.contract_precision<fp32>, transpose_lhs_hint = false} : vector<1x128xf32>, vector<128x128xf32>, vector<1x128xf32> -> vector<1x128xf32>
      %get3A_46 = arith.constant 0 : index
      %get3A_47 = arith.constant 0 : index
      %get3A_48 = vector.load %arg6[%get3A_46, %get3A_47] : memref<1x128xf32, #tpu.memory_space<vmem>>, vector<1x128xf32>
      %add3A_49 = arith.addf %dot_general3A_45, %get3A_48 : vector<1x128xf32>
      %max3A = arith.constant 0.000000e+00 : f32
      %max3A_50 = vector.broadcast %max3A : f32 to vector<1x128xf32>
      %max3A_51 = arith.maximumf %add3A_49, %max3A_50 : vector<1x128xf32>
      %get3A_52 = arith.constant 0 : index
      %get3A_53 = arith.constant 0 : index
      %get3A_54 = vector.load %arg7[%get3A_52, %get3A_53] : memref<128x128xf32, #tpu.memory_space<vmem>>, vector<128x128xf32>
      %dot_general3A_55 = arith.constant dense<0.000000e+00> : vector<1x128xf32>
      %dot_general3A_56 = tpu.matmul %max3A_51, %get3A_54, %dot_general3A_55 {dimension_numbers = #tpu.dot_dimension_numbers<[1], [0], [0], [1], [0, 0, 1, 1], [], []>, precision = #tpu.contract_precision<fp32>, transpose_lhs_hint = false} : vector<1x128xf32>, vector<128x128xf32>, vector<1x128xf32> -> vector<1x128xf32>
      %get3A_57 = arith.constant 0 : index
      %get3A_58 = arith.constant 0 : index
      %get3A_59 = vector.load %arg8[%get3A_57, %get3A_58] : memref<1x128xf32, #tpu.memory_space<vmem>>, vector<1x128xf32>
      %add3A_60 = arith.addf %dot_general3A_56, %get3A_59 : vector<1x128xf32>
      %swap3A = arith.constant 0 : index
      %swap3A_61 = arith.constant 0 : index
      %swap3A_62 = vector.load %arg13[%swap3A, %swap3A_61] : memref<1x128xf32, #tpu.memory_space<vmem>>, vector<1x128xf32>
      tpu.vector_store %arg13[%swap3A, %swap3A_61], %add3A_60 {strides = array<i32>} : memref<1x128xf32, #tpu.memory_space<vmem>>, vector<1x128xf32>,
      %get3A_63 = arith.constant 0 : index
      %get3A_64 = arith.constant 0 : index
      %get3A_65 = vector.load %arg9[%get3A_63, %get3A_64] : memref<128x128xf32, #tpu.memory_space<vmem>>, vector<128x128xf32>
      %dot_general3A_66 = arith.constant dense<0.000000e+00> : vector<1x128xf32>
      %dot_general3A_67 = tpu.matmul %mul3A_41, %get3A_65, %dot_general3A_66 {dimension_numbers = #tpu.dot_dimension_numbers<[1], [0], [0], [1], [0, 0, 1, 1], [], []>, precision = #tpu.contract_precision<fp32>, transpose_lhs_hint = false} : vector<1x128xf32>, vector<128x128xf32>, vector<1x128xf32> -> vector<1x128xf32>
      %get3A_68 = arith.constant 0 : index
      %get3A_69 = arith.constant 0 : index
      %get3A_70 = vector.load %arg10[%get3A_68, %get3A_69] : memref<1x128xf32, #tpu.memory_space<vmem>>, vector<1x128xf32>
      %add3A_71 = arith.addf %dot_general3A_67, %get3A_70 : vector<1x128xf32>
      %max3A_72 = arith.constant 0.000000e+00 : f32
      %max3A_73 = vector.broadcast %max3A_72 : f32 to vector<1x128xf32>
      %max3A_74 = arith.maximumf %add3A_71, %max3A_73 : vector<1x128xf32>
      %get3A_75 = arith.constant 0 : index
      %get3A_76 = arith.constant 0 : index
      %get3A_77 = vector.load %arg11[%get3A_75, %get3A_76] : memref<128x128xf32, #tpu.memory_space<vmem>>, vector<128x128xf32>
      %dot_general3A_78 = arith.constant dense<0.000000e+00> : vector<1x128xf32>
      %dot_general3A_79 = tpu.matmul %max3A_74, %get3A_77, %dot_general3A_78 {dimension_numbers = #tpu.dot_dimension_numbers<[1], [0], [0], [1], [0, 0, 1, 1], [], []>, precision = #tpu.contract_precision<fp32>, transpose_lhs_hint = false} : vector<1x128xf32>, vector<128x128xf32>, vector<1x128xf32> -> vector<1x128xf32>
      %get3A_80 = arith.constant 0 : index
      %get3A_81 = arith.constant 0 : index
      %get3A_82 = vector.load %arg12[%get3A_80, %get3A_81] : memref<1x128xf32, #tpu.memory_space<vmem>>, vector<1x128xf32>
      %add3A_83 = arith.addf %dot_general3A_79, %get3A_82 : vector<1x128xf32>
      %swap3A_84 = arith.constant 0 : index
      %swap3A_85 = arith.constant 0 : index
      %swap3A_86 = vector.load %arg14[%swap3A_84, %swap3A_85] : memref<1x128xf32, #tpu.memory_space<vmem>>, vector<1x128xf32>
      tpu.vector_store %arg14[%swap3A_84, %swap3A_85], %add3A_83 {strides = array<i32>} : memref<1x128xf32, #tpu.memory_space<vmem>>, vector<1x128xf32>,
    } else {
    }
    return
  }
  func.func @transform_0(%arg0: i32) -> (i32, i32, i32) {
    %c0_i32 = arith.constant 0 : i32
    %c0_i32_0 = arith.constant 0 : i32
    %c0_i32_1 = arith.constant 0 : i32
    return %c0_i32, %arg0, %c0_i32_0 : i32, i32, i32
  }
  func.func @transform_1(%arg0: i32) -> (i32, i32) {
    %c0_i32 = arith.constant 0 : i32
    %c0_i32_0 = arith.constant 0 : i32
    return %arg0, %c0_i32 : i32, i32
  }
  func.func @transform_2(%arg0: i32) -> (i32, i32) {
    %c0_i32 = arith.constant 0 : i32
    %c0_i32_0 = arith.constant 0 : i32
    return %arg0, %c0_i32 : i32, i32
  }
  func.func @transform_3(%arg0: i32) -> (i32, i32) {
    %c0_i32 = arith.constant 0 : i32
    %c0_i32_0 = arith.constant 0 : i32
    %c0_i32_1 = arith.constant 0 : i32
    return %c0_i32, %c0_i32_0 : i32, i32
  }
  func.func @transform_4(%arg0: i32) -> (i32, i32) {
    %c0_i32 = arith.constant 0 : i32
    %c0_i32_0 = arith.constant 0 : i32
    %c0_i32_1 = arith.constant 0 : i32
    return %c0_i32, %c0_i32_0 : i32, i32
  }
  func.func @transform_5(%arg0: i32) -> (i32, i32) {
    %c0_i32 = arith.constant 0 : i32
    %c0_i32_0 = arith.constant 0 : i32
    %c0_i32_1 = arith.constant 0 : i32
    return %c0_i32, %c0_i32_0 : i32, i32
  }
  func.func @transform_6(%arg0: i32) -> (i32, i32) {
    %c0_i32 = arith.constant 0 : i32
    %c0_i32_0 = arith.constant 0 : i32
    %c0_i32_1 = arith.constant 0 : i32
    return %c0_i32, %c0_i32_0 : i32, i32
  }
  func.func @transform_7(%arg0: i32) -> (i32, i32) {
    %c0_i32 = arith.constant 0 : i32
    %c0_i32_0 = arith.constant 0 : i32
    %c0_i32_1 = arith.constant 0 : i32
    return %c0_i32, %c0_i32_0 : i32, i32
  }
  func.func @transform_8(%arg0: i32) -> (i32, i32) {
    %c0_i32 = arith.constant 0 : i32
    %c0_i32_0 = arith.constant 0 : i32
    %c0_i32_1 = arith.constant 0 : i32
    return %c0_i32, %c0_i32_0 : i32, i32
  }
  func.func @transform_9(%arg0: i32) -> (i32, i32) {
    %c0_i32 = arith.constant 0 : i32
    %c0_i32_0 = arith.constant 0 : i32
    %c0_i32_1 = arith.constant 0 : i32
    return %c0_i32, %c0_i32_0 : i32, i32
  }
  func.func @transform_10(%arg0: i32) -> (i32, i32) {
    %c0_i32 = arith.constant 0 : i32
    %c0_i32_0 = arith.constant 0 : i32
    %c0_i32_1 = arith.constant 0 : i32
    return %c0_i32, %c0_i32_0 : i32, i32
  }
  func.func @transform_11(%arg0: i32) -> (i32, i32) {
    %c0_i32 = arith.constant 0 : i32
    %c0_i32_0 = arith.constant 0 : i32
    %c0_i32_1 = arith.constant 0 : i32
    return %c0_i32, %c0_i32_0 : i32, i32
  }
  func.func @transform_12(%arg0: i32) -> (i32, i32) {
    %c0_i32 = arith.constant 0 : i32
    %c0_i32_0 = arith.constant 0 : i32
    %c0_i32_1 = arith.constant 0 : i32
    return %c0_i32, %c0_i32_0 : i32, i32
  }
  func.func @transform_13(%arg0: i32) -> (i32, i32) {
    %c0_i32 = arith.constant 0 : i32
    %c0_i32_0 = arith.constant 0 : i32
    %c0_i32_1 = arith.constant 0 : i32
    return %c0_i32, %c0_i32_0 : i32, i32
  }
}

</mosaic_0001>

<sc_bundles>
// kernel: kernel.10.cloned.1.call-start
scs
__scs_entry_jumppad:
0x0: {  	(pc) =	sbr.rel $0x88, $3  }
0x1: {  	(tag) =	ssettag $0x0;
	lr =	simm.s32 $0x1  }
0x2: {  	[smem:$0x3F91] =	sst lr;
	_ =	strace $0xD0000000  }
0x3: {  	_ = 	snop  }
0x4: {  	_ = 	snop  }
0x5: {  	_ = 	snop  }
0x6: {  	_ = 	snop  }
0x7: {  	_ = 	snop  }
__scs_overlays_trampoline_lowered:
0x8: {  	[smem:$0x3FA0] =	sst s0  }
0x9: {  	[smem:$0x3FA1] =	sst s1  }
0xa: {  	[smem:$0x3FA2] =	sst s2  }
0xb: {  	[smem:$0x3FA3] =	sst s3  }
0xc: {  	[smem:$0x3FA4] =	sst s4  }
0xd: {  	[smem:$0x3FA5] =	sst s5  }
0xe: {  	[smem:$0x3FA6] =	sst s6  }
0xf: {  	[smem:$0x3FA7] =	sst s7  }
0x10: {  	[smem:$0x3FA8] =	sst s8  }
0x11: {  	[smem:$0x3FA9] =	sst s9;
	s0 =	simm.s32 @!p0 $0x0  }
0x12: {  	s1 =	sld [smem:$0x3F8F];
	s0 =	simm.s32 @p0 $0x1  }
0x13: {  	[smem:$0x3FAA] =	sst s0;
	s0 =	simm.s32 @!p1 $0x0  }
0x14: {  	s2 =	sld [smem:$0x3F8E];
	s0 =	simm.s32 @p1 $0x1  }
0x15: {  	[smem:$0x3FAB] =	sst s0;
	s0 =	simm.s32 @!p2 $0x0  }
0x16: {  	s3 =	sld [smem:$0x3FDB];
	s0 =	simm.s32 @p2 $0x1  }
0x17: {  	s4 =	simm.s32 $0x1BF5;
	[smem:$0x3FAD] =	sst s0  }
0x18: {  	s0 =	sld [smem:$0x3F90];
	_ =	swait.ge [sflag:s4], $0x0  }
0x19: {  	s7 =	sld [smem:$0x3F91]  }
0x1a: {  	s8 =	sadd.s32 $0xFFFFE003, lr  }
0x1b: {  	s9 =	sadd.s32 $0xFFFFFEF7, lr;
	s5 =	simm.s32 $0xFFFFFFFF;
	p2 =	slt.u32 s8, $0xFFFFF086  }
0x1c: {  	p1 =	slt.u32 s9, $0xF7A;
	s5 =	simm.s32 @!p2 $0x0  }
0x1d: {  	s5 =	simm.s32 @p1 $0x1;
	p0 =	seq.s32 s7, s2  }
0x1e: {  	s7 =	smul.u32 @!p0 $0xF7A, s2;
	p2 =	seq.s32 @!p0 s5, $0x0  }
0x1f: {  	s9 =	smul.u32 $0xF7A, s1;
	s8 =	simm.s32 @!p0 $0x1BF5;
	p2 =	por !p2, p0  }
0x20: {  	[sflag:s8] =	ssyncset.s32 @!p0 $0xFFFFF086;
	s6 =	sadd.s32 @!p0 s3, s7;
	s7 =	simm.s32 @!p0 $0x108  }
0x21: {  	s3 =	sadd.s32 s3, s9;
	s6 =	sadd.s32 @!p0 $0x88, s6;
	s7 =	simm.s32 @p2 $0x1082  }
0x22: {  	[simem:s7], [sflag:s8] =	dma.local @!p0 [hbm:s6], $0xF7A  }
0x23: {  	s9 =	sor.u32 $0xD0000000, s2;
	s6 =	simm.s32 $0x108;
	_ =	swait.ge @!p0 [sflag:s8], $0x0  }
0x24: {  	s3 =	sadd.s32 $0x88, s3;
	s6 =	simm.s32 @!p1 $0x1082;
	[sflag:s4] =	ssyncset.s32 $0xFFFFF086  }
0x25: {  	[simem:s6], [sflag:s4] =	dma.local [hbm:s3], $0xF7A  }
0x26: {  	[smem:$0x3F91] =	sst s1;
	(tag) =	ssettag s2;
	_ =	strace s9  }
0x27: {  	s1 =	sld [smem:$0x3FA1]  }
0x28: {  	s2 =	sld [smem:$0x3FA2]  }
0x29: {  	s4 =	sld [smem:$0x3FA4]  }
0x2a: {  	p0 =	seq.s32 s5, $0x0;
	s5 =	sld [smem:$0x3FA5]  }
0x2b: {  	s6 =	sld [smem:$0x3FA6]  }
0x2c: {  	s7 =	sld [smem:$0x3FA7]  }
0x2d: {  	s3 =	simm.s32 $0x108;
	s8 =	sld [smem:$0x3FA8]  }
0x2e: {  	s3 =	simm.s32 @!p0 $0x1082;
	s9 =	sld [smem:$0x3FA9]  }
0x2f: {  	lr =	sadd.s32 s0, s3;
	s0 =	sld [smem:$0x3FA0]  }
0x30: {  	s3 =	sld [smem:$0x3FA3]  }
0x31: {  	[smem:$0x3FAC] =	sst s10  }
0x32: {  	s10 =	sld [smem:$0x3FAA];
	_ =	sdelay $0x3  }
0x33: {  	p0 =	seq.s32 s10, $0x1;
	s10 =	sld [smem:$0x3FAC];
	_ =	sdelay $0x3  }
0x34: {  	[smem:$0x3FAC] =	sst s10  }
0x35: {  	s10 =	sld [smem:$0x3FAB];
	_ =	sdelay $0x3  }
0x36: {  	p1 =	seq.s32 s10, $0x1;
	s10 =	sld [smem:$0x3FAC];
	_ =	sdelay $0x3  }
0x37: {  	[smem:$0x3FAC] =	sst s10  }
0x38: {  	s10 =	sld [smem:$0x3FAD]  }
0x39: {  	_ = 	snop;
	(pc) =	sbr.ind lr, $3  }
0x3a: {  	_ = 	snop  }
0x3b: {  	_ = 	snop  }
0x3c: {  	p2 =	seq.s32 s10, $0x1;
	s10 =	sld [smem:$0x3FAC]  }
0x3d: {  	_ =	shalt  }
0x3e: {  	_ =	shalt  }
0x3f: {  	_ =	shalt  }
0x40: {  	_ =	shalt  }
0x41: {  	_ =	shalt  }
0x42: {  	_ =	shalt  }
0x43: {  	_ =	shalt  }
0x44: {  	_ =	shalt  }
0x45: {  	_ =	shalt  }
0x46: {  	_ =	shalt  }
0x47: {  	_ =	shalt  }
0x48: {  	_ =	shalt  }
0x49: {  	_ =	shalt  }
0x4a: {  	_ =	shalt  }
0x4b: {  	_ =	shalt  }
0x4c: {  	_ =	shalt  }
0x4d: {  	_ =	shalt  }
0x4e: {  	_ =	shalt  }
0x4f: {  	_ =	shalt  }
0x50: {  	_ =	shalt  }
0x51: {  	_ =	shalt  }
0x52: {  	_ =	shalt  }
0x53: {  	_ =	shalt  }
0x54: {  	_ =	shalt  }
0x55: {  	_ =	shalt  }
0x56: {  	_ =	shalt  }
0x57: {  	_ =	shalt  }
0x58: {  	_ =	shalt  }
0x59: {  	_ =	shalt  }
0x5a: {  	_ =	shalt  }
0x5b: {  	_ =	shalt  }
0x5c: {  	_ =	shalt  }
0x5d: {  	_ =	shalt  }
0x5e: {  	_ =	shalt  }
0x5f: {  	_ =	shalt  }
0x60: {  	_ =	shalt  }
0x61: {  	_ =	shalt  }
0x62: {  	_ =	shalt  }
0x63: {  	_ =	shalt  }
0x64: {  	_ =	shalt  }
0x65: {  	_ =	shalt  }
0x66: {  	_ =	shalt  }
0x67: {  	_ =	shalt  }
0x68: {  	_ =	shalt  }
0x69: {  	_ =	shalt  }
0x6a: {  	_ =	shalt  }
0x6b: {  	_ =	shalt  }
0x6c: {  	_ =	shalt  }
0x6d: {  	_ =	shalt  }
0x6e: {  	_ =	shalt  }
0x6f: {  	_ =	shalt  }
0x70: {  	_ =	shalt  }
0x71: {  	_ =	shalt  }
0x72: {  	_ =	shalt  }
0x73: {  	_ =	shalt  }
0x74: {  	_ =	shalt  }
0x75: {  	_ =	shalt  }
0x76: {  	_ =	shalt  }
0x77: {  	_ =	shalt  }
0x78: {  	_ =	shalt  }
0x79: {  	_ =	shalt  }
0x7a: {  	_ =	shalt  }
0x7b: {  	_ =	shalt  }
0x7c: {  	_ =	shalt  }
0x7d: {  	_ =	shalt  }
0x7e: {  	_ =	shalt  }
0x7f: {  	_ =	shalt  }
0x80: {  	_ =	shalt  }
0x81: {  	_ =	shalt  }
0x82: {  	_ =	shalt  }
0x83: {  	_ =	shalt  }
0x84: {  	_ =	shalt  }
0x85: {  	_ =	shalt  }
0x86: {  	_ =	shalt  }
0x87: {  	_ =	shalt  }
.Lfunc_end0:
.L_simem_size_0:
called_computation_lowered:
.L_overlay_start_0:
0x88: {  	s2 =	sld [smem:$0x3FD9]  }
0x89: {  	s3 =	sld [smem:$0x3FFE];
	_ =	sdelay $0x1  }
0x8a: {  	s1 =	srdreg.scid  }
0x8b: {  	s0 =	sand.u32 $0x1, s1  }
0x8c: {  	s16 =	sshll.u32 s0, $0xA;
	s2 =	sadd.s32 s3, s2  }
0x8d: {  	s2 =	sadd.s32 s2, s16  }
0x8e: {  	[smem:$0x3FB8] =	sst s2  }
0x8f: {  	_ = 	snop  }
0x90: {  	(tm) =	ssettm $0x1  }
0x91: {  	s17 =	sld [smem:$0x3FFB];
	_ =	sdelay $0x3  }
0x92: {  	_ =	strace s17  }
0x93: {  	s2 =	sld [smem:$0x3FFC];
	_ =	sdelay $0x3  }
0x94: {  	_ =	strace s2  }
0x95: {  	s2 =	sld [smem:$0x3FFD];
	_ =	sdelay $0x3  }
0x96: {  	_ =	strace s2  }
0x97: {  	_ =	strace $0x8FFFFFFF  }
0x98: {  	s18 =	sld [smem:$0x3FDB];
	_ =	sdelay $0x1  }
0x99: {  	s19 =	simm.s32 $_scs_section_size  }
0x9a: {  	s4 =	simm.s32 $_size__tile_overlayer_lowered;
	s5 =	simm.s32 $_tile_overlayer_lowered  }
0x9b: {  	s22 =	simm.s32 $0x1BFF;
	s21 =	sshll.u32 s5, $0x1;
	s2 =	sadd.s32 s19, s18  }
0x9c: {  	s6 =	simm.s32 $0x0;
	s20 =	sshll.u32 s4, $0x1;
	s4 =	sadd.s32 s21, s2  }
0x9d: {  	[timem:s6], [sflag:s22] =	dma.local [hbm:s4], s20  }
0x9e: {  	_ =	swait.ge [sflag:s22], s20  }
0x9f: {  	s3 =	ssub.s32 $0x0, s20;
	[sflag:s22] =	ssyncset.done $0x0  }
0xa0: {  	[sflag:s22] =	ssyncadd.s32 s3;
	_ =	sdelay $0x1  }
0xa1: {  	s23 =	simm.s32 $0x1B8B  }
0xa2: {  	_ =	swait.ge [sflag:s23], $0x1  }
0xa3: {  	[sflag:s23] =	ssyncset.done $0x0  }
0xa4: {  	s25 =	simm.s32 $0x1B8E;
	s24 =	sld [smem:$0x3FFE];
	[sflag:s23] =	ssyncadd.s32 $0xFFFFFFFF  }
0xa5: {  	s26 =	simm.s32 $execute0_lowered;
	[smem:$0x3FD2] =	sst s25  }
0xa6: {  	s4 =	sshll.u32 s26, $0x1;
	_ =	strace $0x80000046;
	[dreg:$0x1] =	wrdreg $0xFFFFFFFF  }
0xa7: {  	s28 =	simm.s32 $_size_execute0_lowered;
	s2 =	sadd.s32 s2, s4;
	[dreg:$0x0] =	wrdreg $0x0  }
0xa8: {  	s4 =	sshll.u32 s28, $0x1;
	[dreg:$0x2] =	wrdreg s2  }
0xa9: {  	[dreg:$0x3] =	wrdreg s4  }
0xaa: {  	[dreg:$0x4] =	wrdreg $0xC0  }
0xab: {  	_ =	task [dreg:s6], $0x5FFFF  }
0xac: {  	[dreg:$0x1] =	wrdreg $0xFFFFFFFF  }
0xad: {  	[dreg:$0x0] =	wrdreg $0x60  }
0xae: {  	[dreg:$0x2] =	wrdreg s24  }
0xaf: {  	[dreg:$0x3] =	wrdreg $0x30000  }
0xb0: {  	[dreg:$0x4] =	wrdreg $0x9  }
0xb1: {  	_ =	task.clear_ibuf [dreg:s6], $0x5FFFF;
	_ =	strace $0x90000046  }
0xb2: {  	s29 =	simm.s32 $0x9;
	_ =	strace $0x80000048  }
0xb3: {  	_ =	swait.ge [sflag:s29], $0x1  }
0xb4: {  	[sflag:s29] =	ssyncadd.s32 $0xFFFFFFFF  }
0xb5: {  	_ =	strace $0x90000048  }
0xb6: {  	_ =	sfence  }
0xb7: {  	s30 =	sld [smem:$0x0];
	_ =	sdelay $0x2  }
0xb8: {  	s31 =	sshll.u32 s1, $0xD;
	s1 =	sshrl.u32 s1, $0x2  }
0xb9: {  	s3 =	sand.u32 $0x4000, s31;
	s1 =	sadd.s32 s1, s30  }
0xba: {  	s0 =	sor.u32 s3, s0;
	s1 =	sshll.u32 s1, $0x11  }
0xbb: {  	s0 =	sor.u32 s1, s0  }
0xbc: {  	s0 =	sadd.s32 $0x8F2B, s0  }
0xbd: {  	[sflag:s0] =	ssyncadd.remote.s32 $0x1  }
0xbe: {  	_ =	sfence.sel $0xFFFF  }
0xbf: {  	[dreg:$0x0] =	wrdreg $0xFFFFFFFF;
	(pc) =	sbr.abs _section_cstart, $3  }
0xc0: {  	[dreg:$0x1] =	wrdreg $0xFFFFFFFF  }
0xc1: {  	_ =	task.clear_ibuf [dreg:s6], $0x2FFFF;
	_ =	strace $0x9FFFFFFF  }
0xc2: {  	(tm) =	ssettm $0x7FFFFFFF  }
0xc3: {  	_ =	shalt  }
tec
execute0_lowered:
.L_overlay_start_1:
0x0: {  	(tag) =	ssettag $0x1  }
0x1: {  	s1 =	srdreg.scid;
	s6 =	rddreg [dreg:$0x0]  }
0x2: {  	s0 =	stileid.u32;
	s2 =	rddreg [dreg:$0x1]  }
0x3: {  	s3 =	simm.s32 $0x0;
	s13 =	simm.s32 $0x80;
	s14 =	simm.s32 $0x0  }
0x4: {  	s5 =	sand.u32 $0x1, s1;
	s30 =	sshll.u32 s0, $0x1;
	s7 =	smul.u32 $0x2780, s0  }
0x5: {  	[smem:$0x7FF] =	sst s3;
	s11 =	sshll.u32 s0, $0x6;
	s1 =	sor.u32 s5, s30  }
0x6: {  	s8 =	smul.u32 $0x27800, s5;
	s10 =	ssub.s32 $0x2, s5;
	s5 =	sadd.s32 $0xC600, s6  }
0x7: {  	s11 =	sor.u32 $0x1C01, s11;
	s4 =	smul.u32 $0x500, s1;
	s1 =	rddreg [dreg:$0x2]  }
0x8: {  	_ =	strace $0x80000047;
	s31 =	sshrl.u32 s10, $0x1;
	s12 =	sadd.s32 s7, s2  }
0x9: {  	s8 =	sadd.s32 s7, s8;
	s10 =	ssub.s32 s10, s31;
	s12 =	sshrl.u32 s12, $0x3  }
0xa: {  	s9 =	sadd.s32 s4, s6;
	s4 =	sadd.s32 $0xCC00, s6;
	s8 =	sshrl.u32 s8, $0x3  }
0xb: {  	s8 =	sadd.s32 s8, s6;
	s6 =	sadd.s32 $0x2600, s9;
	s9 =	simm.s32 $0x1  }
0xc: {  	s7 =	sadd.s32 $0xCE00, s8;
	s8 =	smax.u32 s10, $0x1;
	s10 =	simm.s32 $0x2800  }
.LBB2_1:
0xd: {  	[tilespmem:s3], [sflag:$0x1] =	stream.linear.gather [hbm4b:s6+s3], $0x2800, $0x38;
	[tilespmem:$0x5780] =	vst v63  }
0xe: {  	_ =	swait.ge [sflag:s9], $0x2800  }
0xf: {  	[sflag:s9] =	ssyncset.done $0x0  }
0x10: {  	[sflag:s9] =	ssyncadd.s32 $0xFFFFD800  }
0x11: {  	[tilespmem:s10], [sflag:$0x1] =	stream.linear.gather [hbm4b:s4+s3], $0x800, $0x38;
	[tilespmem:$0x5780] =	vst v63  }
0x12: {  	_ =	swait.ge [sflag:s9], $0x800  }
0x13: {  	[sflag:s9] =	ssyncset.done $0x0  }
0x14: {  	[sflag:s9] =	ssyncadd.s32 $0xFFFFF800  }
0x15: {  	[spmem:s12], [sflag:s11] =	dma.local [hbm:s5], $0x4F0  }
0x16: {  	_ =	swait.ge [sflag:s9], $0x4F0  }
0x17: {  	[sflag:s9] =	ssyncset.done $0x0  }
0x18: {  	[sflag:s9] =	ssyncadd.s32 $0xFFFFFB10  }
0x19: {  	s15 =	simm.s32 $0x0;
	[bflag:$0x0] =	sbarrier.arrive $0xFFFF  }
0x1a: {  	[spmem:s2] =	stream.indirect.scatter.add.f32 [tilespmem:s10], [sflag:$0x1], $0x10, s15, s13, $0xb8;
	[tilespmem:$0x5780] =	vst v63  }
0x1b: {  	_ =	swait.ge [sflag:s9], $0x800  }
0x1c: {  	s15 =	simm.s32 $0x200;
	[sflag:s9] =	ssyncset.done $0x0  }
.LBB2_2:
0x1d: {  	s16 =	sshra.s32 s15, $0x2;
	[sflag:s9] =	ssyncadd.s32 $0xFFFFF800;
	p0 =	sne.s32 s15, $0x9E00  }
0x1e: {  	[spmem:s2] =	stream.indirect.scatter.add.f32 [tilespmem:s10], [sflag:$0x1], $0x10, s16, s13, $0xb8;
	[tilespmem:$0x5780] =	vst v63  }
.Ltmp0:
0x1f: {  	_ = 	snop;
	(pc) =	sbr.rel @p0 .LBB2_2-.Ltmp0, $4  }
0x20: {  	_ = 	snop  }
0x21: {  	s15 =	sadd.s32 $0x200, s15  }
0x22: {  	_ =	swait.ge [sflag:s9], $0x800  }
0x23: {  	[sflag:s9] =	ssyncset.done $0x0  }
0x24: {  	s14 =	sadd.s32 $0x1, s14  }
0x25: {  	[sflag:s9] =	ssyncadd.s32 $0xFFFFF800;
	p0 =	sne.s32 s14, s8  }
.Ltmp1:
0x26: {  	[bflag:$0x0] =	sbarrier.arrive $0xFFFF;
	(pc) =	sbr.rel @p0 .LBB2_1-.Ltmp1, $4  }
0x27: {  	[hbm:s7], [sflag:s11] =	dma.local [spmem:s12], $0x4F0  }
0x28: {  	_ =	swait.ge [sflag:s9], $0x4F0  }
0x29: {  	[sflag:s9] =	ssyncset.done $0x0  }
0x2a: {  	[sflag:s9] =	ssyncadd.s32 $0xFFFFFB10  }
0x2b: {  	_ =	sfence.sel $0x180000  }
0x2c: {  	[bflag:$0x0] =	sbarrier.arrive $0xFFFF  }
0x2d: {  	p0 =	sne.s32 s0, $0x0;
	_ =	strace $0x90000047  }
0x2e: {  	s0 =	sadd.s32 @!p0 $0x100000, s1;
	[bflag:$0x2] =	sbarrier.arrive $0xFFFF  }
0x2f: {  	[sflag:s0] =	ssyncadd.tile.s32 @!p0 $0x1;
	_ =	shalt  }
.Lfunc_end2:
_tile_overlayer_lowered:
.L_overlay_start_2:
0x30: {  	(tag) =	ssettag $0x2  }
0x31: {  	s0 =	rddreg [dreg:$0x0];
	s2 =	stileid.u32  }
0x32: {  	s1 =	rddreg [dreg:$0x1];
	p0 =	sne.s32 s2, $0x0  }
0x33: {  	s3 =	rddreg [dreg:$0x2];
	[bflag:$0x3] =	sbarrier.arrive $0xFFFF;
	s2 =	simm.s32 @!p0 $0x1C01  }
0x34: {  	[timem:s3], [sflag:s2] =	dma.local @!p0 [hbm:s0], s1  }
0x35: {  	s0 =	simm.s32 @!p0 $0x1  }
0x36: {  	_ =	swait.ge @!p0 [sflag:s0], s1  }
0x37: {  	s1 =	ssub.s32 @!p0 $0x0, s1;
	[sflag:s0] =	ssyncset.done @!p0 $0x0  }
0x38: {  	[sflag:s0] =	ssyncadd.s32 @!p0 s1  }
0x39: {  	[bflag:$0x3] =	sbarrier.arrive $0xFFFF  }
0x3a: {  	_ =	shalt  }

// kernel: kernel.13.cloned.1.call-start
scs
__scs_entry_jumppad:
0x0: {  	(pc) =	sbr.rel $0x88, $3  }
0x1: {  	(tag) =	ssettag $0x0;
	lr =	simm.s32 $0x1  }
0x2: {  	[smem:$0x3F91] =	sst lr;
	_ =	strace $0xD0000000  }
0x3: {  	_ = 	snop  }
0x4: {  	_ = 	snop  }
0x5: {  	_ = 	snop  }
0x6: {  	_ = 	snop  }
0x7: {  	_ = 	snop  }
__scs_overlays_trampoline_lowered:
0x8: {  	[smem:$0x3FA0] =	sst s0  }
0x9: {  	[smem:$0x3FA1] =	sst s1  }
0xa: {  	[smem:$0x3FA2] =	sst s2  }
0xb: {  	[smem:$0x3FA3] =	sst s3  }
0xc: {  	[smem:$0x3FA4] =	sst s4  }
0xd: {  	[smem:$0x3FA5] =	sst s5  }
0xe: {  	[smem:$0x3FA6] =	sst s6  }
0xf: {  	[smem:$0x3FA7] =	sst s7  }
0x10: {  	[smem:$0x3FA8] =	sst s8  }
0x11: {  	[smem:$0x3FA9] =	sst s9;
	s0 =	simm.s32 @!p0 $0x0  }
0x12: {  	s1 =	sld [smem:$0x3F8F];
	s0 =	simm.s32 @p0 $0x1  }
0x13: {  	[smem:$0x3FAA] =	sst s0;
	s0 =	simm.s32 @!p1 $0x0  }
0x14: {  	s2 =	sld [smem:$0x3F8E];
	s0 =	simm.s32 @p1 $0x1  }
0x15: {  	[smem:$0x3FAB] =	sst s0;
	s0 =	simm.s32 @!p2 $0x0  }
0x16: {  	s3 =	sld [smem:$0x3FDB];
	s0 =	simm.s32 @p2 $0x1  }
0x17: {  	s4 =	simm.s32 $0x1BF5;
	[smem:$0x3FAD] =	sst s0  }
0x18: {  	s0 =	sld [smem:$0x3F90];
	_ =	swait.ge [sflag:s4], $0x0  }
0x19: {  	s7 =	sld [smem:$0x3F91]  }
0x1a: {  	s8 =	sadd.s32 $0xFFFFE003, lr  }
0x1b: {  	s9 =	sadd.s32 $0xFFFFFEF7, lr;
	s5 =	simm.s32 $0xFFFFFFFF;
	p2 =	slt.u32 s8, $0xFFFFF086  }
0x1c: {  	p1 =	slt.u32 s9, $0xF7A;
	s5 =	simm.s32 @!p2 $0x0  }
0x1d: {  	s5 =	simm.s32 @p1 $0x1;
	p0 =	seq.s32 s7, s2  }
0x1e: {  	s7 =	smul.u32 @!p0 $0xF7A, s2;
	p2 =	seq.s32 @!p0 s5, $0x0  }
0x1f: {  	s9 =	smul.u32 $0xF7A, s1;
	s8 =	simm.s32 @!p0 $0x1BF5;
	p2 =	por !p2, p0  }
0x20: {  	[sflag:s8] =	ssyncset.s32 @!p0 $0xFFFFF086;
	s6 =	sadd.s32 @!p0 s3, s7;
	s7 =	simm.s32 @!p0 $0x108  }
0x21: {  	s3 =	sadd.s32 s3, s9;
	s6 =	sadd.s32 @!p0 $0x88, s6;
	s7 =	simm.s32 @p2 $0x1082  }
0x22: {  	[simem:s7], [sflag:s8] =	dma.local @!p0 [hbm:s6], $0xF7A  }
0x23: {  	s9 =	sor.u32 $0xD0000000, s2;
	s6 =	simm.s32 $0x108;
	_ =	swait.ge @!p0 [sflag:s8], $0x0  }
0x24: {  	s3 =	sadd.s32 $0x88, s3;
	s6 =	simm.s32 @!p1 $0x1082;
	[sflag:s4] =	ssyncset.s32 $0xFFFFF086  }
0x25: {  	[simem:s6], [sflag:s4] =	dma.local [hbm:s3], $0xF7A  }
0x26: {  	[smem:$0x3F91] =	sst s1;
	(tag) =	ssettag s2;
	_ =	strace s9  }
0x27: {  	s1 =	sld [smem:$0x3FA1]  }
0x28: {  	s2 =	sld [smem:$0x3FA2]  }
0x29: {  	s4 =	sld [smem:$0x3FA4]  }
0x2a: {  	p0 =	seq.s32 s5, $0x0;
	s5 =	sld [smem:$0x3FA5]  }
0x2b: {  	s6 =	sld [smem:$0x3FA6]  }
0x2c: {  	s7 =	sld [smem:$0x3FA7]  }
0x2d: {  	s3 =	simm.s32 $0x108;
	s8 =	sld [smem:$0x3FA8]  }
0x2e: {  	s3 =	simm.s32 @!p0 $0x1082;
	s9 =	sld [smem:$0x3FA9]  }
0x2f: {  	lr =	sadd.s32 s0, s3;
	s0 =	sld [smem:$0x3FA0]  }
0x30: {  	s3 =	sld [smem:$0x3FA3]  }
0x31: {  	[smem:$0x3FAC] =	sst s10  }
0x32: {  	s10 =	sld [smem:$0x3FAA];
	_ =	sdelay $0x3  }
0x33: {  	p0 =	seq.s32 s10, $0x1;
	s10 =	sld [smem:$0x3FAC];
	_ =	sdelay $0x3  }
0x34: {  	[smem:$0x3FAC] =	sst s10  }
0x35: {  	s10 =	sld [smem:$0x3FAB];
	_ =	sdelay $0x3  }
0x36: {  	p1 =	seq.s32 s10, $0x1;
	s10 =	sld [smem:$0x3FAC];
	_ =	sdelay $0x3  }
0x37: {  	[smem:$0x3FAC] =	sst s10  }
0x38: {  	s10 =	sld [smem:$0x3FAD]  }
0x39: {  	_ = 	snop;
	(pc) =	sbr.ind lr, $3  }
0x3a: {  	_ = 	snop  }
0x3b: {  	_ = 	snop  }
0x3c: {  	p2 =	seq.s32 s10, $0x1;
	s10 =	sld [smem:$0x3FAC]  }
0x3d: {  	_ =	shalt  }
0x3e: {  	_ =	shalt  }
0x3f: {  	_ =	shalt  }
0x40: {  	_ =	shalt  }
0x41: {  	_ =	shalt  }
0x42: {  	_ =	shalt  }
0x43: {  	_ =	shalt  }
0x44: {  	_ =	shalt  }
0x45: {  	_ =	shalt  }
0x46: {  	_ =	shalt  }
0x47: {  	_ =	shalt  }
0x48: {  	_ =	shalt  }
0x49: {  	_ =	shalt  }
0x4a: {  	_ =	shalt  }
0x4b: {  	_ =	shalt  }
0x4c: {  	_ =	shalt  }
0x4d: {  	_ =	shalt  }
0x4e: {  	_ =	shalt  }
0x4f: {  	_ =	shalt  }
0x50: {  	_ =	shalt  }
0x51: {  	_ =	shalt  }
0x52: {  	_ =	shalt  }
0x53: {  	_ =	shalt  }
0x54: {  	_ =	shalt  }
0x55: {  	_ =	shalt  }
0x56: {  	_ =	shalt  }
0x57: {  	_ =	shalt  }
0x58: {  	_ =	shalt  }
0x59: {  	_ =	shalt  }
0x5a: {  	_ =	shalt  }
0x5b: {  	_ =	shalt  }
0x5c: {  	_ =	shalt  }
0x5d: {  	_ =	shalt  }
0x5e: {  	_ =	shalt  }
0x5f: {  	_ =	shalt  }
0x60: {  	_ =	shalt  }
0x61: {  	_ =	shalt  }
0x62: {  	_ =	shalt  }
0x63: {  	_ =	shalt  }
0x64: {  	_ =	shalt  }
0x65: {  	_ =	shalt  }
0x66: {  	_ =	shalt  }
0x67: {  	_ =	shalt  }
0x68: {  	_ =	shalt  }
0x69: {  	_ =	shalt  }
0x6a: {  	_ =	shalt  }
0x6b: {  	_ =	shalt  }
0x6c: {  	_ =	shalt  }
0x6d: {  	_ =	shalt  }
0x6e: {  	_ =	shalt  }
0x6f: {  	_ =	shalt  }
0x70: {  	_ =	shalt  }
0x71: {  	_ =	shalt  }
0x72: {  	_ =	shalt  }
0x73: {  	_ =	shalt  }
0x74: {  	_ =	shalt  }
0x75: {  	_ =	shalt  }
0x76: {  	_ =	shalt  }
0x77: {  	_ =	shalt  }
0x78: {  	_ =	shalt  }
0x79: {  	_ =	shalt  }
0x7a: {  	_ =	shalt  }
0x7b: {  	_ =	shalt  }
0x7c: {  	_ =	shalt  }
0x7d: {  	_ =	shalt  }
0x7e: {  	_ =	shalt  }
0x7f: {  	_ =	shalt  }
0x80: {  	_ =	shalt  }
0x81: {  	_ =	shalt  }
0x82: {  	_ =	shalt  }
0x83: {  	_ =	shalt  }
0x84: {  	_ =	shalt  }
0x85: {  	_ =	shalt  }
0x86: {  	_ =	shalt  }
0x87: {  	_ =	shalt  }
.Lfunc_end0:
.L_simem_size_0:
called_computation.1_lowered:
.L_overlay_start_0:
0x88: {  	s2 =	sld [smem:$0x3FD9]  }
0x89: {  	s3 =	sld [smem:$0x3FFE];
	_ =	sdelay $0x1  }
0x8a: {  	s1 =	srdreg.scid  }
0x8b: {  	s0 =	sand.u32 $0x1, s1  }
0x8c: {  	s16 =	sshll.u32 s0, $0xA;
	s2 =	sadd.s32 s3, s2  }
0x8d: {  	s2 =	sadd.s32 s2, s16  }
0x8e: {  	[smem:$0x3FB8] =	sst s2  }
0x8f: {  	_ = 	snop  }
0x90: {  	(tm) =	ssettm $0x1  }
0x91: {  	s17 =	sld [smem:$0x3FFB];
	_ =	sdelay $0x3  }
0x92: {  	_ =	strace s17  }
0x93: {  	s2 =	sld [smem:$0x3FFC];
	_ =	sdelay $0x3  }
0x94: {  	_ =	strace s2  }
0x95: {  	s2 =	sld [smem:$0x3FFD];
	_ =	sdelay $0x3  }
0x96: {  	_ =	strace s2  }
0x97: {  	_ =	strace $0x8FFFFFFF  }
0x98: {  	s18 =	sld [smem:$0x3FDB];
	_ =	sdelay $0x1  }
0x99: {  	s19 =	simm.s32 $_scs_section_size  }
0x9a: {  	s4 =	simm.s32 $_size__tile_overlayer_lowered;
	s5 =	simm.s32 $_tile_overlayer_lowered  }
0x9b: {  	s22 =	simm.s32 $0x1BFF;
	s21 =	sshll.u32 s5, $0x1;
	s2 =	sadd.s32 s19, s18  }
0x9c: {  	s6 =	simm.s32 $0x0;
	s20 =	sshll.u32 s4, $0x1;
	s4 =	sadd.s32 s21, s2  }
0x9d: {  	[timem:s6], [sflag:s22] =	dma.local [hbm:s4], s20  }
0x9e: {  	_ =	swait.ge [sflag:s22], s20  }
0x9f: {  	s3 =	ssub.s32 $0x0, s20;
	[sflag:s22] =	ssyncset.done $0x0  }
0xa0: {  	[sflag:s22] =	ssyncadd.s32 s3;
	_ =	sdelay $0x1  }
0xa1: {  	s23 =	simm.s32 $0x1B8B  }
0xa2: {  	_ =	swait.ge [sflag:s23], $0x1  }
0xa3: {  	[sflag:s23] =	ssyncset.done $0x0  }
0xa4: {  	s25 =	simm.s32 $0x1B8E;
	s24 =	sld [smem:$0x3FFE];
	[sflag:s23] =	ssyncadd.s32 $0xFFFFFFFF  }
0xa5: {  	s26 =	simm.s32 $execute0_lowered;
	[smem:$0x3FD2] =	sst s25  }
0xa6: {  	s4 =	sshll.u32 s26, $0x1;
	_ =	strace $0x80000049;
	[dreg:$0x1] =	wrdreg $0xFFFFFFFF  }
0xa7: {  	s28 =	simm.s32 $_size_execute0_lowered;
	s2 =	sadd.s32 s2, s4;
	[dreg:$0x0] =	wrdreg $0x0  }
0xa8: {  	s4 =	sshll.u32 s28, $0x1;
	[dreg:$0x2] =	wrdreg s2  }
0xa9: {  	[dreg:$0x3] =	wrdreg s4  }
0xaa: {  	[dreg:$0x4] =	wrdreg $0xC0  }
0xab: {  	_ =	task [dreg:s6], $0x5FFFF  }
0xac: {  	[dreg:$0x1] =	wrdreg $0xFFFFFFFF  }
0xad: {  	[dreg:$0x0] =	wrdreg $0x60  }
0xae: {  	[dreg:$0x2] =	wrdreg s24  }
0xaf: {  	[dreg:$0x3] =	wrdreg $0xF0000  }
0xb0: {  	[dreg:$0x4] =	wrdreg $0x9  }
0xb1: {  	_ =	task.clear_ibuf [dreg:s6], $0x5FFFF;
	_ =	strace $0x90000049  }
0xb2: {  	s29 =	simm.s32 $0x9;
	_ =	strace $0x8000004B  }
0xb3: {  	_ =	swait.ge [sflag:s29], $0x1  }
0xb4: {  	[sflag:s29] =	ssyncadd.s32 $0xFFFFFFFF  }
0xb5: {  	_ =	strace $0x9000004B  }
0xb6: {  	_ =	sfence  }
0xb7: {  	s30 =	sld [smem:$0x0];
	_ =	sdelay $0x2  }
0xb8: {  	s31 =	sshll.u32 s1, $0xD;
	s1 =	sshrl.u32 s1, $0x2  }
0xb9: {  	s3 =	sand.u32 $0x4000, s31;
	s1 =	sadd.s32 s1, s30  }
0xba: {  	s0 =	sor.u32 s3, s0;
	s1 =	sshll.u32 s1, $0x11  }
0xbb: {  	s0 =	sor.u32 s1, s0  }
0xbc: {  	s0 =	sadd.s32 $0x8F2B, s0  }
0xbd: {  	[sflag:s0] =	ssyncadd.remote.s32 $0x1  }
0xbe: {  	_ =	sfence.sel $0xFFFF  }
0xbf: {  	[dreg:$0x0] =	wrdreg $0xFFFFFFFF;
	(pc) =	sbr.abs _section_cstart, $3  }
0xc0: {  	[dreg:$0x1] =	wrdreg $0xFFFFFFFF  }
0xc1: {  	_ =	task.clear_ibuf [dreg:s6], $0x2FFFF;
	_ =	strace $0x9FFFFFFF  }
0xc2: {  	(tm) =	ssettm $0x7FFFFFFF  }
0xc3: {  	_ =	shalt  }
tec
execute0_lowered:
.L_overlay_start_1:
0x0: {  	(tag) =	ssettag $0x1  }
0x1: {  	s0 =	rddreg [dreg:$0x0]  }
0x2: {  	s2 =	rddreg [dreg:$0x1]  }
0x3: {  	s1 =	srdreg.scid;
	s11 =	stileid.u32  }
0x4: {  	s3 =	simm.s32 $0x0;
	s10 =	simm.s32 $0xB;
	s14 =	simm.s32 $0x80  }
0x5: {  	s15 =	simm.s32 $0x5000;
	s16 =	simm.s32 $0x7000;
	s18 =	simm.s32 $0x9000  }
0x6: {  	s19 =	simm.s32 $0x1;
	s21 =	simm.s32 $0xB000;
	s29 =	simm.s32 $0x6  }
0x7: {  	s31 =	simm.s32 $0x4;
	s20 =	simm.s32 $0x5;
	s30 =	simm.s32 $0x9  }
0x8: {  	s17 =	simm.s32 $0x0;
	s1 =	sand.u32 $0x1, s1;
	s4 =	sshll.u32 s11, $0x1  }
0x9: {  	s7 =	smul.u32 $0x13C00, s11;
	[smem:$0x7FF] =	sst s3;
	s23 =	sadd.s32 $0x20C00, s0  }
0xa: {  	s28 =	sshll.u32 s11, $0x6;
	s11 =	simm.s32 $0x2800;
	s4 =	sor.u32 s1, s4  }
0xb: {  	s5 =	smul.u32 $0x13C000, s1;
	_ =	strace $0x8000004A;
	s1 =	ssub.s32 $0x2, s1  }
0xc: {  	[dreg:$0x3] =	wrdreg s23;
	s12 =	sor.u32 $0x1C0B, s28;
	s6 =	smul.u32 $0x500, s4  }
0xd: {  	s4 =	sadd.s32 $0x22000, s0;
	s24 =	sshrl.u32 s1, $0x1;
	s9 =	sshrl.u32 s7, $0x1  }
0xe: {  	s5 =	sadd.s32 s7, s5;
	s1 =	ssub.s32 s1, s24;
	s13 =	sadd.s32 s9, s2  }
0xf: {  	s24 =	simm.s32 $0x8;
	s8 =	sadd.s32 s6, s0;
	s22 =	sshrl.u32 s5, $0x4  }
.Ltmp0:
0x10: {  	s9 =	smax.u32 s1, $0x1;
	s13 =	sshrl.u32 s13, $0x3;
	(pc) =	sbr.rel .LBB2_1-.Ltmp0, $4  }
0x11: {  	s1 =	simm.s32 $0x7;
	s0 =	sadd.s32 s22, s0;
	s25 =	sadd.s32 $0x16C00, s8  }
0x12: {  	s26 =	sadd.s32 $0x2600, s8;
	s22 =	simm.s32 $0x2;
	[dreg:$0x4] =	wrdreg s25  }
0x13: {  	[dreg:$0x5] =	wrdreg s26;
	s0 =	sadd.s32 $0x35A00, s0;
	s25 =	simm.s32 $0xD000  }
0x14: {  	s26 =	simm.s32 $0x3;
	[dreg:$0x6] =	wrdreg s0;
	s0 =	simm.s32 $0xA  }
.LBB2_4:
0x15: {  	_ =	swait.ge [sflag:s30], $0x2000  }
0x16: {  	[sflag:s30] =	ssyncset.done $0x0  }
0x17: {  	[sflag:s30] =	ssyncadd.s32 $0xFFFFE000  }
0x18: {  	_ =	swait.ge [sflag:s0], $0x2000  }
0x19: {  	[sflag:s0] =	ssyncset.done $0x0  }
0x1a: {  	s17 =	sadd.s32 $0x1, s17;
	[sflag:s0] =	ssyncadd.s32 $0xFFFFE000  }
0x1b: {  	p0 =	sne.s32 s17, s9;
	[bflag:$0x0] =	sbarrier.arrive $0xFFFF  }
.Ltmp1:
0x1c: {  	s5 =	rddreg [dreg:$0x6];
	(pc) =	sbr.rel @!p0 .LBB2_5-.Ltmp1, $4  }
0x1d: {  	[hbm:s5], [sflag:s12] =	dma.local [spmem:s13], $0x13C0  }
0x1e: {  	_ =	swait.ge [sflag:s10], $0x13C0  }
0x1f: {  	[sflag:s10] =	ssyncset.done $0x0  }
0x20: {  	[sflag:s10] =	ssyncadd.s32 $0xFFFFEC40  }
.LBB2_1:
0x21: {  	s5 =	rddreg [dreg:$0x4]  }
0x22: {  	[tilespmem:s3], [sflag:$0xB] =	stream.linear.gather [hbm4b:s5+s3], $0x2800, $0x38;
	[tilespmem:$0x18E00] =	vst v63  }
0x23: {  	_ =	swait.ge [sflag:s10], $0x2800  }
0x24: {  	[sflag:s10] =	ssyncset.done $0x0  }
0x25: {  	s23 =	rddreg [dreg:$0x5];
	[sflag:s10] =	ssyncadd.s32 $0xFFFFD800  }
0x26: {  	[tilespmem:s11], [sflag:$0xB] =	stream.linear.gather [hbm4b:s23+s3], $0x2800, $0x38;
	[tilespmem:$0x18E00] =	vst v63  }
0x27: {  	_ =	swait.ge [sflag:s10], $0x2800  }
0x28: {  	[sflag:s10] =	ssyncset.done $0x0  }
0x29: {  	s28 =	rddreg [dreg:$0x3];
	[sflag:s10] =	ssyncadd.s32 $0xFFFFD800  }
0x2a: {  	[spmem:s13], [sflag:s12] =	dma.local [hbm:s28], $0x13C0  }
0x2b: {  	_ =	swait.ge [sflag:s10], $0x13C0  }
0x2c: {  	[sflag:s10] =	ssyncset.done $0x0  }
0x2d: {  	[sflag:s10] =	ssyncadd.s32 $0xFFFFEC40  }
0x2e: {  	[bflag:$0x0] =	sbarrier.arrive $0xFFFF  }
0x2f: {  	[tilespmem:s15], [sflag:$0x1] =	stream.indirect.gather [hbm4b:s4+s14], $0x40, s3, s14, $0xb8;
	[tilespmem:$0x18E00] =	vst v63  }
0x30: {  	_ = 	snop  }
0x31: {  	[tilespmem:s16], [sflag:$0x2] =	stream.indirect.gather [hbm4b:s4+s14], $0x40, s14, s14, $0xb8;
	[tilespmem:$0x18E00] =	vst v63  }
0x32: {  	s6 =	simm.s32 $0x100  }
0x33: {  	[tilespmem:s18], [sflag:$0x3] =	stream.indirect.gather [hbm4b:s4+s14], $0x40, s6, s14, $0xb8;
	[tilespmem:$0x18E00] =	vst v63  }
0x34: {  	_ =	swait.ge [sflag:s19], $0x2000  }
0x35: {  	[sflag:s19] =	ssyncset.done $0x0  }
0x36: {  	[sflag:s19] =	ssyncadd.s32 $0xFFFFE000  }
0x37: {  	[spmem:s2] =	stream.indirect.scatter.add.bf16 [tilespmem:s15], [sflag:$0x6], $0x40, s11, s14, $0xb8;
	[tilespmem:$0x18E00] =	vst v63  }
0x38: {  	s7 =	simm.s32 $0x180  }
0x39: {  	[tilespmem:s21], [sflag:$0x4] =	stream.indirect.gather [hbm4b:s4+s14], $0x40, s7, s14, $0xb8;
	[tilespmem:$0x18E00] =	vst v63  }
0x3a: {  	_ =	swait.ge [sflag:s22], $0x2000  }
0x3b: {  	[sflag:s22] =	ssyncset.done $0x0  }
0x3c: {  	s8 =	simm.s32 $0x2880;
	[sflag:s22] =	ssyncadd.s32 $0xFFFFE000  }
0x3d: {  	[spmem:s2] =	stream.indirect.scatter.add.bf16 [tilespmem:s16], [sflag:$0x7], $0x40, s8, s14, $0xb8;
	[tilespmem:$0x18E00] =	vst v63  }
0x3e: {  	s23 =	simm.s32 $0x200  }
0x3f: {  	[tilespmem:s25], [sflag:$0x5] =	stream.indirect.gather [hbm4b:s4+s14], $0x40, s23, s14, $0xb8;
	[tilespmem:$0x18E00] =	vst v63  }
0x40: {  	_ =	swait.ge [sflag:s26], $0x2000  }
0x41: {  	[sflag:s26] =	ssyncset.done $0x0  }
0x42: {  	s28 =	simm.s32 $0x2900;
	[sflag:s26] =	ssyncadd.s32 $0xFFFFE000  }
0x43: {  	[spmem:s2] =	stream.indirect.scatter.add.bf16 [tilespmem:s18], [sflag:$0x8], $0x40, s28, s14, $0xb8;
	[tilespmem:$0x18E00] =	vst v63  }
0x44: {  	_ =	swait.ge [sflag:s29], $0x2000  }
0x45: {  	[sflag:s29] =	ssyncset.done $0x0  }
0x46: {  	s6 =	simm.s32 $0x280;
	[sflag:s29] =	ssyncadd.s32 $0xFFFFE000  }
0x47: {  	[tilespmem:s15], [sflag:$0x1] =	stream.indirect.gather [hbm4b:s4+s14], $0x40, s6, s14, $0xb8;
	[tilespmem:$0x18E00] =	vst v63  }
0x48: {  	_ =	swait.ge [sflag:s31], $0x2000  }
0x49: {  	[sflag:s31] =	ssyncset.done $0x0  }
0x4a: {  	s7 =	simm.s32 $0x2980;
	[sflag:s31] =	ssyncadd.s32 $0xFFFFE000  }
0x4b: {  	[spmem:s2] =	stream.indirect.scatter.add.bf16 [tilespmem:s21], [sflag:$0x9], $0x40, s7, s14, $0xb8;
	[tilespmem:$0x18E00] =	vst v63  }
0x4c: {  	_ =	swait.ge [sflag:s1], $0x2000  }
0x4d: {  	[sflag:s1] =	ssyncset.done $0x0  }
0x4e: {  	s8 =	simm.s32 $0x300;
	[sflag:s1] =	ssyncadd.s32 $0xFFFFE000  }
0x4f: {  	[tilespmem:s16], [sflag:$0x2] =	stream.indirect.gather [hbm4b:s4+s14], $0x40, s8, s14, $0xb8;
	[tilespmem:$0x18E00] =	vst v63  }
0x50: {  	_ =	swait.ge [sflag:s20], $0x2000  }
0x51: {  	[sflag:s20] =	ssyncset.done $0x0  }
0x52: {  	s23 =	simm.s32 $0x2A00;
	[sflag:s20] =	ssyncadd.s32 $0xFFFFE000  }
0x53: {  	[spmem:s2] =	stream.indirect.scatter.add.bf16 [tilespmem:s25], [sflag:$0xA], $0x40, s23, s14, $0xb8;
	[tilespmem:$0x18E00] =	vst v63  }
0x54: {  	_ =	swait.ge [sflag:s24], $0x2000  }
0x55: {  	[sflag:s24] =	ssyncset.done $0x0  }
0x56: {  	s28 =	simm.s32 $0x380;
	s23 =	simm.s32 $0x0;
	[sflag:s24] =	ssyncadd.s32 $0xFFFFE000  }
0x57: {  	[tilespmem:s18], [sflag:$0x3] =	stream.indirect.gather [hbm4b:s4+s14], $0x40, s28, s14, $0xb8;
	[tilespmem:$0x18E00] =	vst v63  }
.LBB2_2:
0x58: {  	_ =	swait.ge [sflag:s19], $0x2000  }
0x59: {  	s28 =	sshra.s32 s23, $0x2;
	[sflag:s19] =	ssyncset.done $0x0  }
0x5a: {  	s5 =	sadd.s32 $0x2A80, s28;
	[sflag:s19] =	ssyncadd.s32 $0xFFFFE000  }
0x5b: {  	[spmem:s2] =	stream.indirect.scatter.add.bf16 [tilespmem:s15], [sflag:$0x6], $0x40, s5, s14, $0xb8;
	[tilespmem:$0x18E00] =	vst v63  }
0x5c: {  	_ =	swait.ge [sflag:s30], $0x2000  }
0x5d: {  	[sflag:s30] =	ssyncset.done $0x0  }
0x5e: {  	s7 =	sadd.s32 $0x400, s28;
	[sflag:s30] =	ssyncadd.s32 $0xFFFFE000  }
0x5f: {  	[tilespmem:s21], [sflag:$0x4] =	stream.indirect.gather [hbm4b:s4+s14], $0x40, s7, s14, $0xb8;
	[tilespmem:$0x18E00] =	vst v63  }
0x60: {  	_ =	swait.ge [sflag:s22], $0x2000  }
0x61: {  	[sflag:s22] =	ssyncset.done $0x0  }
0x62: {  	s8 =	sadd.s32 $0x2B00, s28;
	[sflag:s22] =	ssyncadd.s32 $0xFFFFE000  }
0x63: {  	[spmem:s2] =	stream.indirect.scatter.add.bf16 [tilespmem:s16], [sflag:$0x7], $0x40, s8, s14, $0xb8;
	[tilespmem:$0x18E00] =	vst v63  }
0x64: {  	_ =	swait.ge [sflag:s0], $0x2000  }
0x65: {  	[sflag:s0] =	ssyncset.done $0x0  }
0x66: {  	s6 =	sadd.s32 $0x480, s28;
	[sflag:s0] =	ssyncadd.s32 $0xFFFFE000  }
0x67: {  	[tilespmem:s25], [sflag:$0x5] =	stream.indirect.gather [hbm4b:s4+s14], $0x40, s6, s14, $0xb8;
	[tilespmem:$0x18E00] =	vst v63  }
0x68: {  	_ =	swait.ge [sflag:s26], $0x2000  }
0x69: {  	[sflag:s26] =	ssyncset.done $0x0  }
0x6a: {  	s7 =	sadd.s32 $0x2B80, s28;
	[sflag:s26] =	ssyncadd.s32 $0xFFFFE000  }
0x6b: {  	[spmem:s2] =	stream.indirect.scatter.add.bf16 [tilespmem:s18], [sflag:$0x8], $0x40, s7, s14, $0xb8;
	[tilespmem:$0x18E00] =	vst v63  }
0x6c: {  	_ =	swait.ge [sflag:s29], $0x2000  }
0x6d: {  	p0 =	seq.s32 s23, $0x8C00;
	[sflag:s29] =	ssyncset.done $0x0  }
0x6e: {  	s5 =	simm.s32 @p0 $0x4;
	[sflag:s29] =	ssyncadd.s32 $0xFFFFE000  }
0x6f: {  	_ =	swait.ge @p0 [sflag:s5], $0x2000  }
0x70: {  	[sflag:s5] =	ssyncset.done @p0 $0x0  }
0x71: {  	[sflag:s5] =	ssyncadd.s32 @p0 $0xFFFFE000;
	s5 =	sshra.s32 @p0 s23, $0x2  }
0x72: {  	s6 =	simm.s32 @p0 $0x80;
	s7 =	simm.s32 @p0 $0xB000;
	s5 =	sadd.s32 @p0 $0x2C00, s5  }
0x73: {  	[spmem:s2] =	stream.indirect.scatter.add.bf16 @p0 [tilespmem:s7], [sflag:$0x9], $0x40, s5, s6, $0xb8;
	[tilespmem:$0x18E00] =	vst v63  }
0x74: {  	s5 =	simm.s32 @p0 $0x7  }
0x75: {  	_ =	swait.ge @p0 [sflag:s5], $0x2000  }
0x76: {  	[sflag:s5] =	ssyncset.done @p0 $0x0  }
0x77: {  	[sflag:s5] =	ssyncadd.s32 @p0 $0xFFFFE000;
	s5 =	sshra.s32 @!p0 s23, $0x2  }
0x78: {  	s8 =	simm.s32 @!p0 $0x5000;
	s7 =	simm.s32 @!p0 $0x80;
	s6 =	sadd.s32 @!p0 $0x500, s5  }
0x79: {  	[tilespmem:s8], [sflag:$0x1] =	stream.indirect.gather @!p0 [hbm4b:s4+s7], $0x40, s6, s7, $0xb8;
	[tilespmem:$0x18E00] =	vst v63  }
0x7a: {  	s6 =	simm.s32 @!p0 $0x4  }
0x7b: {  	_ =	swait.ge @!p0 [sflag:s6], $0x2000  }
0x7c: {  	[sflag:s6] =	ssyncset.done @!p0 $0x0  }
0x7d: {  	s8 =	simm.s32 @!p0 $0xB000;
	[sflag:s6] =	ssyncadd.s32 @!p0 $0xFFFFE000;
	s6 =	sadd.s32 @!p0 $0x2C00, s5  }
0x7e: {  	[spmem:s2] =	stream.indirect.scatter.add.bf16 @!p0 [tilespmem:s8], [sflag:$0x9], $0x40, s6, s7, $0xb8;
	[tilespmem:$0x18E00] =	vst v63  }
0x7f: {  	s6 =	simm.s32 @!p0 $0x7  }
0x80: {  	_ =	swait.ge @!p0 [sflag:s6], $0x2000  }
0x81: {  	[sflag:s6] =	ssyncset.done @!p0 $0x0  }
0x82: {  	s5 =	sadd.s32 @!p0 $0x580, s5;
	[sflag:s6] =	ssyncadd.s32 @!p0 $0xFFFFE000;
	s6 =	simm.s32 @!p0 $0x7000  }
0x83: {  	[tilespmem:s6], [sflag:$0x2] =	stream.indirect.gather @!p0 [hbm4b:s4+s7], $0x40, s5, s7, $0xb8;
	[tilespmem:$0x18E00] =	vst v63  }
0x84: {  	_ =	swait.ge [sflag:s20], $0x2000  }
0x85: {  	[sflag:s20] =	ssyncset.done $0x0  }
.Ltmp2:
0x86: {  	s8 =	sadd.s32 $0x2C80, s28;
	[sflag:s20] =	ssyncadd.s32 $0xFFFFE000;
	(pc) =	sbr.rel @p0 .LBB2_4-.Ltmp2, $4  }
0x87: {  	[spmem:s2] =	stream.indirect.scatter.add.bf16 [tilespmem:s25], [sflag:$0xA], $0x40, s8, s14, $0xb8;
	[tilespmem:$0x18E00] =	vst v63  }
0x88: {  	_ =	swait.ge [sflag:s24], $0x2000  }
0x89: {  	[sflag:s24] =	ssyncset.done $0x0  }
0x8a: {  	[sflag:s24] =	ssyncadd.s32 $0xFFFFE000  }
.Ltmp3:
0x8b: {  	(pc) =	sbr.rel .LBB2_2-.Ltmp3, $3  }
0x8c: {  	_ =	sdelay $0x1  }
0x8d: {  	s5 =	sadd.s32 $0x600, s28;
	s23 =	sadd.s32 $0xA00, s23  }
0x8e: {  	[tilespmem:s18], [sflag:$0x3] =	stream.indirect.gather [hbm4b:s4+s14], $0x40, s5, s14, $0xb8;
	[tilespmem:$0x18E00] =	vst v63  }
.LBB2_5:
0x8f: {  	_ =	sfence.sel $0x180000  }
0x90: {  	[bflag:$0x0] =	sbarrier.arrive $0xFFFF  }
0x91: {  	_ =	strace $0x9000004A  }
0x92: {  	s0 =	stileid.u32;
	[bflag:$0x2] =	sbarrier.arrive $0xFFFF  }
0x93: {  	p0 =	sne.s32 s0, $0x0;
	s0 =	rddreg [dreg:$0x2]  }
0x94: {  	s0 =	sadd.s32 @!p0 $0x100000, s0  }
0x95: {  	[sflag:s0] =	ssyncadd.tile.s32 @!p0 $0x1;
	_ =	shalt  }
.Lfunc_end2:
_tile_overlayer_lowered:
.L_overlay_start_2:
0x96: {  	(tag) =	ssettag $0x2  }
0x97: {  	s0 =	rddreg [dreg:$0x0];
	s2 =	stileid.u32  }
0x98: {  	s1 =	rddreg [dreg:$0x1];
	p0 =	sne.s32 s2, $0x0  }
0x99: {  	s3 =	rddreg [dreg:$0x2];
	[bflag:$0x3] =	sbarrier.arrive $0xFFFF;
	s2 =	simm.s32 @!p0 $0x1C0B  }
0x9a: {  	[timem:s3], [sflag:s2] =	dma.local @!p0 [hbm:s0], s1  }
0x9b: {  	s0 =	simm.s32 @!p0 $0xB  }
0x9c: {  	_ =	swait.ge @!p0 [sflag:s0], s1  }
0x9d: {  	s1 =	ssub.s32 @!p0 $0x0, s1;
	[sflag:s0] =	ssyncset.done @!p0 $0x0  }
0x9e: {  	[sflag:s0] =	ssyncadd.s32 @!p0 s1  }
0x9f: {  	[bflag:$0x3] =	sbarrier.arrive $0xFFFF  }
0xa0: {  	_ =	shalt  }

// kernel: kernel.16.cloned.1.call-start
scs
__scs_entry_jumppad:
0x0: {  	(pc) =	sbr.rel $0x88, $3  }
0x1: {  	(tag) =	ssettag $0x0;
	lr =	simm.s32 $0x1  }
0x2: {  	[smem:$0x3F91] =	sst lr;
	_ =	strace $0xD0000000  }
0x3: {  	_ = 	snop  }
0x4: {  	_ = 	snop  }
0x5: {  	_ = 	snop  }
0x6: {  	_ = 	snop  }
0x7: {  	_ = 	snop  }
__scs_overlays_trampoline_lowered:
0x8: {  	[smem:$0x3FA0] =	sst s0  }
0x9: {  	[smem:$0x3FA1] =	sst s1  }
0xa: {  	[smem:$0x3FA2] =	sst s2  }
0xb: {  	[smem:$0x3FA3] =	sst s3  }
0xc: {  	[smem:$0x3FA4] =	sst s4  }
0xd: {  	[smem:$0x3FA5] =	sst s5  }
0xe: {  	[smem:$0x3FA6] =	sst s6  }
0xf: {  	[smem:$0x3FA7] =	sst s7  }
0x10: {  	[smem:$0x3FA8] =	sst s8  }
0x11: {  	[smem:$0x3FA9] =	sst s9;
	s0 =	simm.s32 @!p0 $0x0  }
0x12: {  	s1 =	sld [smem:$0x3F8F];
	s0 =	simm.s32 @p0 $0x1  }
0x13: {  	[smem:$0x3FAA] =	sst s0;
	s0 =	simm.s32 @!p1 $0x0  }
0x14: {  	s2 =	sld [smem:$0x3F8E];
	s0 =	simm.s32 @p1 $0x1  }
0x15: {  	[smem:$0x3FAB] =	sst s0;
	s0 =	simm.s32 @!p2 $0x0  }
0x16: {  	s3 =	sld [smem:$0x3FDB];
	s0 =	simm.s32 @p2 $0x1  }
0x17: {  	s4 =	simm.s32 $0x1BF5;
	[smem:$0x3FAD] =	sst s0  }
0x18: {  	s0 =	sld [smem:$0x3F90];
	_ =	swait.ge [sflag:s4], $0x0  }
0x19: {  	s7 =	sld [smem:$0x3F91]  }
0x1a: {  	s8 =	sadd.s32 $0xFFFFE003, lr  }
0x1b: {  	s9 =	sadd.s32 $0xFFFFFEF7, lr;
	s5 =	simm.s32 $0xFFFFFFFF;
	p2 =	slt.u32 s8, $0xFFFFF086  }
0x1c: {  	p1 =	slt.u32 s9, $0xF7A;
	s5 =	simm.s32 @!p2 $0x0  }
0x1d: {  	s5 =	simm.s32 @p1 $0x1;
	p0 =	seq.s32 s7, s2  }
0x1e: {  	s7 =	smul.u32 @!p0 $0xF7A, s2;
	p2 =	seq.s32 @!p0 s5, $0x0  }
0x1f: {  	s9 =	smul.u32 $0xF7A, s1;
	s8 =	simm.s32 @!p0 $0x1BF5;
	p2 =	por !p2, p0  }
0x20: {  	[sflag:s8] =	ssyncset.s32 @!p0 $0xFFFFF086;
	s6 =	sadd.s32 @!p0 s3, s7;
	s7 =	simm.s32 @!p0 $0x108  }
0x21: {  	s3 =	sadd.s32 s3, s9;
	s6 =	sadd.s32 @!p0 $0x88, s6;
	s7 =	simm.s32 @p2 $0x1082  }
0x22: {  	[simem:s7], [sflag:s8] =	dma.local @!p0 [hbm:s6], $0xF7A  }
0x23: {  	s9 =	sor.u32 $0xD0000000, s2;
	s6 =	simm.s32 $0x108;
	_ =	swait.ge @!p0 [sflag:s8], $0x0  }
0x24: {  	s3 =	sadd.s32 $0x88, s3;
	s6 =	simm.s32 @!p1 $0x1082;
	[sflag:s4] =	ssyncset.s32 $0xFFFFF086  }
0x25: {  	[simem:s6], [sflag:s4] =	dma.local [hbm:s3], $0xF7A  }
0x26: {  	[smem:$0x3F91] =	sst s1;
	(tag) =	ssettag s2;
	_ =	strace s9  }
0x27: {  	s1 =	sld [smem:$0x3FA1]  }
0x28: {  	s2 =	sld [smem:$0x3FA2]  }
0x29: {  	s4 =	sld [smem:$0x3FA4]  }
0x2a: {  	p0 =	seq.s32 s5, $0x0;
	s5 =	sld [smem:$0x3FA5]  }
0x2b: {  	s6 =	sld [smem:$0x3FA6]  }
0x2c: {  	s7 =	sld [smem:$0x3FA7]  }
0x2d: {  	s3 =	simm.s32 $0x108;
	s8 =	sld [smem:$0x3FA8]  }
0x2e: {  	s3 =	simm.s32 @!p0 $0x1082;
	s9 =	sld [smem:$0x3FA9]  }
0x2f: {  	lr =	sadd.s32 s0, s3;
	s0 =	sld [smem:$0x3FA0]  }
0x30: {  	s3 =	sld [smem:$0x3FA3]  }
0x31: {  	[smem:$0x3FAC] =	sst s10  }
0x32: {  	s10 =	sld [smem:$0x3FAA];
	_ =	sdelay $0x3  }
0x33: {  	p0 =	seq.s32 s10, $0x1;
	s10 =	sld [smem:$0x3FAC];
	_ =	sdelay $0x3  }
0x34: {  	[smem:$0x3FAC] =	sst s10  }
0x35: {  	s10 =	sld [smem:$0x3FAB];
	_ =	sdelay $0x3  }
0x36: {  	p1 =	seq.s32 s10, $0x1;
	s10 =	sld [smem:$0x3FAC];
	_ =	sdelay $0x3  }
0x37: {  	[smem:$0x3FAC] =	sst s10  }
0x38: {  	s10 =	sld [smem:$0x3FAD]  }
0x39: {  	_ = 	snop;
	(pc) =	sbr.ind lr, $3  }
0x3a: {  	_ = 	snop  }
0x3b: {  	_ = 	snop  }
0x3c: {  	p2 =	seq.s32 s10, $0x1;
	s10 =	sld [smem:$0x3FAC]  }
0x3d: {  	_ =	shalt  }
0x3e: {  	_ =	shalt  }
0x3f: {  	_ =	shalt  }
0x40: {  	_ =	shalt  }
0x41: {  	_ =	shalt  }
0x42: {  	_ =	shalt  }
0x43: {  	_ =	shalt  }
0x44: {  	_ =	shalt  }
0x45: {  	_ =	shalt  }
0x46: {  	_ =	shalt  }
0x47: {  	_ =	shalt  }
0x48: {  	_ =	shalt  }
0x49: {  	_ =	shalt  }
0x4a: {  	_ =	shalt  }
0x4b: {  	_ =	shalt  }
0x4c: {  	_ =	shalt  }
0x4d: {  	_ =	shalt  }
0x4e: {  	_ =	shalt  }
0x4f: {  	_ =	shalt  }
0x50: {  	_ =	shalt  }
0x51: {  	_ =	shalt  }
0x52: {  	_ =	shalt  }
0x53: {  	_ =	shalt  }
0x54: {  	_ =	shalt  }
0x55: {  	_ =	shalt  }
0x56: {  	_ =	shalt  }
0x57: {  	_ =	shalt  }
0x58: {  	_ =	shalt  }
0x59: {  	_ =	shalt  }
0x5a: {  	_ =	shalt  }
0x5b: {  	_ =	shalt  }
0x5c: {  	_ =	shalt  }
0x5d: {  	_ =	shalt  }
0x5e: {  	_ =	shalt  }
0x5f: {  	_ =	shalt  }
0x60: {  	_ =	shalt  }
0x61: {  	_ =	shalt  }
0x62: {  	_ =	shalt  }
0x63: {  	_ =	shalt  }
0x64: {  	_ =	shalt  }
0x65: {  	_ =	shalt  }
0x66: {  	_ =	shalt  }
0x67: {  	_ =	shalt  }
0x68: {  	_ =	shalt  }
0x69: {  	_ =	shalt  }
0x6a: {  	_ =	shalt  }
0x6b: {  	_ =	shalt  }
0x6c: {  	_ =	shalt  }
0x6d: {  	_ =	shalt  }
0x6e: {  	_ =	shalt  }
0x6f: {  	_ =	shalt  }
0x70: {  	_ =	shalt  }
0x71: {  	_ =	shalt  }
0x72: {  	_ =	shalt  }
0x73: {  	_ =	shalt  }
0x74: {  	_ =	shalt  }
0x75: {  	_ =	shalt  }
0x76: {  	_ =	shalt  }
0x77: {  	_ =	shalt  }
0x78: {  	_ =	shalt  }
0x79: {  	_ =	shalt  }
0x7a: {  	_ =	shalt  }
0x7b: {  	_ =	shalt  }
0x7c: {  	_ =	shalt  }
0x7d: {  	_ =	shalt  }
0x7e: {  	_ =	shalt  }
0x7f: {  	_ =	shalt  }
0x80: {  	_ =	shalt  }
0x81: {  	_ =	shalt  }
0x82: {  	_ =	shalt  }
0x83: {  	_ =	shalt  }
0x84: {  	_ =	shalt  }
0x85: {  	_ =	shalt  }
0x86: {  	_ =	shalt  }
0x87: {  	_ =	shalt  }
.Lfunc_end0:
.L_simem_size_0:
called_computation.2_lowered:
.L_overlay_start_0:
0x88: {  	s2 =	sld [smem:$0x3FD9]  }
0x89: {  	s3 =	sld [smem:$0x3FFE];
	_ =	sdelay $0x1  }
0x8a: {  	s1 =	srdreg.scid  }
0x8b: {  	s0 =	sand.u32 $0x1, s1  }
0x8c: {  	s16 =	sshll.u32 s0, $0xA;
	s2 =	sadd.s32 s3, s2  }
0x8d: {  	s2 =	sadd.s32 s2, s16  }
0x8e: {  	[smem:$0x3FB8] =	sst s2  }
0x8f: {  	_ = 	snop  }
0x90: {  	(tm) =	ssettm $0x1  }
0x91: {  	s17 =	sld [smem:$0x3FFB];
	_ =	sdelay $0x3  }
0x92: {  	_ =	strace s17  }
0x93: {  	s2 =	sld [smem:$0x3FFC];
	_ =	sdelay $0x3  }
0x94: {  	_ =	strace s2  }
0x95: {  	s2 =	sld [smem:$0x3FFD];
	_ =	sdelay $0x3  }
0x96: {  	_ =	strace s2  }
0x97: {  	_ =	strace $0x8FFFFFFF  }
0x98: {  	s18 =	sld [smem:$0x3FDB];
	_ =	sdelay $0x1  }
0x99: {  	s19 =	simm.s32 $_scs_section_size  }
0x9a: {  	s4 =	simm.s32 $_size__tile_overlayer_lowered;
	s5 =	simm.s32 $_tile_overlayer_lowered  }
0x9b: {  	s22 =	simm.s32 $0x1BFF;
	s21 =	sshll.u32 s5, $0x1;
	s2 =	sadd.s32 s19, s18  }
0x9c: {  	s6 =	simm.s32 $0x0;
	s20 =	sshll.u32 s4, $0x1;
	s4 =	sadd.s32 s21, s2  }
0x9d: {  	[timem:s6], [sflag:s22] =	dma.local [hbm:s4], s20  }
0x9e: {  	_ =	swait.ge [sflag:s22], s20  }
0x9f: {  	s3 =	ssub.s32 $0x0, s20;
	[sflag:s22] =	ssyncset.done $0x0  }
0xa0: {  	[sflag:s22] =	ssyncadd.s32 s3;
	_ =	sdelay $0x1  }
0xa1: {  	s23 =	simm.s32 $0x1B8B  }
0xa2: {  	_ =	swait.ge [sflag:s23], $0x1  }
0xa3: {  	[sflag:s23] =	ssyncset.done $0x0  }
0xa4: {  	s25 =	simm.s32 $0x1B8E;
	s24 =	sld [smem:$0x3FFE];
	[sflag:s23] =	ssyncadd.s32 $0xFFFFFFFF  }
0xa5: {  	s26 =	simm.s32 $execute0_lowered;
	[smem:$0x3FD2] =	sst s25  }
0xa6: {  	s4 =	sshll.u32 s26, $0x1;
	_ =	strace $0x8000004C;
	[dreg:$0x1] =	wrdreg $0xFFFFFFFF  }
0xa7: {  	s28 =	simm.s32 $_size_execute0_lowered;
	s2 =	sadd.s32 s2, s4;
	[dreg:$0x0] =	wrdreg $0x0  }
0xa8: {  	s4 =	sshll.u32 s28, $0x1;
	[dreg:$0x2] =	wrdreg s2  }
0xa9: {  	[dreg:$0x3] =	wrdreg s4  }
0xaa: {  	[dreg:$0x4] =	wrdreg $0xC0  }
0xab: {  	_ =	task [dreg:s6], $0x5FFFF  }
0xac: {  	[dreg:$0x1] =	wrdreg $0xFFFFFFFF  }
0xad: {  	[dreg:$0x0] =	wrdreg $0x60  }
0xae: {  	[dreg:$0x2] =	wrdreg s24  }
0xaf: {  	[dreg:$0x3] =	wrdreg $0xF0000  }
0xb0: {  	[dreg:$0x4] =	wrdreg $0x9  }
0xb1: {  	_ =	task.clear_ibuf [dreg:s6], $0x5FFFF;
	_ =	strace $0x9000004C  }
0xb2: {  	s29 =	simm.s32 $0x9;
	_ =	strace $0x8000004E  }
0xb3: {  	_ =	swait.ge [sflag:s29], $0x1  }
0xb4: {  	[sflag:s29] =	ssyncadd.s32 $0xFFFFFFFF  }
0xb5: {  	_ =	strace $0x9000004E  }
0xb6: {  	_ =	sfence  }
0xb7: {  	s30 =	sld [smem:$0x0];
	_ =	sdelay $0x2  }
0xb8: {  	s31 =	sshll.u32 s1, $0xD;
	s1 =	sshrl.u32 s1, $0x2  }
0xb9: {  	s3 =	sand.u32 $0x4000, s31;
	s1 =	sadd.s32 s1, s30  }
0xba: {  	s0 =	sor.u32 s3, s0;
	s1 =	sshll.u32 s1, $0x11  }
0xbb: {  	s0 =	sor.u32 s1, s0  }
0xbc: {  	s0 =	sadd.s32 $0x8F2B, s0  }
0xbd: {  	[sflag:s0] =	ssyncadd.remote.s32 $0x1  }
0xbe: {  	_ =	sfence.sel $0xFFFF  }
0xbf: {  	[dreg:$0x0] =	wrdreg $0xFFFFFFFF;
	(pc) =	sbr.abs _section_cstart, $3  }
0xc0: {  	[dreg:$0x1] =	wrdreg $0xFFFFFFFF  }
0xc1: {  	_ =	task.clear_ibuf [dreg:s6], $0x2FFFF;
	_ =	strace $0x9FFFFFFF  }
0xc2: {  	(tm) =	ssettm $0x7FFFFFFF  }
0xc3: {  	_ =	shalt  }
tec
execute0_lowered:
.L_overlay_start_1:
0x0: {  	(tag) =	ssettag $0x1  }
0x1: {  	s0 =	rddreg [dreg:$0x0]  }
0x2: {  	s2 =	rddreg [dreg:$0x1]  }
0x3: {  	s1 =	srdreg.scid;
	s11 =	stileid.u32  }
0x4: {  	s3 =	simm.s32 $0x0;
	s10 =	simm.s32 $0xB;
	s14 =	simm.s32 $0x80  }
0x5: {  	s15 =	simm.s32 $0x5000;
	s16 =	simm.s32 $0x7000;
	s18 =	simm.s32 $0x9000  }
0x6: {  	s19 =	simm.s32 $0x1;
	s21 =	simm.s32 $0xB000;
	s29 =	simm.s32 $0x6  }
0x7: {  	s31 =	simm.s32 $0x4;
	s20 =	simm.s32 $0x5;
	s30 =	simm.s32 $0x9  }
0x8: {  	s17 =	simm.s32 $0x0;
	s1 =	sand.u32 $0x1, s1;
	s4 =	sshll.u32 s11, $0x1  }
0x9: {  	s7 =	smul.u32 $0x13C00, s11;
	[smem:$0x7FF] =	sst s3;
	s23 =	sadd.s32 $0x20C00, s0  }
0xa: {  	s28 =	sshll.u32 s11, $0x6;
	s11 =	simm.s32 $0x2800;
	s4 =	sor.u32 s1, s4  }
0xb: {  	s5 =	smul.u32 $0x13C000, s1;
	_ =	strace $0x8000004D;
	s1 =	ssub.s32 $0x2, s1  }
0xc: {  	[dreg:$0x3] =	wrdreg s23;
	s12 =	sor.u32 $0x1C0B, s28;
	s6 =	smul.u32 $0x500, s4  }
0xd: {  	s4 =	sadd.s32 $0x22000, s0;
	s24 =	sshrl.u32 s1, $0x1;
	s9 =	sshrl.u32 s7, $0x1  }
0xe: {  	s5 =	sadd.s32 s7, s5;
	s1 =	ssub.s32 s1, s24;
	s13 =	sadd.s32 s9, s2  }
0xf: {  	s24 =	simm.s32 $0x8;
	s8 =	sadd.s32 s6, s0;
	s22 =	sshrl.u32 s5, $0x4  }
.Ltmp0:
0x10: {  	s9 =	smax.u32 s1, $0x1;
	s13 =	sshrl.u32 s13, $0x3;
	(pc) =	sbr.rel .LBB2_1-.Ltmp0, $4  }
0x11: {  	s1 =	simm.s32 $0x7;
	s0 =	sadd.s32 s22, s0;
	s25 =	sadd.s32 $0x16C00, s8  }
0x12: {  	s26 =	sadd.s32 $0x2600, s8;
	s22 =	simm.s32 $0x2;
	[dreg:$0x4] =	wrdreg s25  }
0x13: {  	[dreg:$0x5] =	wrdreg s26;
	s0 =	sadd.s32 $0x35A00, s0;
	s25 =	simm.s32 $0xD000  }
0x14: {  	s26 =	simm.s32 $0x3;
	[dreg:$0x6] =	wrdreg s0;
	s0 =	simm.s32 $0xA  }
.LBB2_4:
0x15: {  	_ =	swait.ge [sflag:s30], $0x2000  }
0x16: {  	[sflag:s30] =	ssyncset.done $0x0  }
0x17: {  	[sflag:s30] =	ssyncadd.s32 $0xFFFFE000  }
0x18: {  	_ =	swait.ge [sflag:s0], $0x2000  }
0x19: {  	[sflag:s0] =	ssyncset.done $0x0  }
0x1a: {  	s17 =	sadd.s32 $0x1, s17;
	[sflag:s0] =	ssyncadd.s32 $0xFFFFE000  }
0x1b: {  	p0 =	sne.s32 s17, s9;
	[bflag:$0x0] =	sbarrier.arrive $0xFFFF  }
.Ltmp1:
0x1c: {  	s5 =	rddreg [dreg:$0x6];
	(pc) =	sbr.rel @!p0 .LBB2_5-.Ltmp1, $4  }
0x1d: {  	[hbm:s5], [sflag:s12] =	dma.local [spmem:s13], $0x13C0  }
0x1e: {  	_ =	swait.ge [sflag:s10], $0x13C0  }
0x1f: {  	[sflag:s10] =	ssyncset.done $0x0  }
0x20: {  	[sflag:s10] =	ssyncadd.s32 $0xFFFFEC40  }
.LBB2_1:
0x21: {  	s5 =	rddreg [dreg:$0x4]  }
0x22: {  	[tilespmem:s3], [sflag:$0xB] =	stream.linear.gather [hbm4b:s5+s3], $0x2800, $0x38;
	[tilespmem:$0x18E00] =	vst v63  }
0x23: {  	_ =	swait.ge [sflag:s10], $0x2800  }
0x24: {  	[sflag:s10] =	ssyncset.done $0x0  }
0x25: {  	s23 =	rddreg [dreg:$0x5];
	[sflag:s10] =	ssyncadd.s32 $0xFFFFD800  }
0x26: {  	[tilespmem:s11], [sflag:$0xB] =	stream.linear.gather [hbm4b:s23+s3], $0x2800, $0x38;
	[tilespmem:$0x18E00] =	vst v63  }
0x27: {  	_ =	swait.ge [sflag:s10], $0x2800  }
0x28: {  	[sflag:s10] =	ssyncset.done $0x0  }
0x29: {  	s28 =	rddreg [dreg:$0x3];
	[sflag:s10] =	ssyncadd.s32 $0xFFFFD800  }
0x2a: {  	[spmem:s13], [sflag:s12] =	dma.local [hbm:s28], $0x13C0  }
0x2b: {  	_ =	swait.ge [sflag:s10], $0x13C0  }
0x2c: {  	[sflag:s10] =	ssyncset.done $0x0  }
0x2d: {  	[sflag:s10] =	ssyncadd.s32 $0xFFFFEC40  }
0x2e: {  	[bflag:$0x0] =	sbarrier.arrive $0xFFFF  }
0x2f: {  	[tilespmem:s15], [sflag:$0x1] =	stream.indirect.gather [hbm4b:s4+s14], $0x40, s3, s14, $0xb8;
	[tilespmem:$0x18E00] =	vst v63  }
0x30: {  	_ = 	snop  }
0x31: {  	[tilespmem:s16], [sflag:$0x2] =	stream.indirect.gather [hbm4b:s4+s14], $0x40, s14, s14, $0xb8;
	[tilespmem:$0x18E00] =	vst v63  }
0x32: {  	s6 =	simm.s32 $0x100  }
0x33: {  	[tilespmem:s18], [sflag:$0x3] =	stream.indirect.gather [hbm4b:s4+s14], $0x40, s6, s14, $0xb8;
	[tilespmem:$0x18E00] =	vst v63  }
0x34: {  	_ =	swait.ge [sflag:s19], $0x2000  }
0x35: {  	[sflag:s19] =	ssyncset.done $0x0  }
0x36: {  	[sflag:s19] =	ssyncadd.s32 $0xFFFFE000  }
0x37: {  	[spmem:s2] =	stream.indirect.scatter.add.bf16 [tilespmem:s15], [sflag:$0x6], $0x40, s11, s14, $0xb8;
	[tilespmem:$0x18E00] =	vst v63  }
0x38: {  	s7 =	simm.s32 $0x180  }
0x39: {  	[tilespmem:s21], [sflag:$0x4] =	stream.indirect.gather [hbm4b:s4+s14], $0x40, s7, s14, $0xb8;
	[tilespmem:$0x18E00] =	vst v63  }
0x3a: {  	_ =	swait.ge [sflag:s22], $0x2000  }
0x3b: {  	[sflag:s22] =	ssyncset.done $0x0  }
0x3c: {  	s8 =	simm.s32 $0x2880;
	[sflag:s22] =	ssyncadd.s32 $0xFFFFE000  }
0x3d: {  	[spmem:s2] =	stream.indirect.scatter.add.bf16 [tilespmem:s16], [sflag:$0x7], $0x40, s8, s14, $0xb8;
	[tilespmem:$0x18E00] =	vst v63  }
0x3e: {  	s23 =	simm.s32 $0x200  }
0x3f: {  	[tilespmem:s25], [sflag:$0x5] =	stream.indirect.gather [hbm4b:s4+s14], $0x40, s23, s14, $0xb8;
	[tilespmem:$0x18E00] =	vst v63  }
0x40: {  	_ =	swait.ge [sflag:s26], $0x2000  }
0x41: {  	[sflag:s26] =	ssyncset.done $0x0  }
0x42: {  	s28 =	simm.s32 $0x2900;
	[sflag:s26] =	ssyncadd.s32 $0xFFFFE000  }
0x43: {  	[spmem:s2] =	stream.indirect.scatter.add.bf16 [tilespmem:s18], [sflag:$0x8], $0x40, s28, s14, $0xb8;
	[tilespmem:$0x18E00] =	vst v63  }
0x44: {  	_ =	swait.ge [sflag:s29], $0x2000  }
0x45: {  	[sflag:s29] =	ssyncset.done $0x0  }
0x46: {  	s6 =	simm.s32 $0x280;
	[sflag:s29] =	ssyncadd.s32 $0xFFFFE000  }
0x47: {  	[tilespmem:s15], [sflag:$0x1] =	stream.indirect.gather [hbm4b:s4+s14], $0x40, s6, s14, $0xb8;
	[tilespmem:$0x18E00] =	vst v63  }
0x48: {  	_ =	swait.ge [sflag:s31], $0x2000  }
0x49: {  	[sflag:s31] =	ssyncset.done $0x0  }
0x4a: {  	s7 =	simm.s32 $0x2980;
	[sflag:s31] =	ssyncadd.s32 $0xFFFFE000  }
0x4b: {  	[spmem:s2] =	stream.indirect.scatter.add.bf16 [tilespmem:s21], [sflag:$0x9], $0x40, s7, s14, $0xb8;
	[tilespmem:$0x18E00] =	vst v63  }
0x4c: {  	_ =	swait.ge [sflag:s1], $0x2000  }
0x4d: {  	[sflag:s1] =	ssyncset.done $0x0  }
0x4e: {  	s8 =	simm.s32 $0x300;
	[sflag:s1] =	ssyncadd.s32 $0xFFFFE000  }
0x4f: {  	[tilespmem:s16], [sflag:$0x2] =	stream.indirect.gather [hbm4b:s4+s14], $0x40, s8, s14, $0xb8;
	[tilespmem:$0x18E00] =	vst v63  }
0x50: {  	_ =	swait.ge [sflag:s20], $0x2000  }
0x51: {  	[sflag:s20] =	ssyncset.done $0x0  }
0x52: {  	s23 =	simm.s32 $0x2A00;
	[sflag:s20] =	ssyncadd.s32 $0xFFFFE000  }
0x53: {  	[spmem:s2] =	stream.indirect.scatter.add.bf16 [tilespmem:s25], [sflag:$0xA], $0x40, s23, s14, $0xb8;
	[tilespmem:$0x18E00] =	vst v63  }
0x54: {  	_ =	swait.ge [sflag:s24], $0x2000  }
0x55: {  	[sflag:s24] =	ssyncset.done $0x0  }
0x56: {  	s28 =	simm.s32 $0x380;
	s23 =	simm.s32 $0x0;
	[sflag:s24] =	ssyncadd.s32 $0xFFFFE000  }
0x57: {  	[tilespmem:s18], [sflag:$0x3] =	stream.indirect.gather [hbm4b:s4+s14], $0x40, s28, s14, $0xb8;
	[tilespmem:$0x18E00] =	vst v63  }
.LBB2_2:
0x58: {  	_ =	swait.ge [sflag:s19], $0x2000  }
0x59: {  	s28 =	sshra.s32 s23, $0x2;
	[sflag:s19] =	ssyncset.done $0x0  }
0x5a: {  	s5 =	sadd.s32 $0x2A80, s28;
	[sflag:s19] =	ssyncadd.s32 $0xFFFFE000  }
0x5b: {  	[spmem:s2] =	stream.indirect.scatter.add.bf16 [tilespmem:s15], [sflag:$0x6], $0x40, s5, s14, $0xb8;
	[tilespmem:$0x18E00] =	vst v63  }
0x5c: {  	_ =	swait.ge [sflag:s30], $0x2000  }
0x5d: {  	[sflag:s30] =	ssyncset.done $0x0  }
0x5e: {  	s7 =	sadd.s32 $0x400, s28;
	[sflag:s30] =	ssyncadd.s32 $0xFFFFE000  }
0x5f: {  	[tilespmem:s21], [sflag:$0x4] =	stream.indirect.gather [hbm4b:s4+s14], $0x40, s7, s14, $0xb8;
	[tilespmem:$0x18E00] =	vst v63  }
0x60: {  	_ =	swait.ge [sflag:s22], $0x2000  }
0x61: {  	[sflag:s22] =	ssyncset.done $0x0  }
0x62: {  	s8 =	sadd.s32 $0x2B00, s28;
	[sflag:s22] =	ssyncadd.s32 $0xFFFFE000  }
0x63: {  	[spmem:s2] =	stream.indirect.scatter.add.bf16 [tilespmem:s16], [sflag:$0x7], $0x40, s8, s14, $0xb8;
	[tilespmem:$0x18E00] =	vst v63  }
0x64: {  	_ =	swait.ge [sflag:s0], $0x2000  }
0x65: {  	[sflag:s0] =	ssyncset.done $0x0  }
0x66: {  	s6 =	sadd.s32 $0x480, s28;
	[sflag:s0] =	ssyncadd.s32 $0xFFFFE000  }
0x67: {  	[tilespmem:s25], [sflag:$0x5] =	stream.indirect.gather [hbm4b:s4+s14], $0x40, s6, s14, $0xb8;
	[tilespmem:$0x18E00] =	vst v63  }
0x68: {  	_ =	swait.ge [sflag:s26], $0x2000  }
0x69: {  	[sflag:s26] =	ssyncset.done $0x0  }
0x6a: {  	s7 =	sadd.s32 $0x2B80, s28;
	[sflag:s26] =	ssyncadd.s32 $0xFFFFE000  }
0x6b: {  	[spmem:s2] =	stream.indirect.scatter.add.bf16 [tilespmem:s18], [sflag:$0x8], $0x40, s7, s14, $0xb8;
	[tilespmem:$0x18E00] =	vst v63  }
0x6c: {  	_ =	swait.ge [sflag:s29], $0x2000  }
0x6d: {  	p0 =	seq.s32 s23, $0x8C00;
	[sflag:s29] =	ssyncset.done $0x0  }
0x6e: {  	s5 =	simm.s32 @p0 $0x4;
	[sflag:s29] =	ssyncadd.s32 $0xFFFFE000  }
0x6f: {  	_ =	swait.ge @p0 [sflag:s5], $0x2000  }
0x70: {  	[sflag:s5] =	ssyncset.done @p0 $0x0  }
0x71: {  	[sflag:s5] =	ssyncadd.s32 @p0 $0xFFFFE000;
	s5 =	sshra.s32 @p0 s23, $0x2  }
0x72: {  	s6 =	simm.s32 @p0 $0x80;
	s7 =	simm.s32 @p0 $0xB000;
	s5 =	sadd.s32 @p0 $0x2C00, s5  }
0x73: {  	[spmem:s2] =	stream.indirect.scatter.add.bf16 @p0 [tilespmem:s7], [sflag:$0x9], $0x40, s5, s6, $0xb8;
	[tilespmem:$0x18E00] =	vst v63  }
0x74: {  	s5 =	simm.s32 @p0 $0x7  }
0x75: {  	_ =	swait.ge @p0 [sflag:s5], $0x2000  }
0x76: {  	[sflag:s5] =	ssyncset.done @p0 $0x0  }
0x77: {  	[sflag:s5] =	ssyncadd.s32 @p0 $0xFFFFE000;
	s5 =	sshra.s32 @!p0 s23, $0x2  }
0x78: {  	s8 =	simm.s32 @!p0 $0x5000;
	s7 =	simm.s32 @!p0 $0x80;
	s6 =	sadd.s32 @!p0 $0x500, s5  }
0x79: {  	[tilespmem:s8], [sflag:$0x1] =	stream.indirect.gather @!p0 [hbm4b:s4+s7], $0x40, s6, s7, $0xb8;
	[tilespmem:$0x18E00] =	vst v63  }
0x7a: {  	s6 =	simm.s32 @!p0 $0x4  }
0x7b: {  	_ =	swait.ge @!p0 [sflag:s6], $0x2000  }
0x7c: {  	[sflag:s6] =	ssyncset.done @!p0 $0x0  }
0x7d: {  	s8 =	simm.s32 @!p0 $0xB000;
	[sflag:s6] =	ssyncadd.s32 @!p0 $0xFFFFE000;
	s6 =	sadd.s32 @!p0 $0x2C00, s5  }
0x7e: {  	[spmem:s2] =	stream.indirect.scatter.add.bf16 @!p0 [tilespmem:s8], [sflag:$0x9], $0x40, s6, s7, $0xb8;
	[tilespmem:$0x18E00] =	vst v63  }
0x7f: {  	s6 =	simm.s32 @!p0 $0x7  }
0x80: {  	_ =	swait.ge @!p0 [sflag:s6], $0x2000  }
0x81: {  	[sflag:s6] =	ssyncset.done @!p0 $0x0  }
0x82: {  	s5 =	sadd.s32 @!p0 $0x580, s5;
	[sflag:s6] =	ssyncadd.s32 @!p0 $0xFFFFE000;
	s6 =	simm.s32 @!p0 $0x7000  }
0x83: {  	[tilespmem:s6], [sflag:$0x2] =	stream.indirect.gather @!p0 [hbm4b:s4+s7], $0x40, s5, s7, $0xb8;
	[tilespmem:$0x18E00] =	vst v63  }
0x84: {  	_ =	swait.ge [sflag:s20], $0x2000  }
0x85: {  	[sflag:s20] =	ssyncset.done $0x0  }
.Ltmp2:
0x86: {  	s8 =	sadd.s32 $0x2C80, s28;
	[sflag:s20] =	ssyncadd.s32 $0xFFFFE000;
	(pc) =	sbr.rel @p0 .LBB2_4-.Ltmp2, $4  }
0x87: {  	[spmem:s2] =	stream.indirect.scatter.add.bf16 [tilespmem:s25], [sflag:$0xA], $0x40, s8, s14, $0xb8;
	[tilespmem:$0x18E00] =	vst v63  }
0x88: {  	_ =	swait.ge [sflag:s24], $0x2000  }
0x89: {  	[sflag:s24] =	ssyncset.done $0x0  }
0x8a: {  	[sflag:s24] =	ssyncadd.s32 $0xFFFFE000  }
.Ltmp3:
0x8b: {  	(pc) =	sbr.rel .LBB2_2-.Ltmp3, $3  }
0x8c: {  	_ =	sdelay $0x1  }
0x8d: {  	s5 =	sadd.s32 $0x600, s28;
	s23 =	sadd.s32 $0xA00, s23  }
0x8e: {  	[tilespmem:s18], [sflag:$0x3] =	stream.indirect.gather [hbm4b:s4+s14], $0x40, s5, s14, $0xb8;
	[tilespmem:$0x18E00] =	vst v63  }
.LBB2_5:
0x8f: {  	_ =	sfence.sel $0x180000  }
0x90: {  	[bflag:$0x0] =	sbarrier.arrive $0xFFFF  }
0x91: {  	_ =	strace $0x9000004D  }
0x92: {  	s0 =	stileid.u32;
	[bflag:$0x2] =	sbarrier.arrive $0xFFFF  }
0x93: {  	p0 =	sne.s32 s0, $0x0;
	s0 =	rddreg [dreg:$0x2]  }
0x94: {  	s0 =	sadd.s32 @!p0 $0x100000, s0  }
0x95: {  	[sflag:s0] =	ssyncadd.tile.s32 @!p0 $0x1;
	_ =	shalt  }
.Lfunc_end2:
_tile_overlayer_lowered:
.L_overlay_start_2:
0x96: {  	(tag) =	ssettag $0x2  }
0x97: {  	s0 =	rddreg [dreg:$0x0];
	s2 =	stileid.u32  }
0x98: {  	s1 =	rddreg [dreg:$0x1];
	p0 =	sne.s32 s2, $0x0  }
0x99: {  	s3 =	rddreg [dreg:$0x2];
	[bflag:$0x3] =	sbarrier.arrive $0xFFFF;
	s2 =	simm.s32 @!p0 $0x1C0B  }
0x9a: {  	[timem:s3], [sflag:s2] =	dma.local @!p0 [hbm:s0], s1  }
0x9b: {  	s0 =	simm.s32 @!p0 $0xB  }
0x9c: {  	_ =	swait.ge @!p0 [sflag:s0], s1  }
0x9d: {  	s1 =	ssub.s32 @!p0 $0x0, s1;
	[sflag:s0] =	ssyncset.done @!p0 $0x0  }
0x9e: {  	[sflag:s0] =	ssyncadd.s32 @!p0 s1  }
0x9f: {  	[bflag:$0x3] =	sbarrier.arrive $0xFFFF  }
0xa0: {  	_ =	shalt  }

// kernel: kernel.19.cloned.1.call-start
scs
__scs_entry_jumppad:
0x0: {  	(pc) =	sbr.rel $0x88, $3  }
0x1: {  	(tag) =	ssettag $0x0;
	lr =	simm.s32 $0x1  }
0x2: {  	[smem:$0x3F91] =	sst lr;
	_ =	strace $0xD0000000  }
0x3: {  	_ = 	snop  }
0x4: {  	_ = 	snop  }
0x5: {  	_ = 	snop  }
0x6: {  	_ = 	snop  }
0x7: {  	_ = 	snop  }
__scs_overlays_trampoline_lowered:
0x8: {  	[smem:$0x3FA0] =	sst s0  }
0x9: {  	[smem:$0x3FA1] =	sst s1  }
0xa: {  	[smem:$0x3FA2] =	sst s2  }
0xb: {  	[smem:$0x3FA3] =	sst s3  }
0xc: {  	[smem:$0x3FA4] =	sst s4  }
0xd: {  	[smem:$0x3FA5] =	sst s5  }
0xe: {  	[smem:$0x3FA6] =	sst s6  }
0xf: {  	[smem:$0x3FA7] =	sst s7  }
0x10: {  	[smem:$0x3FA8] =	sst s8  }
0x11: {  	[smem:$0x3FA9] =	sst s9;
	s0 =	simm.s32 @!p0 $0x0  }
0x12: {  	s1 =	sld [smem:$0x3F8F];
	s0 =	simm.s32 @p0 $0x1  }
0x13: {  	[smem:$0x3FAA] =	sst s0;
	s0 =	simm.s32 @!p1 $0x0  }
0x14: {  	s2 =	sld [smem:$0x3F8E];
	s0 =	simm.s32 @p1 $0x1  }
0x15: {  	[smem:$0x3FAB] =	sst s0;
	s0 =	simm.s32 @!p2 $0x0  }
0x16: {  	s3 =	sld [smem:$0x3FDB];
	s0 =	simm.s32 @p2 $0x1  }
0x17: {  	s4 =	simm.s32 $0x1BF5;
	[smem:$0x3FAD] =	sst s0  }
0x18: {  	s0 =	sld [smem:$0x3F90];
	_ =	swait.ge [sflag:s4], $0x0  }
0x19: {  	s7 =	sld [smem:$0x3F91]  }
0x1a: {  	s8 =	sadd.s32 $0xFFFFE003, lr  }
0x1b: {  	s9 =	sadd.s32 $0xFFFFFEF7, lr;
	s5 =	simm.s32 $0xFFFFFFFF;
	p2 =	slt.u32 s8, $0xFFFFF086  }
0x1c: {  	p1 =	slt.u32 s9, $0xF7A;
	s5 =	simm.s32 @!p2 $0x0  }
0x1d: {  	s5 =	simm.s32 @p1 $0x1;
	p0 =	seq.s32 s7, s2  }
0x1e: {  	s7 =	smul.u32 @!p0 $0xF7A, s2;
	p2 =	seq.s32 @!p0 s5, $0x0  }
0x1f: {  	s9 =	smul.u32 $0xF7A, s1;
	s8 =	simm.s32 @!p0 $0x1BF5;
	p2 =	por !p2, p0  }
0x20: {  	[sflag:s8] =	ssyncset.s32 @!p0 $0xFFFFF086;
	s6 =	sadd.s32 @!p0 s3, s7;
	s7 =	simm.s32 @!p0 $0x108  }
0x21: {  	s3 =	sadd.s32 s3, s9;
	s6 =	sadd.s32 @!p0 $0x88, s6;
	s7 =	simm.s32 @p2 $0x1082  }
0x22: {  	[simem:s7], [sflag:s8] =	dma.local @!p0 [hbm:s6], $0xF7A  }
0x23: {  	s9 =	sor.u32 $0xD0000000, s2;
	s6 =	simm.s32 $0x108;
	_ =	swait.ge @!p0 [sflag:s8], $0x0  }
0x24: {  	s3 =	sadd.s32 $0x88, s3;
	s6 =	simm.s32 @!p1 $0x1082;
	[sflag:s4] =	ssyncset.s32 $0xFFFFF086  }
0x25: {  	[simem:s6], [sflag:s4] =	dma.local [hbm:s3], $0xF7A  }
0x26: {  	[smem:$0x3F91] =	sst s1;
	(tag) =	ssettag s2;
	_ =	strace s9  }
0x27: {  	s1 =	sld [smem:$0x3FA1]  }
0x28: {  	s2 =	sld [smem:$0x3FA2]  }
0x29: {  	s4 =	sld [smem:$0x3FA4]  }
0x2a: {  	p0 =	seq.s32 s5, $0x0;
	s5 =	sld [smem:$0x3FA5]  }
0x2b: {  	s6 =	sld [smem:$0x3FA6]  }
0x2c: {  	s7 =	sld [smem:$0x3FA7]  }
0x2d: {  	s3 =	simm.s32 $0x108;
	s8 =	sld [smem:$0x3FA8]  }
0x2e: {  	s3 =	simm.s32 @!p0 $0x1082;
	s9 =	sld [smem:$0x3FA9]  }
0x2f: {  	lr =	sadd.s32 s0, s3;
	s0 =	sld [smem:$0x3FA0]  }
0x30: {  	s3 =	sld [smem:$0x3FA3]  }
0x31: {  	[smem:$0x3FAC] =	sst s10  }
0x32: {  	s10 =	sld [smem:$0x3FAA];
	_ =	sdelay $0x3  }
0x33: {  	p0 =	seq.s32 s10, $0x1;
	s10 =	sld [smem:$0x3FAC];
	_ =	sdelay $0x3  }
0x34: {  	[smem:$0x3FAC] =	sst s10  }
0x35: {  	s10 =	sld [smem:$0x3FAB];
	_ =	sdelay $0x3  }
0x36: {  	p1 =	seq.s32 s10, $0x1;
	s10 =	sld [smem:$0x3FAC];
	_ =	sdelay $0x3  }
0x37: {  	[smem:$0x3FAC] =	sst s10  }
0x38: {  	s10 =	sld [smem:$0x3FAD]  }
0x39: {  	_ = 	snop;
	(pc) =	sbr.ind lr, $3  }
0x3a: {  	_ = 	snop  }
0x3b: {  	_ = 	snop  }
0x3c: {  	p2 =	seq.s32 s10, $0x1;
	s10 =	sld [smem:$0x3FAC]  }
0x3d: {  	_ =	shalt  }
0x3e: {  	_ =	shalt  }
0x3f: {  	_ =	shalt  }
0x40: {  	_ =	shalt  }
0x41: {  	_ =	shalt  }
0x42: {  	_ =	shalt  }
0x43: {  	_ =	shalt  }
0x44: {  	_ =	shalt  }
0x45: {  	_ =	shalt  }
0x46: {  	_ =	shalt  }
0x47: {  	_ =	shalt  }
0x48: {  	_ =	shalt  }
0x49: {  	_ =	shalt  }
0x4a: {  	_ =	shalt  }
0x4b: {  	_ =	shalt  }
0x4c: {  	_ =	shalt  }
0x4d: {  	_ =	shalt  }
0x4e: {  	_ =	shalt  }
0x4f: {  	_ =	shalt  }
0x50: {  	_ =	shalt  }
0x51: {  	_ =	shalt  }
0x52: {  	_ =	shalt  }
0x53: {  	_ =	shalt  }
0x54: {  	_ =	shalt  }
0x55: {  	_ =	shalt  }
0x56: {  	_ =	shalt  }
0x57: {  	_ =	shalt  }
0x58: {  	_ =	shalt  }
0x59: {  	_ =	shalt  }
0x5a: {  	_ =	shalt  }
0x5b: {  	_ =	shalt  }
0x5c: {  	_ =	shalt  }
0x5d: {  	_ =	shalt  }
0x5e: {  	_ =	shalt  }
0x5f: {  	_ =	shalt  }
0x60: {  	_ =	shalt  }
0x61: {  	_ =	shalt  }
0x62: {  	_ =	shalt  }
0x63: {  	_ =	shalt  }
0x64: {  	_ =	shalt  }
0x65: {  	_ =	shalt  }
0x66: {  	_ =	shalt  }
0x67: {  	_ =	shalt  }
0x68: {  	_ =	shalt  }
0x69: {  	_ =	shalt  }
0x6a: {  	_ =	shalt  }
0x6b: {  	_ =	shalt  }
0x6c: {  	_ =	shalt  }
0x6d: {  	_ =	shalt  }
0x6e: {  	_ =	shalt  }
0x6f: {  	_ =	shalt  }
0x70: {  	_ =	shalt  }
0x71: {  	_ =	shalt  }
0x72: {  	_ =	shalt  }
0x73: {  	_ =	shalt  }
0x74: {  	_ =	shalt  }
0x75: {  	_ =	shalt  }
0x76: {  	_ =	shalt  }
0x77: {  	_ =	shalt  }
0x78: {  	_ =	shalt  }
0x79: {  	_ =	shalt  }
0x7a: {  	_ =	shalt  }
0x7b: {  	_ =	shalt  }
0x7c: {  	_ =	shalt  }
0x7d: {  	_ =	shalt  }
0x7e: {  	_ =	shalt  }
0x7f: {  	_ =	shalt  }
0x80: {  	_ =	shalt  }
0x81: {  	_ =	shalt  }
0x82: {  	_ =	shalt  }
0x83: {  	_ =	shalt  }
0x84: {  	_ =	shalt  }
0x85: {  	_ =	shalt  }
0x86: {  	_ =	shalt  }
0x87: {  	_ =	shalt  }
.Lfunc_end0:
.L_simem_size_0:
called_computation.3_lowered:
.L_overlay_start_0:
0x88: {  	s2 =	sld [smem:$0x3FD9]  }
0x89: {  	s3 =	sld [smem:$0x3FFE];
	_ =	sdelay $0x1  }
0x8a: {  	s1 =	srdreg.scid  }
0x8b: {  	s0 =	sand.u32 $0x1, s1  }
0x8c: {  	s16 =	sshll.u32 s0, $0xA;
	s2 =	sadd.s32 s3, s2  }
0x8d: {  	s2 =	sadd.s32 s2, s16  }
0x8e: {  	[smem:$0x3FB8] =	sst s2  }
0x8f: {  	_ = 	snop  }
0x90: {  	(tm) =	ssettm $0x1  }
0x91: {  	s17 =	sld [smem:$0x3FFB];
	_ =	sdelay $0x3  }
0x92: {  	_ =	strace s17  }
0x93: {  	s2 =	sld [smem:$0x3FFC];
	_ =	sdelay $0x3  }
0x94: {  	_ =	strace s2  }
0x95: {  	s2 =	sld [smem:$0x3FFD];
	_ =	sdelay $0x3  }
0x96: {  	_ =	strace s2  }
0x97: {  	_ =	strace $0x8FFFFFFF  }
0x98: {  	s18 =	sld [smem:$0x3FDB];
	_ =	sdelay $0x1  }
0x99: {  	s19 =	simm.s32 $_scs_section_size  }
0x9a: {  	s4 =	simm.s32 $_size__tile_overlayer_lowered;
	s5 =	simm.s32 $_tile_overlayer_lowered  }
0x9b: {  	s22 =	simm.s32 $0x1BFF;
	s21 =	sshll.u32 s5, $0x1;
	s2 =	sadd.s32 s19, s18  }
0x9c: {  	s6 =	simm.s32 $0x0;
	s20 =	sshll.u32 s4, $0x1;
	s4 =	sadd.s32 s21, s2  }
0x9d: {  	[timem:s6], [sflag:s22] =	dma.local [hbm:s4], s20  }
0x9e: {  	_ =	swait.ge [sflag:s22], s20  }
0x9f: {  	s3 =	ssub.s32 $0x0, s20;
	[sflag:s22] =	ssyncset.done $0x0  }
0xa0: {  	[sflag:s22] =	ssyncadd.s32 s3;
	_ =	sdelay $0x1  }
0xa1: {  	s23 =	simm.s32 $0x1B8B  }
0xa2: {  	_ =	swait.ge [sflag:s23], $0x1  }
0xa3: {  	[sflag:s23] =	ssyncset.done $0x0  }
0xa4: {  	s25 =	simm.s32 $0x1B8E;
	s24 =	sld [smem:$0x3FFE];
	[sflag:s23] =	ssyncadd.s32 $0xFFFFFFFF  }
0xa5: {  	s26 =	simm.s32 $execute0_lowered;
	[smem:$0x3FD2] =	sst s25  }
0xa6: {  	s4 =	sshll.u32 s26, $0x1;
	_ =	strace $0x8000004F;
	[dreg:$0x1] =	wrdreg $0xFFFFFFFF  }
0xa7: {  	s28 =	simm.s32 $_size_execute0_lowered;
	s2 =	sadd.s32 s2, s4;
	[dreg:$0x0] =	wrdreg $0x0  }
0xa8: {  	s4 =	sshll.u32 s28, $0x1;
	[dreg:$0x2] =	wrdreg s2  }
0xa9: {  	[dreg:$0x3] =	wrdreg s4  }
0xaa: {  	[dreg:$0x4] =	wrdreg $0xC0  }
0xab: {  	_ =	task [dreg:s6], $0x5FFFF  }
0xac: {  	[dreg:$0x1] =	wrdreg $0xFFFFFFFF  }
0xad: {  	[dreg:$0x0] =	wrdreg $0x60  }
0xae: {  	[dreg:$0x2] =	wrdreg s24  }
0xaf: {  	[dreg:$0x3] =	wrdreg $0xF0000  }
0xb0: {  	[dreg:$0x4] =	wrdreg $0x9  }
0xb1: {  	_ =	task.clear_ibuf [dreg:s6], $0x5FFFF;
	_ =	strace $0x9000004F  }
0xb2: {  	s29 =	simm.s32 $0x9;
	_ =	strace $0x80000051  }
0xb3: {  	_ =	swait.ge [sflag:s29], $0x1  }
0xb4: {  	[sflag:s29] =	ssyncadd.s32 $0xFFFFFFFF  }
0xb5: {  	_ =	strace $0x90000051  }
0xb6: {  	_ =	sfence  }
0xb7: {  	s30 =	sld [smem:$0x0];
	_ =	sdelay $0x2  }
0xb8: {  	s31 =	sshll.u32 s1, $0xD;
	s1 =	sshrl.u32 s1, $0x2  }
0xb9: {  	s3 =	sand.u32 $0x4000, s31;
	s1 =	sadd.s32 s1, s30  }
0xba: {  	s0 =	sor.u32 s3, s0;
	s1 =	sshll.u32 s1, $0x11  }
0xbb: {  	s0 =	sor.u32 s1, s0  }
0xbc: {  	s0 =	sadd.s32 $0x8F2B, s0  }
0xbd: {  	[sflag:s0] =	ssyncadd.remote.s32 $0x1  }
0xbe: {  	_ =	sfence.sel $0xFFFF  }
0xbf: {  	[dreg:$0x0] =	wrdreg $0xFFFFFFFF;
	(pc) =	sbr.abs _section_cstart, $3  }
0xc0: {  	[dreg:$0x1] =	wrdreg $0xFFFFFFFF  }
0xc1: {  	_ =	task.clear_ibuf [dreg:s6], $0x2FFFF;
	_ =	strace $0x9FFFFFFF  }
0xc2: {  	(tm) =	ssettm $0x7FFFFFFF  }
0xc3: {  	_ =	shalt  }
tec
execute0_lowered:
.L_overlay_start_1:
0x0: {  	(tag) =	ssettag $0x1  }
0x1: {  	s0 =	rddreg [dreg:$0x0]  }
0x2: {  	s2 =	rddreg [dreg:$0x1]  }
0x3: {  	s1 =	srdreg.scid;
	s11 =	stileid.u32  }
0x4: {  	s3 =	simm.s32 $0x0;
	s10 =	simm.s32 $0xB;
	s14 =	simm.s32 $0x80  }
0x5: {  	s15 =	simm.s32 $0x5000;
	s16 =	simm.s32 $0x7000;
	s18 =	simm.s32 $0x9000  }
0x6: {  	s19 =	simm.s32 $0x1;
	s21 =	simm.s32 $0xB000;
	s29 =	simm.s32 $0x6  }
0x7: {  	s31 =	simm.s32 $0x4;
	s20 =	simm.s32 $0x5;
	s30 =	simm.s32 $0x9  }
0x8: {  	s17 =	simm.s32 $0x0;
	s1 =	sand.u32 $0x1, s1;
	s4 =	sshll.u32 s11, $0x1  }
0x9: {  	s7 =	smul.u32 $0x13C00, s11;
	[smem:$0x7FF] =	sst s3;
	s23 =	sadd.s32 $0x20C00, s0  }
0xa: {  	s28 =	sshll.u32 s11, $0x6;
	s11 =	simm.s32 $0x2800;
	s4 =	sor.u32 s1, s4  }
0xb: {  	s5 =	smul.u32 $0x13C000, s1;
	_ =	strace $0x80000050;
	s1 =	ssub.s32 $0x2, s1  }
0xc: {  	[dreg:$0x3] =	wrdreg s23;
	s12 =	sor.u32 $0x1C0B, s28;
	s6 =	smul.u32 $0x500, s4  }
0xd: {  	s4 =	sadd.s32 $0x22000, s0;
	s24 =	sshrl.u32 s1, $0x1;
	s9 =	sshrl.u32 s7, $0x1  }
0xe: {  	s5 =	sadd.s32 s7, s5;
	s1 =	ssub.s32 s1, s24;
	s13 =	sadd.s32 s9, s2  }
0xf: {  	s24 =	simm.s32 $0x8;
	s8 =	sadd.s32 s6, s0;
	s22 =	sshrl.u32 s5, $0x4  }
.Ltmp0:
0x10: {  	s9 =	smax.u32 s1, $0x1;
	s13 =	sshrl.u32 s13, $0x3;
	(pc) =	sbr.rel .LBB2_1-.Ltmp0, $4  }
0x11: {  	s1 =	simm.s32 $0x7;
	s0 =	sadd.s32 s22, s0;
	s25 =	sadd.s32 $0x16C00, s8  }
0x12: {  	s26 =	sadd.s32 $0x2600, s8;
	s22 =	simm.s32 $0x2;
	[dreg:$0x4] =	wrdreg s25  }
0x13: {  	[dreg:$0x5] =	wrdreg s26;
	s0 =	sadd.s32 $0x35A00, s0;
	s25 =	simm.s32 $0xD000  }
0x14: {  	s26 =	simm.s32 $0x3;
	[dreg:$0x6] =	wrdreg s0;
	s0 =	simm.s32 $0xA  }
.LBB2_4:
0x15: {  	_ =	swait.ge [sflag:s30], $0x2000  }
0x16: {  	[sflag:s30] =	ssyncset.done $0x0  }
0x17: {  	[sflag:s30] =	ssyncadd.s32 $0xFFFFE000  }
0x18: {  	_ =	swait.ge [sflag:s0], $0x2000  }
0x19: {  	[sflag:s0] =	ssyncset.done $0x0  }
0x1a: {  	s17 =	sadd.s32 $0x1, s17;
	[sflag:s0] =	ssyncadd.s32 $0xFFFFE000  }
0x1b: {  	p0 =	sne.s32 s17, s9;
	[bflag:$0x0] =	sbarrier.arrive $0xFFFF  }
.Ltmp1:
0x1c: {  	s5 =	rddreg [dreg:$0x6];
	(pc) =	sbr.rel @!p0 .LBB2_5-.Ltmp1, $4  }
0x1d: {  	[hbm:s5], [sflag:s12] =	dma.local [spmem:s13], $0x13C0  }
0x1e: {  	_ =	swait.ge [sflag:s10], $0x13C0  }
0x1f: {  	[sflag:s10] =	ssyncset.done $0x0  }
0x20: {  	[sflag:s10] =	ssyncadd.s32 $0xFFFFEC40  }
.LBB2_1:
0x21: {  	s5 =	rddreg [dreg:$0x4]  }
0x22: {  	[tilespmem:s3], [sflag:$0xB] =	stream.linear.gather [hbm4b:s5+s3], $0x2800, $0x38;
	[tilespmem:$0x18E00] =	vst v63  }
0x23: {  	_ =	swait.ge [sflag:s10], $0x2800  }
0x24: {  	[sflag:s10] =	ssyncset.done $0x0  }
0x25: {  	s23 =	rddreg [dreg:$0x5];
	[sflag:s10] =	ssyncadd.s32 $0xFFFFD800  }
0x26: {  	[tilespmem:s11], [sflag:$0xB] =	stream.linear.gather [hbm4b:s23+s3], $0x2800, $0x38;
	[tilespmem:$0x18E00] =	vst v63  }
0x27: {  	_ =	swait.ge [sflag:s10], $0x2800  }
0x28: {  	[sflag:s10] =	ssyncset.done $0x0  }
0x29: {  	s28 =	rddreg [dreg:$0x3];
	[sflag:s10] =	ssyncadd.s32 $0xFFFFD800  }
0x2a: {  	[spmem:s13], [sflag:s12] =	dma.local [hbm:s28], $0x13C0  }
0x2b: {  	_ =	swait.ge [sflag:s10], $0x13C0  }
0x2c: {  	[sflag:s10] =	ssyncset.done $0x0  }
0x2d: {  	[sflag:s10] =	ssyncadd.s32 $0xFFFFEC40  }
0x2e: {  	[bflag:$0x0] =	sbarrier.arrive $0xFFFF  }
0x2f: {  	[tilespmem:s15], [sflag:$0x1] =	stream.indirect.gather [hbm4b:s4+s14], $0x40, s3, s14, $0xb8;
	[tilespmem:$0x18E00] =	vst v63  }
0x30: {  	_ = 	snop  }
0x31: {  	[tilespmem:s16], [sflag:$0x2] =	stream.indirect.gather [hbm4b:s4+s14], $0x40, s14, s14, $0xb8;
	[tilespmem:$0x18E00] =	vst v63  }
0x32: {  	s6 =	simm.s32 $0x100  }
0x33: {  	[tilespmem:s18], [sflag:$0x3] =	stream.indirect.gather [hbm4b:s4+s14], $0x40, s6, s14, $0xb8;
	[tilespmem:$0x18E00] =	vst v63  }
0x34: {  	_ =	swait.ge [sflag:s19], $0x2000  }
0x35: {  	[sflag:s19] =	ssyncset.done $0x0  }
0x36: {  	[sflag:s19] =	ssyncadd.s32 $0xFFFFE000  }
0x37: {  	[spmem:s2] =	stream.indirect.scatter.add.bf16 [tilespmem:s15], [sflag:$0x6], $0x40, s11, s14, $0xb8;
	[tilespmem:$0x18E00] =	vst v63  }
0x38: {  	s7 =	simm.s32 $0x180  }
0x39: {  	[tilespmem:s21], [sflag:$0x4] =	stream.indirect.gather [hbm4b:s4+s14], $0x40, s7, s14, $0xb8;
	[tilespmem:$0x18E00] =	vst v63  }
0x3a: {  	_ =	swait.ge [sflag:s22], $0x2000  }
0x3b: {  	[sflag:s22] =	ssyncset.done $0x0  }
0x3c: {  	s8 =	simm.s32 $0x2880;
	[sflag:s22] =	ssyncadd.s32 $0xFFFFE000  }
0x3d: {  	[spmem:s2] =	stream.indirect.scatter.add.bf16 [tilespmem:s16], [sflag:$0x7], $0x40, s8, s14, $0xb8;
	[tilespmem:$0x18E00] =	vst v63  }
0x3e: {  	s23 =	simm.s32 $0x200  }
0x3f: {  	[tilespmem:s25], [sflag:$0x5] =	stream.indirect.gather [hbm4b:s4+s14], $0x40, s23, s14, $0xb8;
	[tilespmem:$0x18E00] =	vst v63  }
0x40: {  	_ =	swait.ge [sflag:s26], $0x2000  }
0x41: {  	[sflag:s26] =	ssyncset.done $0x0  }
0x42: {  	s28 =	simm.s32 $0x2900;
	[sflag:s26] =	ssyncadd.s32 $0xFFFFE000  }
0x43: {  	[spmem:s2] =	stream.indirect.scatter.add.bf16 [tilespmem:s18], [sflag:$0x8], $0x40, s28, s14, $0xb8;
	[tilespmem:$0x18E00] =	vst v63  }
0x44: {  	_ =	swait.ge [sflag:s29], $0x2000  }
0x45: {  	[sflag:s29] =	ssyncset.done $0x0  }
0x46: {  	s6 =	simm.s32 $0x280;
	[sflag:s29] =	ssyncadd.s32 $0xFFFFE000  }
0x47: {  	[tilespmem:s15], [sflag:$0x1] =	stream.indirect.gather [hbm4b:s4+s14], $0x40, s6, s14, $0xb8;
	[tilespmem:$0x18E00] =	vst v63  }
0x48: {  	_ =	swait.ge [sflag:s31], $0x2000  }
0x49: {  	[sflag:s31] =	ssyncset.done $0x0  }
0x4a: {  	s7 =	simm.s32 $0x2980;
	[sflag:s31] =	ssyncadd.s32 $0xFFFFE000  }
0x4b: {  	[spmem:s2] =	stream.indirect.scatter.add.bf16 [tilespmem:s21], [sflag:$0x9], $0x40, s7, s14, $0xb8;
	[tilespmem:$0x18E00] =	vst v63  }
0x4c: {  	_ =	swait.ge [sflag:s1], $0x2000  }
0x4d: {  	[sflag:s1] =	ssyncset.done $0x0  }
0x4e: {  	s8 =	simm.s32 $0x300;
	[sflag:s1] =	ssyncadd.s32 $0xFFFFE000  }
0x4f: {  	[tilespmem:s16], [sflag:$0x2] =	stream.indirect.gather [hbm4b:s4+s14], $0x40, s8, s14, $0xb8;
	[tilespmem:$0x18E00] =	vst v63  }
0x50: {  	_ =	swait.ge [sflag:s20], $0x2000  }
0x51: {  	[sflag:s20] =	ssyncset.done $0x0  }
0x52: {  	s23 =	simm.s32 $0x2A00;
	[sflag:s20] =	ssyncadd.s32 $0xFFFFE000  }
0x53: {  	[spmem:s2] =	stream.indirect.scatter.add.bf16 [tilespmem:s25], [sflag:$0xA], $0x40, s23, s14, $0xb8;
	[tilespmem:$0x18E00] =	vst v63  }
0x54: {  	_ =	swait.ge [sflag:s24], $0x2000  }
0x55: {  	[sflag:s24] =	ssyncset.done $0x0  }
0x56: {  	s28 =	simm.s32 $0x380;
	s23 =	simm.s32 $0x0;
	[sflag:s24] =	ssyncadd.s32 $0xFFFFE000  }
0x57: {  	[tilespmem:s18], [sflag:$0x3] =	stream.indirect.gather [hbm4b:s4+s14], $0x40, s28, s14, $0xb8;
	[tilespmem:$0x18E00] =	vst v63  }
.LBB2_2:
0x58: {  	_ =	swait.ge [sflag:s19], $0x2000  }
0x59: {  	s28 =	sshra.s32 s23, $0x2;
	[sflag:s19] =	ssyncset.done $0x0  }
0x5a: {  	s5 =	sadd.s32 $0x2A80, s28;
	[sflag:s19] =	ssyncadd.s32 $0xFFFFE000  }
0x5b: {  	[spmem:s2] =	stream.indirect.scatter.add.bf16 [tilespmem:s15], [sflag:$0x6], $0x40, s5, s14, $0xb8;
	[tilespmem:$0x18E00] =	vst v63  }
0x5c: {  	_ =	swait.ge [sflag:s30], $0x2000  }
0x5d: {  	[sflag:s30] =	ssyncset.done $0x0  }
0x5e: {  	s7 =	sadd.s32 $0x400, s28;
	[sflag:s30] =	ssyncadd.s32 $0xFFFFE000  }
0x5f: {  	[tilespmem:s21], [sflag:$0x4] =	stream.indirect.gather [hbm4b:s4+s14], $0x40, s7, s14, $0xb8;
	[tilespmem:$0x18E00] =	vst v63  }
0x60: {  	_ =	swait.ge [sflag:s22], $0x2000  }
0x61: {  	[sflag:s22] =	ssyncset.done $0x0  }
0x62: {  	s8 =	sadd.s32 $0x2B00, s28;
	[sflag:s22] =	ssyncadd.s32 $0xFFFFE000  }
0x63: {  	[spmem:s2] =	stream.indirect.scatter.add.bf16 [tilespmem:s16], [sflag:$0x7], $0x40, s8, s14, $0xb8;
	[tilespmem:$0x18E00] =	vst v63  }
0x64: {  	_ =	swait.ge [sflag:s0], $0x2000  }
0x65: {  	[sflag:s0] =	ssyncset.done $0x0  }
0x66: {  	s6 =	sadd.s32 $0x480, s28;
	[sflag:s0] =	ssyncadd.s32 $0xFFFFE000  }
0x67: {  	[tilespmem:s25], [sflag:$0x5] =	stream.indirect.gather [hbm4b:s4+s14], $0x40, s6, s14, $0xb8;
	[tilespmem:$0x18E00] =	vst v63  }
0x68: {  	_ =	swait.ge [sflag:s26], $0x2000  }
0x69: {  	[sflag:s26] =	ssyncset.done $0x0  }
0x6a: {  	s7 =	sadd.s32 $0x2B80, s28;
	[sflag:s26] =	ssyncadd.s32 $0xFFFFE000  }
0x6b: {  	[spmem:s2] =	stream.indirect.scatter.add.bf16 [tilespmem:s18], [sflag:$0x8], $0x40, s7, s14, $0xb8;
	[tilespmem:$0x18E00] =	vst v63  }
0x6c: {  	_ =	swait.ge [sflag:s29], $0x2000  }
0x6d: {  	p0 =	seq.s32 s23, $0x8C00;
	[sflag:s29] =	ssyncset.done $0x0  }
0x6e: {  	s5 =	simm.s32 @p0 $0x4;
	[sflag:s29] =	ssyncadd.s32 $0xFFFFE000  }
0x6f: {  	_ =	swait.ge @p0 [sflag:s5], $0x2000  }
0x70: {  	[sflag:s5] =	ssyncset.done @p0 $0x0  }
0x71: {  	[sflag:s5] =	ssyncadd.s32 @p0 $0xFFFFE000;
	s5 =	sshra.s32 @p0 s23, $0x2  }
0x72: {  	s6 =	simm.s32 @p0 $0x80;
	s7 =	simm.s32 @p0 $0xB000;
	s5 =	sadd.s32 @p0 $0x2C00, s5  }
0x73: {  	[spmem:s2] =	stream.indirect.scatter.add.bf16 @p0 [tilespmem:s7], [sflag:$0x9], $0x40, s5, s6, $0xb8;
	[tilespmem:$0x18E00] =	vst v63  }
0x74: {  	s5 =	simm.s32 @p0 $0x7  }
0x75: {  	_ =	swait.ge @p0 [sflag:s5], $0x2000  }
0x76: {  	[sflag:s5] =	ssyncset.done @p0 $0x0  }
0x77: {  	[sflag:s5] =	ssyncadd.s32 @p0 $0xFFFFE000;
	s5 =	sshra.s32 @!p0 s23, $0x2  }
0x78: {  	s8 =	simm.s32 @!p0 $0x5000;
	s7 =	simm.s32 @!p0 $0x80;
	s6 =	sadd.s32 @!p0 $0x500, s5  }
0x79: {  	[tilespmem:s8], [sflag:$0x1] =	stream.indirect.gather @!p0 [hbm4b:s4+s7], $0x40, s6, s7, $0xb8;
	[tilespmem:$0x18E00] =	vst v63  }
0x7a: {  	s6 =	simm.s32 @!p0 $0x4  }
0x7b: {  	_ =	swait.ge @!p0 [sflag:s6], $0x2000  }
0x7c: {  	[sflag:s6] =	ssyncset.done @!p0 $0x0  }
0x7d: {  	s8 =	simm.s32 @!p0 $0xB000;
	[sflag:s6] =	ssyncadd.s32 @!p0 $0xFFFFE000;
	s6 =	sadd.s32 @!p0 $0x2C00, s5  }
0x7e: {  	[spmem:s2] =	stream.indirect.scatter.add.bf16 @!p0 [tilespmem:s8], [sflag:$0x9], $0x40, s6, s7, $0xb8;
	[tilespmem:$0x18E00] =	vst v63  }
0x7f: {  	s6 =	simm.s32 @!p0 $0x7  }
0x80: {  	_ =	swait.ge @!p0 [sflag:s6], $0x2000  }
0x81: {  	[sflag:s6] =	ssyncset.done @!p0 $0x0  }
0x82: {  	s5 =	sadd.s32 @!p0 $0x580, s5;
	[sflag:s6] =	ssyncadd.s32 @!p0 $0xFFFFE000;
	s6 =	simm.s32 @!p0 $0x7000  }
0x83: {  	[tilespmem:s6], [sflag:$0x2] =	stream.indirect.gather @!p0 [hbm4b:s4+s7], $0x40, s5, s7, $0xb8;
	[tilespmem:$0x18E00] =	vst v63  }
0x84: {  	_ =	swait.ge [sflag:s20], $0x2000  }
0x85: {  	[sflag:s20] =	ssyncset.done $0x0  }
.Ltmp2:
0x86: {  	s8 =	sadd.s32 $0x2C80, s28;
	[sflag:s20] =	ssyncadd.s32 $0xFFFFE000;
	(pc) =	sbr.rel @p0 .LBB2_4-.Ltmp2, $4  }
0x87: {  	[spmem:s2] =	stream.indirect.scatter.add.bf16 [tilespmem:s25], [sflag:$0xA], $0x40, s8, s14, $0xb8;
	[tilespmem:$0x18E00] =	vst v63  }
0x88: {  	_ =	swait.ge [sflag:s24], $0x2000  }
0x89: {  	[sflag:s24] =	ssyncset.done $0x0  }
0x8a: {  	[sflag:s24] =	ssyncadd.s32 $0xFFFFE000  }
.Ltmp3:
0x8b: {  	(pc) =	sbr.rel .LBB2_2-.Ltmp3, $3  }
0x8c: {  	_ =	sdelay $0x1  }
0x8d: {  	s5 =	sadd.s32 $0x600, s28;
	s23 =	sadd.s32 $0xA00, s23  }
0x8e: {  	[tilespmem:s18], [sflag:$0x3] =	stream.indirect.gather [hbm4b:s4+s14], $0x40, s5, s14, $0xb8;
	[tilespmem:$0x18E00] =	vst v63  }
.LBB2_5:
0x8f: {  	_ =	sfence.sel $0x180000  }
0x90: {  	[bflag:$0x0] =	sbarrier.arrive $0xFFFF  }
0x91: {  	_ =	strace $0x90000050  }
0x92: {  	s0 =	stileid.u32;
	[bflag:$0x2] =	sbarrier.arrive $0xFFFF  }
0x93: {  	p0 =	sne.s32 s0, $0x0;
	s0 =	rddreg [dreg:$0x2]  }
0x94: {  	s0 =	sadd.s32 @!p0 $0x100000, s0  }
0x95: {  	[sflag:s0] =	ssyncadd.tile.s32 @!p0 $0x1;
	_ =	shalt  }
.Lfunc_end2:
_tile_overlayer_lowered:
.L_overlay_start_2:
0x96: {  	(tag) =	ssettag $0x2  }
0x97: {  	s0 =	rddreg [dreg:$0x0];
	s2 =	stileid.u32  }
0x98: {  	s1 =	rddreg [dreg:$0x1];
	p0 =	sne.s32 s2, $0x0  }
0x99: {  	s3 =	rddreg [dreg:$0x2];
	[bflag:$0x3] =	sbarrier.arrive $0xFFFF;
	s2 =	simm.s32 @!p0 $0x1C0B  }
0x9a: {  	[timem:s3], [sflag:s2] =	dma.local @!p0 [hbm:s0], s1  }
0x9b: {  	s0 =	simm.s32 @!p0 $0xB  }
0x9c: {  	_ =	swait.ge @!p0 [sflag:s0], s1  }
0x9d: {  	s1 =	ssub.s32 @!p0 $0x0, s1;
	[sflag:s0] =	ssyncset.done @!p0 $0x0  }
0x9e: {  	[sflag:s0] =	ssyncadd.s32 @!p0 s1  }
0x9f: {  	[bflag:$0x3] =	sbarrier.arrive $0xFFFF  }
0xa0: {  	_ =	shalt  }

</sc_bundles>
